<compile_context>
chip_gen: v7x
topology: tpu7x:2x2x1
jax: 0.10.2.dev20260603
libtpu: 0.0.44.dev20260713+nightly
codegen_flags: <defaults>
</compile_context>

<pallas_src>
import functools

import jax
import jax.numpy as jnp
from jax import lax
from jax.experimental import pallas as pl
from jax.experimental.pallas import tpu as pltpu
from jax.experimental.pallas import tpu_sc as plsc


def _dist_gather_sc(ctsd_flat, ct_flat, B):
    NW, LANES = 32, 16
    CH = B // NW
    mesh = plsc.VectorSubcoreMesh(core_axis_name="c", subcore_axis_name="s")

    @functools.partial(
        pl.kernel, mesh=mesh,
        out_type=[jax.ShapeDtypeStruct((B,), jnp.float32),
                  jax.ShapeDtypeStruct((B,), jnp.float32)],
        scratch_types=[pltpu.VMEM((CH,), jnp.int32),
                       pltpu.VMEM((CH,), jnp.int32),
                       pltpu.VMEM((CH,), jnp.int32),
                       pltpu.VMEM((CH,), jnp.float32),
                       pltpu.VMEM((CH,), jnp.float32),
                       pltpu.SemaphoreType.DMA,
                       pltpu.SemaphoreType.DMA],
    )
    def gather_kernel(ctsd_hbm, ct_hbm, g_out, s0_out,
                      ct_v, i0_v, ig_v, g_v, s0_v, sem1, sem2):
        wid = lax.axis_index("s") * 2 + lax.axis_index("c")
        base = wid * CH
        pltpu.sync_copy(ct_hbm.at[pl.ds(base, CH)], ct_v)

        def jbody(j, carry):
            pid16 = lax.broadcasted_iota(jnp.int32, (LANES,), 0) \
                + (base + j * LANES)
            i0 = pid16 * 81
            i0_v[pl.ds(j * LANES, LANES)] = i0
            ig_v[pl.ds(j * LANES, LANES)] = i0 + ct_v[pl.ds(j * LANES, LANES)]
            return carry

        lax.fori_loop(0, CH // LANES, jbody, 0)
        pltpu.async_copy(ctsd_hbm.at[ig_v], g_v, sem1).wait()
        pltpu.async_copy(ctsd_hbm.at[i0_v], s0_v, sem2).wait()
        pltpu.sync_copy(g_v, g_out.at[pl.ds(base, CH)])
        pltpu.sync_copy(s0_v, s0_out.at[pl.ds(base, CH)])

    return gather_kernel(ctsd_flat, ct_flat)


def _match_body(t_ref, pr_ref, loc_ref, bin_ref,
                conf_ref, posf_ref, cebin_ref, lossl_ref, npos_ref,
                *, T, R, P):
    px = pr_ref[0]
    py = pr_ref[1]
    pw = pr_ref[2]
    ph = pr_ref[3]
    pxmin = px - pw * 0.5
    pymin = py - ph * 0.5
    pxmax = px + pw * 0.5
    pymax = py + ph * 0.5
    parea = pw * ph
    pid = (lax.broadcasted_iota(jnp.int32, (R, 128), 0) * 128
           + lax.broadcasted_iota(jnp.int32, (R, 128), 1))

    best_ov = jnp.full((R, 128), -1.0, dtype=jnp.float32)
    best_idx = jnp.zeros((R, 128), dtype=jnp.int32)
    xs1, ys1, xs2, ys2, labs, bps = [], [], [], [], [], []
    for t in range(T):
        x1 = t_ref[0, t, 0]
        y1 = t_ref[0, t, 1]
        x2 = t_ref[0, t, 2]
        y2 = t_ref[0, t, 3]
        lab = t_ref[0, t, 4]
        xs1.append(x1); ys1.append(y1); xs2.append(x2); ys2.append(y2)
        labs.append(lab)
        iw = jnp.maximum(jnp.minimum(x2, pxmax) - jnp.maximum(x1, pxmin), 0.0)
        ih = jnp.maximum(jnp.minimum(y2, pymax) - jnp.maximum(y1, pymin), 0.0)
        inter = iw * ih
        at = (x2 - x1) * (y2 - y1)
        ov = inter / (at + parea - inter)
        upd = ov > best_ov
        best_idx = jnp.where(upd, t, best_idx)
        best_ov = jnp.where(upd, ov, best_ov)
        m = jnp.max(ov)
        bps.append(jnp.min(jnp.where(ov == m, pid, P)))
    force_t = jnp.full((R, 128), -1, dtype=jnp.int32)
    for t in range(T):
        force_t = jnp.where(pid == bps[t], t, force_t)
    forced = force_t >= 0
    best_ov = jnp.where(forced, 2.0, best_ov)
    best_idx = jnp.where(forced, force_t, best_idx)
    conf_i = jnp.zeros((R, 128), dtype=jnp.int32)
    mx1 = jnp.zeros((R, 128), dtype=jnp.float32)
    my1 = jnp.zeros((R, 128), dtype=jnp.float32)
    mx2 = jnp.zeros((R, 128), dtype=jnp.float32)
    my2 = jnp.zeros((R, 128), dtype=jnp.float32)
    for t in range(T):
        sel = best_idx == t
        conf_i = jnp.where(sel, labs[t].astype(jnp.int32) + 1, conf_i)
        mx1 = jnp.where(sel, xs1[t], mx1)
        my1 = jnp.where(sel, ys1[t], my1)
        mx2 = jnp.where(sel, xs2[t], mx2)
        my2 = jnp.where(sel, ys2[t], my2)
    conf_i = jnp.where(best_ov < 0.5, 0, conf_i)
    pos = conf_i > 0
    posf = pos.astype(jnp.float32)
    conf_ref[0] = conf_i
    posf_ref[0] = posf
    npos_ref[0] = jnp.sum(posf).reshape(1, 1)

    g1 = ((mx1 + mx2) * 0.5 - px) / (0.1 * pw)
    g2 = ((my1 + my2) * 0.5 - py) / (0.1 * ph)
    g3 = jnp.log((mx2 - mx1) / pw) / 0.2
    g4 = jnp.log((my2 - my1) / ph) / 0.2
    acc = jnp.float32(0.0)
    for c, g in enumerate((g1, g2, g3, g4)):
        d = loc_ref[0, c] - g
        ad = jnp.abs(d)
        sl = jnp.where(ad < 1.0, 0.5 * d * d, ad - 0.5)
        acc = acc + jnp.sum(jnp.where(pos, sl, 0.0))
    lossl_ref[0] = acc.reshape(1, 1)

    b0 = bin_ref[0, 0]
    b1 = bin_ref[0, 1]
    m2 = jnp.maximum(b0, b1)
    lse = m2 + jnp.log(jnp.exp(b0 - m2) + jnp.exp(b1 - m2))
    cebin_ref[0] = lse - jnp.where(pos, b1, b0)


def _conf_body(x_ref, ct_ref, cec_ref, *, BP, C):
    x = x_ref[0]
    ct = ct_ref[0, 0]
    m = jnp.max(x, axis=1, keepdims=True)
    e = jnp.exp(x - m)
    lse = m + jnp.log(jnp.sum(e, axis=1, keepdims=True))
    cio = lax.broadcasted_iota(jnp.int32, (1, C), 1)
    oh = cio == ct
    tgt = jnp.sum(jnp.where(oh, x, 0.0), axis=1, keepdims=True)
    cec_ref[0, 0] = lse - tgt


def _mine_body(cb_ref, cc_ref, pf_ref, s0_ref, gath_ref, np_ref,
               nb_ref, nm_ref, lb_ref, lc_ref, nd_ref, pd_ref,
               *, N_IMG, R, P):
    posf = pf_ref[...]
    pos = posf > 0.5
    npos = np_ref[...]
    k = jnp.minimum(npos * 3.0, jnp.float32(P - 1)).astype(jnp.int32)
    ceb = cb_ref[...]
    cec = cc_ref[...]

    ir = lax.broadcasted_iota(jnp.int32, (R, R), 0)
    jr = lax.broadcasted_iota(jnp.int32, (R, R), 1)
    UsR = (ir < jr).astype(jnp.float32)
    ia = lax.broadcasted_iota(jnp.int32, (128, 128), 0)
    ja = lax.broadcasted_iota(jnp.int32, (128, 128), 1)
    Us = (ia < ja).astype(jnp.float32)

    def per_image_sum(x):
        return jnp.sum(jnp.sum(x, axis=2), axis=1, keepdims=True)[:, :, None]

    def mine(ce):
        loss = jnp.maximum(jnp.where(pos, 0.0, ce), 0.0)
        keys = lax.bitcast_convert_type(loss, jnp.int32)

        def body(_, carry):
            lo, hi = carry
            d = hi - lo
            mid = lo + (d >> 1) + (d & 1)
            cnt = per_image_sum((keys >= mid).astype(jnp.int32))
            pred = cnt >= k
            return (jnp.where(pred, mid, lo), jnp.where(pred, hi, mid - 1))

        lo0 = jnp.zeros((N_IMG, 1, 1), jnp.int32)
        hi0 = jnp.full((N_IMG, 1, 1), 2**31 - 1, jnp.int32)
        lo, _ = lax.fori_loop(0, 31, body, (lo0, hi0))
        gt = keys > lo
        cgt = per_image_sum(gt.astype(jnp.int32))
        eq = keys == lo
        eqf = eq.astype(jnp.float32)
        rows = jnp.sum(eqf, axis=2)
        row_off = jnp.dot(rows, UsR, preferred_element_type=jnp.float32)
        lane_cum = lax.dot_general(eqf, Us, (((2,), (0,)), ((), ())),
                                   preferred_element_type=jnp.float32)
        cum = row_off[:, :, None] + lane_cum
        extra = (k - cgt).astype(jnp.float32)
        return gt | (eq & (cum < extra))

    negb = mine(ceb)
    negm = mine(cec)
    nb_ref[...] = negb.astype(jnp.float32)
    nm_ref[...] = negm.astype(jnp.float32)
    lb_ref[...] = per_image_sum(jnp.where(pos | negb, ceb, 0.0))
    lc_ref[...] = per_image_sum(jnp.where(pos | negm, cec, 0.0))
    nd_ref[...] = per_image_sum(jnp.where(negm, s0_ref[...], 0.0))
    pd_ref[...] = per_image_sum(jnp.where(pos, gath_ref[...], 0.0))


def kernel(loc_data, conf_data, bin_conf_data, priors, targets,
           conf_target_stand_dist):
    import functools
    N_IMG, P, C = conf_data.shape
    T = targets.shape[1]
    R = P // 128
    BP = min(4096, P)
    NB = P // BP

    pr_t = priors.T.reshape(4, R, 128)
    loc_t = loc_data.transpose(0, 2, 1).reshape(N_IMG, 4, R, 128)
    bin_t = bin_conf_data.transpose(0, 2, 1).reshape(N_IMG, 2, R, 128)

    f32 = jnp.float32
    conf_i, posf, cebin, lossl, nposs = pl.pallas_call(
        functools.partial(_match_body, T=T, R=R, P=P),
        grid=(N_IMG,),
        in_specs=[
            pl.BlockSpec((1, T, 5), lambda i: (i, 0, 0),
                         memory_space=pltpu.SMEM),
            pl.BlockSpec((4, R, 128), lambda i: (0, 0, 0)),
            pl.BlockSpec((1, 4, R, 128), lambda i: (i, 0, 0, 0)),
            pl.BlockSpec((1, 2, R, 128), lambda i: (i, 0, 0, 0)),
        ],
        out_specs=[
            pl.BlockSpec((1, R, 128), lambda i: (i, 0, 0)),
            pl.BlockSpec((1, R, 128), lambda i: (i, 0, 0)),
            pl.BlockSpec((1, R, 128), lambda i: (i, 0, 0)),
            pl.BlockSpec((1, 1, 1), lambda i: (i, 0, 0)),
            pl.BlockSpec((1, 1, 1), lambda i: (i, 0, 0)),
        ],
        out_shape=[
            jax.ShapeDtypeStruct((N_IMG, R, 128), jnp.int32),
            jax.ShapeDtypeStruct((N_IMG, R, 128), f32),
            jax.ShapeDtypeStruct((N_IMG, R, 128), f32),
            jax.ShapeDtypeStruct((N_IMG, 1, 1), f32),
            jax.ShapeDtypeStruct((N_IMG, 1, 1), f32),
        ],
    )(targets, pr_t, loc_t, bin_t)

    ct4 = conf_i.reshape(N_IMG, NB, BP, 1)
    gath_flat, s0_flat = _dist_gather_sc(
        conf_target_stand_dist.reshape(-1), conf_i.reshape(-1), N_IMG * P)

    cec4 = pl.pallas_call(
        functools.partial(_conf_body, BP=BP, C=C),
        grid=(N_IMG, NB),
        in_specs=[
            pl.BlockSpec((1, BP, C), lambda n, j: (n, j, 0)),
            pl.BlockSpec((1, 1, BP, 1), lambda n, j: (n, j, 0, 0)),
        ],
        out_specs=pl.BlockSpec((1, 1, BP, 1), lambda n, j: (n, j, 0, 0)),
        out_shape=jax.ShapeDtypeStruct((N_IMG, NB, BP, 1), f32),
    )(conf_data, ct4)

    cec = cec4.reshape(N_IMG, R, 128)
    s0 = s0_flat.reshape(N_IMG, R, 128)
    gath = gath_flat.reshape(N_IMG, R, 128)

    nbf, nmf, lb, lc, nd, pd = pl.pallas_call(
        functools.partial(_mine_body, N_IMG=N_IMG, R=R, P=P),
        out_shape=[
            jax.ShapeDtypeStruct((N_IMG, R, 128), f32),
            jax.ShapeDtypeStruct((N_IMG, R, 128), f32),
            jax.ShapeDtypeStruct((N_IMG, 1, 1), f32),
            jax.ShapeDtypeStruct((N_IMG, 1, 1), f32),
            jax.ShapeDtypeStruct((N_IMG, 1, 1), f32),
            jax.ShapeDtypeStruct((N_IMG, 1, 1), f32),
        ],
    )(cebin, cec, posf, s0, gath, nposs)

    N = jnp.maximum(jnp.sum(nposs), 1.0)
    loss_l = jnp.sum(lossl) / N
    loss_c = jnp.sum(lc) / N
    loss_bin = jnp.sum(lb) / N
    dist_loss = (-jnp.sum(pd) + 0.2 * jnp.sum(nd)) / N
    pos_out = posf.reshape(N_IMG, P) > 0.5
    negb_out = nbf.reshape(N_IMG, P) > 0.5
    negm_out = nmf.reshape(N_IMG, P) > 0.5
    return (loss_l, loss_c, loss_bin, dist_loss, pos_out, negb_out, negm_out)

# --- scband reference (transcript-rebuilt; emitter-appended) ---
"""Pipeline reference for scband-multi-box-loss-tf-target-35622458753142 (READ-ONLY COPY).

The authoritative reference and input builder live on the scoring server;
editing this copy changes nothing except your own understanding.
"""

import jax, jax.numpy as jnp
import numpy as np

NUM_CLASSES = 81
NUM = 16
NUM_PRIORS = 32768
NUM_OBJS = 32
THRESHOLD = 0.5
NEGPOS_RATIO = 3
VARIANCES = (0.1, 0.2)


def point_form(boxes):
    return jnp.concatenate([boxes[:, :2] - boxes[:, 2:] / 2.0,
                            boxes[:, :2] + boxes[:, 2:] / 2.0], axis=1)


def intersect(box_a, box_b):
    max_xy = jnp.minimum(box_a[:, None, 2:], box_b[None, :, 2:])
    min_xy = jnp.maximum(box_a[:, None, :2], box_b[None, :, :2])
    inter = jnp.maximum(max_xy - min_xy, 0.0)
    return inter[..., 0] * inter[..., 1]


def jaccard(box_a, box_b):
    inter = intersect(box_a, box_b)
    area_a = ((box_a[:, 2] - box_a[:, 0]) * (box_a[:, 3] - box_a[:, 1]))[:, None]
    area_b = ((box_b[:, 2] - box_b[:, 0]) * (box_b[:, 3] - box_b[:, 1]))[None, :]
    union = area_a + area_b - inter
    return inter / union


def encode(matched, priors, variances):
    g_cxcy = (matched[:, :2] + matched[:, 2:]) / 2.0 - priors[:, :2]
    g_cxcy = g_cxcy / (variances[0] * priors[:, 2:])
    g_wh = (matched[:, 2:] - matched[:, :2]) / priors[:, 2:]
    g_wh = jnp.log(g_wh) / variances[1]
    return jnp.concatenate([g_cxcy, g_wh], axis=1)


def match_3_terms(threshold, truths, priors, variances, labels):
    overlaps = jaccard(truths, point_form(priors))  # [T, P]
    best_prior_idx = jnp.argmax(overlaps, axis=1)   # [T]
    best_truth_overlap = jnp.max(overlaps, axis=0)  # [P]
    best_truth_idx = jnp.argmax(overlaps, axis=0)   # [P]
    best_truth_overlap = best_truth_overlap.at[best_prior_idx].set(2.0)
    best_truth_idx = best_truth_idx.at[best_prior_idx].set(jnp.arange(truths.shape[0]))
    matches = truths[best_truth_idx]
    conf = labels[best_truth_idx].astype(jnp.int32) + 1
    conf = jnp.where(best_truth_overlap < threshold, 0, conf)
    bin_conf = (conf > 0).astype(jnp.int32)
    loc = encode(matches, priors, variances)
    return loc, conf, bin_conf


def hard_negative_mine(loss_per_prior, pos, negpos_ratio):
    # torch: loss[pos] = 0; sort descending; idx_rank < num_neg
    loss = jnp.where(pos, 0.0, loss_per_prior)
    loss_idx = jnp.argsort(-loss, axis=1)
    idx_rank = jnp.argsort(loss_idx, axis=1)
    num_pos = jnp.sum(pos.astype(jnp.int32), axis=1, keepdims=True)
    num_neg = jnp.minimum(negpos_ratio * num_pos, pos.shape[1] - 1)
    return idx_rank < num_neg


def _forward(loc_data, conf_data, bin_conf_data, priors, targets, conf_target_stand_dist):
    num = loc_data.shape[0]
    num_classes = NUM_CLASSES
    loc_t_list, conf_t_list, bin_t_list = [], [], []
    for idx in range(num):
        truths = jax.lax.stop_gradient(targets[idx][:, :-1])
        labels = jax.lax.stop_gradient(targets[idx][:, -1])
        loc, conf, binc = match_3_terms(THRESHOLD, truths, jax.lax.stop_gradient(priors), VARIANCES, labels)
        loc_t_list.append(loc)
        conf_t_list.append(conf)
        bin_t_list.append(binc)
    loc_t = jax.lax.stop_gradient(jnp.stack(loc_t_list))      # [num, P, 4]
    conf_t = jnp.stack(conf_t_list)                            # [num, P]
    bin_conf_t = jnp.stack(bin_t_list)                         # [num, P]
    pos = bin_conf_t > 0
    conf_t = jnp.where(conf_t < 0, 0, conf_t)

    # localization loss: smooth L1 summed over positive priors
    diff = loc_data - loc_t
    ad = jnp.abs(diff)
    sl1 = jnp.where(ad < 1.0, 0.5 * diff * diff, ad - 0.5)
    loss_l = jnp.sum(jnp.where(pos[:, :, None], sl1, 0.0))

    # binary conf: rank by CE with positives zeroed, mine 3:1 negatives
    lse_bin = jax.nn.logsumexp(bin_conf_data, axis=2)
    tgt_bin = jnp.take_along_axis(bin_conf_data, bin_conf_t[:, :, None], axis=2)[:, :, 0]
    ce_bin = lse_bin - tgt_bin
    neg_binary = hard_negative_mine(ce_bin, pos, NEGPOS_RATIO)
    sel_bin = jnp.logical_or(pos, neg_binary)
    loss_bin = jnp.sum(jnp.where(sel_bin, ce_bin, 0.0))

    # multiclass conf hard negative mining
    lse_c = jax.nn.logsumexp(conf_data, axis=2)
    tgt_c = jnp.take_along_axis(conf_data, conf_t[:, :, None], axis=2)[:, :, 0]
    ce_c = lse_c - tgt_c
    neg_multi = hard_negative_mine(ce_c, pos, NEGPOS_RATIO)
    sel_c = jnp.logical_or(pos, neg_multi)
    loss_c = jnp.sum(jnp.where(sel_c, ce_c, 0.0))

    # distribution loss over standardized target distribution
    conf_t_flat = conf_t.reshape(-1)
    ctsd_flat = conf_target_stand_dist.reshape(-1, num_classes)
    gathered = jnp.take_along_axis(ctsd_flat, conf_t_flat[:, None], axis=1)[:, 0]
    pos_dist_sum = jnp.sum(jnp.where(conf_t_flat != 0, gathered, 0.0))
    neg_flat = neg_multi.reshape(-1)
    neg_dist_sum = jnp.sum(jnp.where(neg_flat, ctsd_flat[:, 0], 0.0))
    dist_loss = -pos_dist_sum + (1.0 / 5.0) * neg_dist_sum

    N = jnp.maximum(jnp.sum(pos.astype(jnp.float32)), 1.0)
    return (loss_l / N, loss_c / N, loss_bin / N, dist_loss / N, pos, neg_binary, neg_multi)


def setup_inputs(seed: int = 0):
    key = jax.random.key(seed)
    ks = jax.random.split(key, 8)
    loc_data = jax.random.normal(ks[0], (NUM, NUM_PRIORS, 4), dtype=jnp.float32)
    conf_data = jax.random.normal(ks[1], (NUM, NUM_PRIORS, NUM_CLASSES), dtype=jnp.float32)
    bin_conf_data = jax.random.normal(ks[2], (NUM, NUM_PRIORS, 2), dtype=jnp.float32)
    cxcy_p = jax.random.uniform(ks[3], (NUM_PRIORS, 2), minval=0.0, maxval=1.0)
    wh_p = jax.random.uniform(ks[4], (NUM_PRIORS, 2), minval=0.05, maxval=0.5)
    priors = jnp.concatenate([cxcy_p, wh_p], axis=1).astype(jnp.float32)
    cxcy_t = jax.random.uniform(ks[5], (NUM, NUM_OBJS, 2), minval=0.15, maxval=0.85)
    wh_t = jax.random.uniform(ks[6], (NUM, NUM_OBJS, 2), minval=0.05, maxval=0.25)
    boxes = jnp.concatenate([cxcy_t - wh_t / 2.0, cxcy_t + wh_t / 2.0], axis=-1)
    labels = jax.random.randint(ks[7], (NUM, NUM_OBJS, 1), 0, NUM_CLASSES - 1).astype(jnp.float32)
    targets = jnp.concatenate([boxes, labels], axis=-1).astype(jnp.float32)
    conf_target_stand_dist = jax.random.uniform(jax.random.fold_in(key, 99), (NUM, NUM_PRIORS, NUM_CLASSES), dtype=jnp.float32)
    return {"loc_data": loc_data, "conf_data": conf_data, "bin_conf_data": bin_conf_data,
            "priors": priors, "targets": targets, "conf_target_stand_dist": conf_target_stand_dist}


def reference(loc_data, conf_data, bin_conf_data, priors, targets, conf_target_stand_dist):
    return _forward(loc_data, conf_data, bin_conf_data, priors, targets, conf_target_stand_dist)

if __name__ == "__main__":
    import jax
    _d = setup_inputs()
    print(jax.jit(kernel)(*tuple(_d.values())))

</pallas_src>

<mosaic_0001>
#map = affine_map<(d0, d1) -> (0)>
module attributes {stable_mosaic.version = 14 : i64} {
  func.func @gather_kernel(%arg0: i32, %arg1: i32, %arg2: memref<42467328xf32, #tpu.memory_space<hbm>>, %arg3: memref<524288xi32, #tpu.memory_space<hbm>>, %arg4: memref<524288xf32, #tpu.memory_space<hbm>>, %arg5: memref<524288xf32, #tpu.memory_space<hbm>>, %arg6: memref<16384xi32, #tpu.memory_space<vmem>>, %arg7: memref<16384xi32, #tpu.memory_space<vmem>>, %arg8: memref<16384xi32, #tpu.memory_space<vmem>>, %arg9: memref<16384xf32, #tpu.memory_space<vmem>>, %arg10: memref<16384xf32, #tpu.memory_space<vmem>>, %arg11: memref<!tpu.dma_semaphore, #tpu.memory_space<semaphore_mem>>, %arg12: memref<!tpu.dma_semaphore, #tpu.memory_space<semaphore_mem>>) attributes {dimension_semantics = [#tpu.dimension_semantics<core_parallel>, #tpu.dimension_semantics<subcore_parallel>], iteration_bounds = array<i64: 2, 16>, scalar_prefetch = 0 : i64, scratch_operands = 7 : i64, tpu.core_type = #tpu.core_type<sc_vector_subcore>, window_params = [{transform_indices = #map}, {transform_indices = #map}, {transform_indices = #map}, {transform_indices = #map}]} {
    %mul3A = arith.constant 2 : i32
    %mul3A_0 = arith.muli %arg1, %mul3A : i32
    %add3A = arith.addi %mul3A_0, %arg0 : i32
    %mul3A_1 = arith.constant 16384 : i32
    %mul3A_2 = arith.muli %add3A, %mul3A_1 : i32
    "tpu.region"() ({
      %run_scoped3A = tpu.sem_alloc : memref<!tpu.dma_semaphore, #tpu.memory_space<semaphore_mem>>
      %dma_start3A_14 = tpu.memref_slice %arg3[%mul3A_2] : memref<524288xi32, #tpu.memory_space<hbm>> -> memref<16384xi32, #tpu.memory_space<hbm>>
      %dma_start3A_15 = tpu.memref_slice %arg3[%mul3A_2] : memref<524288xi32, #tpu.memory_space<hbm>> -> memref<16384xi32, #tpu.memory_space<hbm>>
      tpu.enqueue_dma source(%dma_start3A_15 : memref<16384xi32, #tpu.memory_space<hbm>>) target(%arg6 : memref<16384xi32, #tpu.memory_space<vmem>>) target_semaphore(%run_scoped3A : memref<!tpu.dma_semaphore, #tpu.memory_space<semaphore_mem>>)
      %dma_wait3A_16 = tpu.memref_slice %arg3[%mul3A_2] : memref<524288xi32, #tpu.memory_space<hbm>> -> memref<16384xi32, #tpu.memory_space<hbm>>
      %dma_wait3A_17 = tpu.memref_slice %arg3[%mul3A_2] : memref<524288xi32, #tpu.memory_space<hbm>> -> memref<16384xi32, #tpu.memory_space<hbm>>
      tpu.wait_dma2 semaphore(%run_scoped3A : memref<!tpu.dma_semaphore, #tpu.memory_space<semaphore_mem>>) src(%dma_wait3A_17 : memref<16384xi32, #tpu.memory_space<hbm>>) dst(%arg6 : memref<16384xi32, #tpu.memory_space<vmem>>)
      tpu.yield
    }) : () -> ()
    %scan3A = arith.constant 0 : i32
    %scan3A_3 = arith.constant 0 : i32
    %scan3A_4 = arith.constant 1024 : i32
    %scan3A_5 = arith.addi %scan3A_3, %scan3A_4 : i32
    %scan3A_6 = arith.constant 1 : i32
    scf.for %scan3A_14 = %scan3A_3 to %scan3A_5 step %scan3A_6  : i32 {
      %iota3A = tpu.iota {dimensions = array<i32: 0>} : vector<16xi32>
      %mul3A_15 = arith.constant 16 : i32
      %mul3A_16 = arith.muli %scan3A_14, %mul3A_15 : i32
      %add3A_17 = arith.addi %mul3A_2, %mul3A_16 : i32
      %add3A_18 = vector.broadcast %add3A_17 : i32 to vector<16xi32>
      %add3A_19 = arith.addi %iota3A, %add3A_18 : vector<16xi32>
      %mul3A_20 = arith.constant 81 : i32
      %mul3A_21 = vector.broadcast %mul3A_20 : i32 to vector<16xi32>
      %mul3A_22 = arith.muli %add3A_19, %mul3A_21 : vector<16xi32>
      %mul3A_23 = arith.constant 16 : i32
      %mul3A_24 = arith.muli %scan3A_14, %mul3A_23 : i32
      %swap3A = arith.index_cast %mul3A_24 : i32 to index
      %swap3A_25 = tpu.vector_load %arg7[%swap3A] {strides = array<i32>} : memref<16384xi32, #tpu.memory_space<vmem>>, vector<16xi32>,
      %swap3A_26 = vector.shape_cast %swap3A_25 : vector<16xi32> to vector<16xi32>
      %swap3A_27 = vector.shape_cast %mul3A_22 : vector<16xi32> to vector<16xi32>
      tpu.vector_store %arg7[%swap3A], %swap3A_27 {strides = array<i32>} : memref<16384xi32, #tpu.memory_space<vmem>>, vector<16xi32>,
      %mul3A_28 = arith.constant 16 : i32
      %mul3A_29 = arith.muli %scan3A_14, %mul3A_28 : i32
      %get3A = arith.index_cast %mul3A_29 : i32 to index
      %get3A_30 = tpu.vector_load %arg6[%get3A] {strides = array<i32>} : memref<16384xi32, #tpu.memory_space<vmem>>, vector<16xi32>,
      %get3A_31 = vector.shape_cast %get3A_30 : vector<16xi32> to vector<16xi32>
      %add3A_32 = arith.addi %mul3A_22, %get3A_31 : vector<16xi32>
      %mul3A_33 = arith.constant 16 : i32
      %mul3A_34 = arith.muli %scan3A_14, %mul3A_33 : i32
      %swap3A_35 = arith.index_cast %mul3A_34 : i32 to index
      %swap3A_36 = tpu.vector_load %arg8[%swap3A_35] {strides = array<i32>} : memref<16384xi32, #tpu.memory_space<vmem>>, vector<16xi32>,
      %swap3A_37 = vector.shape_cast %swap3A_36 : vector<16xi32> to vector<16xi32>
      %swap3A_38 = vector.shape_cast %add3A_32 : vector<16xi32> to vector<16xi32>
      tpu.vector_store %arg8[%swap3A_35], %swap3A_38 {strides = array<i32>} : memref<16384xi32, #tpu.memory_space<vmem>>, vector<16xi32>,
    }
    %scan3A_7 = arith.constant 1024 : i32
    %dma_start3A = arith.constant 0 : i32
    %dma_start3A_8 = tpu.memref_slice %arg2[%dma_start3A] : memref<42467328xf32, #tpu.memory_space<hbm>> -> memref<42467328xf32, #tpu.memory_space<hbm>>
    tpu.enqueue_indirect_dma source(%dma_start3A_8 : memref<42467328xf32, #tpu.memory_space<hbm>>) target(%arg9 : memref<16384xf32, #tpu.memory_space<vmem>>) offsets(%arg8 : memref<16384xi32, #tpu.memory_space<vmem>>) semaphore(%arg11 : memref<!tpu.dma_semaphore, #tpu.memory_space<semaphore_mem>>)
    %dma_wait3A = arith.constant 0 : i32
    %dma_wait3A_9 = tpu.memref_slice %arg2[%dma_wait3A] : memref<42467328xf32, #tpu.memory_space<hbm>> -> memref<42467328xf32, #tpu.memory_space<hbm>>
    tpu.wait_indirect_dma semaphore(%arg11 : memref<!tpu.dma_semaphore, #tpu.memory_space<semaphore_mem>>) src(%dma_wait3A_9 : memref<42467328xf32, #tpu.memory_space<hbm>>) dst(%arg9 : memref<16384xf32, #tpu.memory_space<vmem>>)
    %dma_start3A_10 = arith.constant 0 : i32
    %dma_start3A_11 = tpu.memref_slice %arg2[%dma_start3A_10] : memref<42467328xf32, #tpu.memory_space<hbm>> -> memref<42467328xf32, #tpu.memory_space<hbm>>
    tpu.enqueue_indirect_dma source(%dma_start3A_11 : memref<42467328xf32, #tpu.memory_space<hbm>>) target(%arg10 : memref<16384xf32, #tpu.memory_space<vmem>>) offsets(%arg7 : memref<16384xi32, #tpu.memory_space<vmem>>) semaphore(%arg12 : memref<!tpu.dma_semaphore, #tpu.memory_space<semaphore_mem>>)
    %dma_wait3A_12 = arith.constant 0 : i32
    %dma_wait3A_13 = tpu.memref_slice %arg2[%dma_wait3A_12] : memref<42467328xf32, #tpu.memory_space<hbm>> -> memref<42467328xf32, #tpu.memory_space<hbm>>
    tpu.wait_indirect_dma semaphore(%arg12 : memref<!tpu.dma_semaphore, #tpu.memory_space<semaphore_mem>>) src(%dma_wait3A_13 : memref<42467328xf32, #tpu.memory_space<hbm>>) dst(%arg10 : memref<16384xf32, #tpu.memory_space<vmem>>)
    "tpu.region"() ({
      %run_scoped3A = tpu.sem_alloc : memref<!tpu.dma_semaphore, #tpu.memory_space<semaphore_mem>>
      %dma_start3A_14 = tpu.memref_slice %arg4[%mul3A_2] : memref<524288xf32, #tpu.memory_space<hbm>> -> memref<16384xf32, #tpu.memory_space<hbm>>
      %dma_start3A_15 = tpu.memref_slice %arg4[%mul3A_2] : memref<524288xf32, #tpu.memory_space<hbm>> -> memref<16384xf32, #tpu.memory_space<hbm>>
      tpu.enqueue_dma source(%arg9 : memref<16384xf32, #tpu.memory_space<vmem>>) target(%dma_start3A_15 : memref<16384xf32, #tpu.memory_space<hbm>>) target_semaphore(%run_scoped3A : memref<!tpu.dma_semaphore, #tpu.memory_space<semaphore_mem>>)
      %dma_wait3A_16 = tpu.memref_slice %arg4[%mul3A_2] : memref<524288xf32, #tpu.memory_space<hbm>> -> memref<16384xf32, #tpu.memory_space<hbm>>
      %dma_wait3A_17 = tpu.memref_slice %arg4[%mul3A_2] : memref<524288xf32, #tpu.memory_space<hbm>> -> memref<16384xf32, #tpu.memory_space<hbm>>
      tpu.wait_dma2 semaphore(%run_scoped3A : memref<!tpu.dma_semaphore, #tpu.memory_space<semaphore_mem>>) src(%arg9 : memref<16384xf32, #tpu.memory_space<vmem>>) dst(%dma_wait3A_17 : memref<16384xf32, #tpu.memory_space<hbm>>)
      tpu.yield
    }) : () -> ()
    "tpu.region"() ({
      %run_scoped3A = tpu.sem_alloc : memref<!tpu.dma_semaphore, #tpu.memory_space<semaphore_mem>>
      %dma_start3A_14 = tpu.memref_slice %arg5[%mul3A_2] : memref<524288xf32, #tpu.memory_space<hbm>> -> memref<16384xf32, #tpu.memory_space<hbm>>
      %dma_start3A_15 = tpu.memref_slice %arg5[%mul3A_2] : memref<524288xf32, #tpu.memory_space<hbm>> -> memref<16384xf32, #tpu.memory_space<hbm>>
      tpu.enqueue_dma source(%arg10 : memref<16384xf32, #tpu.memory_space<vmem>>) target(%dma_start3A_15 : memref<16384xf32, #tpu.memory_space<hbm>>) target_semaphore(%run_scoped3A : memref<!tpu.dma_semaphore, #tpu.memory_space<semaphore_mem>>)
      %dma_wait3A_16 = tpu.memref_slice %arg5[%mul3A_2] : memref<524288xf32, #tpu.memory_space<hbm>> -> memref<16384xf32, #tpu.memory_space<hbm>>
      %dma_wait3A_17 = tpu.memref_slice %arg5[%mul3A_2] : memref<524288xf32, #tpu.memory_space<hbm>> -> memref<16384xf32, #tpu.memory_space<hbm>>
      tpu.wait_dma2 semaphore(%run_scoped3A : memref<!tpu.dma_semaphore, #tpu.memory_space<semaphore_mem>>) src(%arg10 : memref<16384xf32, #tpu.memory_space<vmem>>) dst(%dma_wait3A_17 : memref<16384xf32, #tpu.memory_space<hbm>>)
      tpu.yield
    }) : () -> ()
    return
  }
}

module attributes {stable_mosaic.version = 14 : i64} {
  func.func @_match_body(%arg0: i32, %arg1: memref<1x32x5xf32, #tpu.memory_space<smem>>, %arg2: memref<4x256x128xf32, #tpu.memory_space<vmem>>, %arg3: memref<1x4x256x128xf32, #tpu.memory_space<vmem>>, %arg4: memref<1x2x256x128xf32, #tpu.memory_space<vmem>>, %arg5: memref<1x256x128xi32, #tpu.memory_space<vmem>>, %arg6: memref<1x256x128xf32, #tpu.memory_space<vmem>>, %arg7: memref<1x256x128xf32, #tpu.memory_space<vmem>>, %arg8: memref<1x1x1xf32, #tpu.memory_space<vmem>>, %arg9: memref<1x1x1xf32, #tpu.memory_space<vmem>>) attributes {dimension_semantics = [#tpu.dimension_semantics<arbitrary>], iteration_bounds = array<i64: 16>, scalar_prefetch = 0 : i64, scratch_operands = 0 : i64, tpu.core_type = #tpu.core_type<tc>, window_params = [{transform_indices = @transform_0, window_bounds = array<i64: 1, 32, 5>}, {pipeline_mode = #tpu.pipeline_mode<synchronous>, transform_indices = @transform_1, window_bounds = array<i64: 4, 256, 128>}, {transform_indices = @transform_2, window_bounds = array<i64: 1, 4, 256, 128>}, {transform_indices = @transform_3, window_bounds = array<i64: 1, 2, 256, 128>}, {transform_indices = @transform_4, window_bounds = array<i64: 1, 256, 128>}, {transform_indices = @transform_5, window_bounds = array<i64: 1, 256, 128>}, {transform_indices = @transform_6, window_bounds = array<i64: 1, 256, 128>}, {transform_indices = @transform_7, window_bounds = array<i64: 1, 1, 1>}, {transform_indices = @transform_8, window_bounds = array<i64: 1, 1, 1>}]} {
    %get3A = arith.constant 0 : index
    %get3A_0 = arith.constant 0 : index
    %get3A_1 = arith.constant 0 : index
    %get3A_2 = vector.load %arg2[%get3A, %get3A_0, %get3A_1] : memref<4x256x128xf32, #tpu.memory_space<vmem>>, vector<1x256x128xf32>
    %get3A_3 = vector.shape_cast %get3A_2 : vector<1x256x128xf32> to vector<256x128xf32>
    %get3A_4 = arith.constant 1 : index
    %get3A_5 = arith.constant 0 : index
    %get3A_6 = arith.constant 0 : index
    %get3A_7 = vector.load %arg2[%get3A_4, %get3A_5, %get3A_6] : memref<4x256x128xf32, #tpu.memory_space<vmem>>, vector<1x256x128xf32>
    %get3A_8 = vector.shape_cast %get3A_7 : vector<1x256x128xf32> to vector<256x128xf32>
    %get3A_9 = arith.constant 2 : index
    %get3A_10 = arith.constant 0 : index
    %get3A_11 = arith.constant 0 : index
    %get3A_12 = vector.load %arg2[%get3A_9, %get3A_10, %get3A_11] : memref<4x256x128xf32, #tpu.memory_space<vmem>>, vector<1x256x128xf32>
    %get3A_13 = vector.shape_cast %get3A_12 : vector<1x256x128xf32> to vector<256x128xf32>
    %get3A_14 = arith.constant 3 : index
    %get3A_15 = arith.constant 0 : index
    %get3A_16 = arith.constant 0 : index
    %get3A_17 = vector.load %arg2[%get3A_14, %get3A_15, %get3A_16] : memref<4x256x128xf32, #tpu.memory_space<vmem>>, vector<1x256x128xf32>
    %get3A_18 = vector.shape_cast %get3A_17 : vector<1x256x128xf32> to vector<256x128xf32>
    %mul3A = arith.constant 5.000000e-01 : f32
    %mul3A_19 = vector.broadcast %mul3A : f32 to vector<256x128xf32>
    %mul3A_20 = arith.mulf %get3A_13, %mul3A_19 : vector<256x128xf32>
    %sub3A = arith.subf %get3A_3, %mul3A_20 : vector<256x128xf32>
    %mul3A_21 = arith.constant 5.000000e-01 : f32
    %mul3A_22 = vector.broadcast %mul3A_21 : f32 to vector<256x128xf32>
    %mul3A_23 = arith.mulf %get3A_18, %mul3A_22 : vector<256x128xf32>
    %sub3A_24 = arith.subf %get3A_8, %mul3A_23 : vector<256x128xf32>
    %mul3A_25 = arith.constant 5.000000e-01 : f32
    %mul3A_26 = vector.broadcast %mul3A_25 : f32 to vector<256x128xf32>
    %mul3A_27 = arith.mulf %get3A_13, %mul3A_26 : vector<256x128xf32>
    %add3A = arith.addf %get3A_3, %mul3A_27 : vector<256x128xf32>
    %mul3A_28 = arith.constant 5.000000e-01 : f32
    %mul3A_29 = vector.broadcast %mul3A_28 : f32 to vector<256x128xf32>
    %mul3A_30 = arith.mulf %get3A_18, %mul3A_29 : vector<256x128xf32>
    %add3A_31 = arith.addf %get3A_8, %mul3A_30 : vector<256x128xf32>
    %mul3A_32 = arith.mulf %get3A_13, %get3A_18 : vector<256x128xf32>
    %iota3A = tpu.iota {dimensions = array<i32: 0>} : vector<256x128xi32>
    %mul3A_33 = arith.constant 128 : i32
    %mul3A_34 = vector.broadcast %mul3A_33 : i32 to vector<256x128xi32>
    %mul3A_35 = arith.muli %iota3A, %mul3A_34 : vector<256x128xi32>
    %iota3A_36 = tpu.iota {dimensions = array<i32: 1>} : vector<256x128xi32>
    %add3A_37 = arith.addi %mul3A_35, %iota3A_36 : vector<256x128xi32>
    %broadcast_in_dim3A = arith.constant -1.000000e+00 : f32
    %broadcast_in_dim3A_38 = vector.broadcast %broadcast_in_dim3A : f32 to vector<256x128xf32>
    %broadcast_in_dim3A_39 = arith.constant 0 : i32
    %broadcast_in_dim3A_40 = vector.broadcast %broadcast_in_dim3A_39 : i32 to vector<256x128xi32>
    %get3A_41 = arith.constant 0 : index
    %get3A_42 = arith.constant 0 : index
    %get3A_43 = arith.constant 0 : index
    %get3A_44 = memref.load %arg1[%get3A_41, %get3A_42, %get3A_43] : memref<1x32x5xf32, #tpu.memory_space<smem>>
    %get3A_45 = arith.constant 0 : index
    %get3A_46 = arith.constant 0 : index
    %get3A_47 = arith.constant 1 : index
    %get3A_48 = memref.load %arg1[%get3A_45, %get3A_46, %get3A_47] : memref<1x32x5xf32, #tpu.memory_space<smem>>
    %get3A_49 = arith.constant 0 : index
    %get3A_50 = arith.constant 0 : index
    %get3A_51 = arith.constant 2 : index
    %get3A_52 = memref.load %arg1[%get3A_49, %get3A_50, %get3A_51] : memref<1x32x5xf32, #tpu.memory_space<smem>>
    %get3A_53 = arith.constant 0 : index
    %get3A_54 = arith.constant 0 : index
    %get3A_55 = arith.constant 3 : index
    %get3A_56 = memref.load %arg1[%get3A_53, %get3A_54, %get3A_55] : memref<1x32x5xf32, #tpu.memory_space<smem>>
    %get3A_57 = arith.constant 0 : index
    %get3A_58 = arith.constant 0 : index
    %get3A_59 = arith.constant 4 : index
    %get3A_60 = memref.load %arg1[%get3A_57, %get3A_58, %get3A_59] : memref<1x32x5xf32, #tpu.memory_space<smem>>
    %min3A = vector.broadcast %get3A_52 : f32 to vector<256x128xf32>
    %min3A_61 = arith.minimumf %min3A, %add3A : vector<256x128xf32>
    %max3A = vector.broadcast %get3A_44 : f32 to vector<256x128xf32>
    %max3A_62 = arith.maximumf %max3A, %sub3A : vector<256x128xf32>
    %sub3A_63 = arith.subf %min3A_61, %max3A_62 : vector<256x128xf32>
    %max3A_64 = arith.constant 0.000000e+00 : f32
    %max3A_65 = vector.broadcast %max3A_64 : f32 to vector<256x128xf32>
    %max3A_66 = arith.maximumf %sub3A_63, %max3A_65 : vector<256x128xf32>
    %min3A_67 = vector.broadcast %get3A_56 : f32 to vector<256x128xf32>
    %min3A_68 = arith.minimumf %min3A_67, %add3A_31 : vector<256x128xf32>
    %max3A_69 = vector.broadcast %get3A_48 : f32 to vector<256x128xf32>
    %max3A_70 = arith.maximumf %max3A_69, %sub3A_24 : vector<256x128xf32>
    %sub3A_71 = arith.subf %min3A_68, %max3A_70 : vector<256x128xf32>
    %max3A_72 = arith.constant 0.000000e+00 : f32
    %max3A_73 = vector.broadcast %max3A_72 : f32 to vector<256x128xf32>
    %max3A_74 = arith.maximumf %sub3A_71, %max3A_73 : vector<256x128xf32>
    %mul3A_75 = arith.mulf %max3A_66, %max3A_74 : vector<256x128xf32>
    %sub3A_76 = arith.subf %get3A_52, %get3A_44 : f32
    %sub3A_77 = arith.subf %get3A_56, %get3A_48 : f32
    %mul3A_78 = arith.mulf %sub3A_76, %sub3A_77 : f32
    %add3A_79 = vector.broadcast %mul3A_78 : f32 to vector<256x128xf32>
    %add3A_80 = arith.addf %add3A_79, %mul3A_32 : vector<256x128xf32>
    %sub3A_81 = arith.subf %add3A_80, %mul3A_75 : vector<256x128xf32>
    %div3A = arith.divf %mul3A_75, %sub3A_81 : vector<256x128xf32>
    %gt3A = arith.cmpf ogt, %div3A, %broadcast_in_dim3A_38 : vector<256x128xf32>
    %jit3A = arith.constant 0 : i32
    %broadcast_in_dim3A_82 = vector.broadcast %jit3A : i32 to vector<256x128xi32>
    %select_n3A = arith.select %gt3A, %broadcast_in_dim3A_82, %broadcast_in_dim3A_40 : vector<256x128xi1>, vector<256x128xi32>
    %select_n3A_83 = arith.select %gt3A, %div3A, %broadcast_in_dim3A_38 : vector<256x128xi1>, vector<256x128xf32>
    %reduce_max3A = vector.shape_cast %div3A : vector<256x128xf32> to vector<1x256x128xf32>
    %reduce_max3A_84 = arith.constant dense<0xFF800000> : vector<1xf32>
    %reduce_max3A_85 = vector.multi_reduction <maximumf>, %reduce_max3A, %reduce_max3A_84 [1, 2] : vector<1x256x128xf32> to vector<1xf32>
    %reduce_max3A_86 = vector.shape_cast %reduce_max3A_85 : vector<1xf32> to vector<1x1x1xf32>
    %reduce_max3A_87 = vector.extract %reduce_max3A_86[0, 0, 0] : f32 from vector<1x1x1xf32>
    %eq3A = vector.broadcast %reduce_max3A_87 : f32 to vector<256x128xf32>
    %eq3A_88 = arith.cmpf oeq, %div3A, %eq3A : vector<256x128xf32>
    %jit3A_89 = arith.constant 32768 : i32
    %broadcast_in_dim3A_90 = vector.broadcast %jit3A_89 : i32 to vector<256x128xi32>
    %select_n3A_91 = arith.select %eq3A_88, %add3A_37, %broadcast_in_dim3A_90 : vector<256x128xi1>, vector<256x128xi32>
    %reduce_min3A = vector.shape_cast %select_n3A_91 : vector<256x128xi32> to vector<1x256x128xi32>
    %reduce_min3A_92 = arith.constant dense<2147483647> : vector<1xi32>
    %reduce_min3A_93 = vector.multi_reduction <minsi>, %reduce_min3A, %reduce_min3A_92 [1, 2] : vector<1x256x128xi32> to vector<1xi32>
    %reduce_min3A_94 = vector.shape_cast %reduce_min3A_93 : vector<1xi32> to vector<1x1x1xi32>
    %reduce_min3A_95 = vector.extract %reduce_min3A_94[0, 0, 0] : i32 from vector<1x1x1xi32>
    %get3A_96 = arith.constant 0 : index
    %get3A_97 = arith.constant 1 : index
    %get3A_98 = arith.constant 0 : index
    %get3A_99 = memref.load %arg1[%get3A_96, %get3A_97, %get3A_98] : memref<1x32x5xf32, #tpu.memory_space<smem>>
    %get3A_100 = arith.constant 0 : index
    %get3A_101 = arith.constant 1 : index
    %get3A_102 = arith.constant 1 : index
    %get3A_103 = memref.load %arg1[%get3A_100, %get3A_101, %get3A_102] : memref<1x32x5xf32, #tpu.memory_space<smem>>
    %get3A_104 = arith.constant 0 : index
    %get3A_105 = arith.constant 1 : index
    %get3A_106 = arith.constant 2 : index
    %get3A_107 = memref.load %arg1[%get3A_104, %get3A_105, %get3A_106] : memref<1x32x5xf32, #tpu.memory_space<smem>>
    %get3A_108 = arith.constant 0 : index
    %get3A_109 = arith.constant 1 : index
    %get3A_110 = arith.constant 3 : index
    %get3A_111 = memref.load %arg1[%get3A_108, %get3A_109, %get3A_110] : memref<1x32x5xf32, #tpu.memory_space<smem>>
    %get3A_112 = arith.constant 0 : index
    %get3A_113 = arith.constant 1 : index
    %get3A_114 = arith.constant 4 : index
    %get3A_115 = memref.load %arg1[%get3A_112, %get3A_113, %get3A_114] : memref<1x32x5xf32, #tpu.memory_space<smem>>
    %min3A_116 = vector.broadcast %get3A_107 : f32 to vector<256x128xf32>
    %min3A_117 = arith.minimumf %min3A_116, %add3A : vector<256x128xf32>
    %max3A_118 = vector.broadcast %get3A_99 : f32 to vector<256x128xf32>
    %max3A_119 = arith.maximumf %max3A_118, %sub3A : vector<256x128xf32>
    %sub3A_120 = arith.subf %min3A_117, %max3A_119 : vector<256x128xf32>
    %max3A_121 = arith.constant 0.000000e+00 : f32
    %max3A_122 = vector.broadcast %max3A_121 : f32 to vector<256x128xf32>
    %max3A_123 = arith.maximumf %sub3A_120, %max3A_122 : vector<256x128xf32>
    %min3A_124 = vector.broadcast %get3A_111 : f32 to vector<256x128xf32>
    %min3A_125 = arith.minimumf %min3A_124, %add3A_31 : vector<256x128xf32>
    %max3A_126 = vector.broadcast %get3A_103 : f32 to vector<256x128xf32>
    %max3A_127 = arith.maximumf %max3A_126, %sub3A_24 : vector<256x128xf32>
    %sub3A_128 = arith.subf %min3A_125, %max3A_127 : vector<256x128xf32>
    %max3A_129 = arith.constant 0.000000e+00 : f32
    %max3A_130 = vector.broadcast %max3A_129 : f32 to vector<256x128xf32>
    %max3A_131 = arith.maximumf %sub3A_128, %max3A_130 : vector<256x128xf32>
    %mul3A_132 = arith.mulf %max3A_123, %max3A_131 : vector<256x128xf32>
    %sub3A_133 = arith.subf %get3A_107, %get3A_99 : f32
    %sub3A_134 = arith.subf %get3A_111, %get3A_103 : f32
    %mul3A_135 = arith.mulf %sub3A_133, %sub3A_134 : f32
    %add3A_136 = vector.broadcast %mul3A_135 : f32 to vector<256x128xf32>
    %add3A_137 = arith.addf %add3A_136, %mul3A_32 : vector<256x128xf32>
    %sub3A_138 = arith.subf %add3A_137, %mul3A_132 : vector<256x128xf32>
    %div3A_139 = arith.divf %mul3A_132, %sub3A_138 : vector<256x128xf32>
    %gt3A_140 = arith.cmpf ogt, %div3A_139, %select_n3A_83 : vector<256x128xf32>
    %jit3A_141 = arith.constant 1 : i32
    %broadcast_in_dim3A_142 = vector.broadcast %jit3A_141 : i32 to vector<256x128xi32>
    %select_n3A_143 = arith.select %gt3A_140, %broadcast_in_dim3A_142, %select_n3A : vector<256x128xi1>, vector<256x128xi32>
    %select_n3A_144 = arith.select %gt3A_140, %div3A_139, %select_n3A_83 : vector<256x128xi1>, vector<256x128xf32>
    %reduce_max3A_145 = vector.shape_cast %div3A_139 : vector<256x128xf32> to vector<1x256x128xf32>
    %reduce_max3A_146 = arith.constant dense<0xFF800000> : vector<1xf32>
    %reduce_max3A_147 = vector.multi_reduction <maximumf>, %reduce_max3A_145, %reduce_max3A_146 [1, 2] : vector<1x256x128xf32> to vector<1xf32>
    %reduce_max3A_148 = vector.shape_cast %reduce_max3A_147 : vector<1xf32> to vector<1x1x1xf32>
    %reduce_max3A_149 = vector.extract %reduce_max3A_148[0, 0, 0] : f32 from vector<1x1x1xf32>
    %eq3A_150 = vector.broadcast %reduce_max3A_149 : f32 to vector<256x128xf32>
    %eq3A_151 = arith.cmpf oeq, %div3A_139, %eq3A_150 : vector<256x128xf32>
    %jit3A_152 = arith.constant 32768 : i32
    %broadcast_in_dim3A_153 = vector.broadcast %jit3A_152 : i32 to vector<256x128xi32>
    %select_n3A_154 = arith.select %eq3A_151, %add3A_37, %broadcast_in_dim3A_153 : vector<256x128xi1>, vector<256x128xi32>
    %reduce_min3A_155 = vector.shape_cast %select_n3A_154 : vector<256x128xi32> to vector<1x256x128xi32>
    %reduce_min3A_156 = arith.constant dense<2147483647> : vector<1xi32>
    %reduce_min3A_157 = vector.multi_reduction <minsi>, %reduce_min3A_155, %reduce_min3A_156 [1, 2] : vector<1x256x128xi32> to vector<1xi32>
    %reduce_min3A_158 = vector.shape_cast %reduce_min3A_157 : vector<1xi32> to vector<1x1x1xi32>
    %reduce_min3A_159 = vector.extract %reduce_min3A_158[0, 0, 0] : i32 from vector<1x1x1xi32>
    %get3A_160 = arith.constant 0 : index
    %get3A_161 = arith.constant 2 : index
    %get3A_162 = arith.constant 0 : index
    %get3A_163 = memref.load %arg1[%get3A_160, %get3A_161, %get3A_162] : memref<1x32x5xf32, #tpu.memory_space<smem>>
    %get3A_164 = arith.constant 0 : index
    %get3A_165 = arith.constant 2 : index
    %get3A_166 = arith.constant 1 : index
    %get3A_167 = memref.load %arg1[%get3A_164, %get3A_165, %get3A_166] : memref<1x32x5xf32, #tpu.memory_space<smem>>
    %get3A_168 = arith.constant 0 : index
    %get3A_169 = arith.constant 2 : index
    %get3A_170 = arith.constant 2 : index
    %get3A_171 = memref.load %arg1[%get3A_168, %get3A_169, %get3A_170] : memref<1x32x5xf32, #tpu.memory_space<smem>>
    %get3A_172 = arith.constant 0 : index
    %get3A_173 = arith.constant 2 : index
    %get3A_174 = arith.constant 3 : index
    %get3A_175 = memref.load %arg1[%get3A_172, %get3A_173, %get3A_174] : memref<1x32x5xf32, #tpu.memory_space<smem>>
    %get3A_176 = arith.constant 0 : index
    %get3A_177 = arith.constant 2 : index
    %get3A_178 = arith.constant 4 : index
    %get3A_179 = memref.load %arg1[%get3A_176, %get3A_177, %get3A_178] : memref<1x32x5xf32, #tpu.memory_space<smem>>
    %min3A_180 = vector.broadcast %get3A_171 : f32 to vector<256x128xf32>
    %min3A_181 = arith.minimumf %min3A_180, %add3A : vector<256x128xf32>
    %max3A_182 = vector.broadcast %get3A_163 : f32 to vector<256x128xf32>
    %max3A_183 = arith.maximumf %max3A_182, %sub3A : vector<256x128xf32>
    %sub3A_184 = arith.subf %min3A_181, %max3A_183 : vector<256x128xf32>
    %max3A_185 = arith.constant 0.000000e+00 : f32
    %max3A_186 = vector.broadcast %max3A_185 : f32 to vector<256x128xf32>
    %max3A_187 = arith.maximumf %sub3A_184, %max3A_186 : vector<256x128xf32>
    %min3A_188 = vector.broadcast %get3A_175 : f32 to vector<256x128xf32>
    %min3A_189 = arith.minimumf %min3A_188, %add3A_31 : vector<256x128xf32>
    %max3A_190 = vector.broadcast %get3A_167 : f32 to vector<256x128xf32>
    %max3A_191 = arith.maximumf %max3A_190, %sub3A_24 : vector<256x128xf32>
    %sub3A_192 = arith.subf %min3A_189, %max3A_191 : vector<256x128xf32>
    %max3A_193 = arith.constant 0.000000e+00 : f32
    %max3A_194 = vector.broadcast %max3A_193 : f32 to vector<256x128xf32>
    %max3A_195 = arith.maximumf %sub3A_192, %max3A_194 : vector<256x128xf32>
    %mul3A_196 = arith.mulf %max3A_187, %max3A_195 : vector<256x128xf32>
    %sub3A_197 = arith.subf %get3A_171, %get3A_163 : f32
    %sub3A_198 = arith.subf %get3A_175, %get3A_167 : f32
    %mul3A_199 = arith.mulf %sub3A_197, %sub3A_198 : f32
    %add3A_200 = vector.broadcast %mul3A_199 : f32 to vector<256x128xf32>
    %add3A_201 = arith.addf %add3A_200, %mul3A_32 : vector<256x128xf32>
    %sub3A_202 = arith.subf %add3A_201, %mul3A_196 : vector<256x128xf32>
    %div3A_203 = arith.divf %mul3A_196, %sub3A_202 : vector<256x128xf32>
    %gt3A_204 = arith.cmpf ogt, %div3A_203, %select_n3A_144 : vector<256x128xf32>
    %jit3A_205 = arith.constant 2 : i32
    %broadcast_in_dim3A_206 = vector.broadcast %jit3A_205 : i32 to vector<256x128xi32>
    %select_n3A_207 = arith.select %gt3A_204, %broadcast_in_dim3A_206, %select_n3A_143 : vector<256x128xi1>, vector<256x128xi32>
    %select_n3A_208 = arith.select %gt3A_204, %div3A_203, %select_n3A_144 : vector<256x128xi1>, vector<256x128xf32>
    %reduce_max3A_209 = vector.shape_cast %div3A_203 : vector<256x128xf32> to vector<1x256x128xf32>
    %reduce_max3A_210 = arith.constant dense<0xFF800000> : vector<1xf32>
    %reduce_max3A_211 = vector.multi_reduction <maximumf>, %reduce_max3A_209, %reduce_max3A_210 [1, 2] : vector<1x256x128xf32> to vector<1xf32>
    %reduce_max3A_212 = vector.shape_cast %reduce_max3A_211 : vector<1xf32> to vector<1x1x1xf32>
    %reduce_max3A_213 = vector.extract %reduce_max3A_212[0, 0, 0] : f32 from vector<1x1x1xf32>
    %eq3A_214 = vector.broadcast %reduce_max3A_213 : f32 to vector<256x128xf32>
    %eq3A_215 = arith.cmpf oeq, %div3A_203, %eq3A_214 : vector<256x128xf32>
    %jit3A_216 = arith.constant 32768 : i32
    %broadcast_in_dim3A_217 = vector.broadcast %jit3A_216 : i32 to vector<256x128xi32>
    %select_n3A_218 = arith.select %eq3A_215, %add3A_37, %broadcast_in_dim3A_217 : vector<256x128xi1>, vector<256x128xi32>
    %reduce_min3A_219 = vector.shape_cast %select_n3A_218 : vector<256x128xi32> to vector<1x256x128xi32>
    %reduce_min3A_220 = arith.constant dense<2147483647> : vector<1xi32>
    %reduce_min3A_221 = vector.multi_reduction <minsi>, %reduce_min3A_219, %reduce_min3A_220 [1, 2] : vector<1x256x128xi32> to vector<1xi32>
    %reduce_min3A_222 = vector.shape_cast %reduce_min3A_221 : vector<1xi32> to vector<1x1x1xi32>
    %reduce_min3A_223 = vector.extract %reduce_min3A_222[0, 0, 0] : i32 from vector<1x1x1xi32>
    %get3A_224 = arith.constant 0 : index
    %get3A_225 = arith.constant 3 : index
    %get3A_226 = arith.constant 0 : index
    %get3A_227 = memref.load %arg1[%get3A_224, %get3A_225, %get3A_226] : memref<1x32x5xf32, #tpu.memory_space<smem>>
    %get3A_228 = arith.constant 0 : index
    %get3A_229 = arith.constant 3 : index
    %get3A_230 = arith.constant 1 : index
    %get3A_231 = memref.load %arg1[%get3A_228, %get3A_229, %get3A_230] : memref<1x32x5xf32, #tpu.memory_space<smem>>
    %get3A_232 = arith.constant 0 : index
    %get3A_233 = arith.constant 3 : index
    %get3A_234 = arith.constant 2 : index
    %get3A_235 = memref.load %arg1[%get3A_232, %get3A_233, %get3A_234] : memref<1x32x5xf32, #tpu.memory_space<smem>>
    %get3A_236 = arith.constant 0 : index
    %get3A_237 = arith.constant 3 : index
    %get3A_238 = arith.constant 3 : index
    %get3A_239 = memref.load %arg1[%get3A_236, %get3A_237, %get3A_238] : memref<1x32x5xf32, #tpu.memory_space<smem>>
    %get3A_240 = arith.constant 0 : index
    %get3A_241 = arith.constant 3 : index
    %get3A_242 = arith.constant 4 : index
    %get3A_243 = memref.load %arg1[%get3A_240, %get3A_241, %get3A_242] : memref<1x32x5xf32, #tpu.memory_space<smem>>
    %min3A_244 = vector.broadcast %get3A_235 : f32 to vector<256x128xf32>
    %min3A_245 = arith.minimumf %min3A_244, %add3A : vector<256x128xf32>
    %max3A_246 = vector.broadcast %get3A_227 : f32 to vector<256x128xf32>
    %max3A_247 = arith.maximumf %max3A_246, %sub3A : vector<256x128xf32>
    %sub3A_248 = arith.subf %min3A_245, %max3A_247 : vector<256x128xf32>
    %max3A_249 = arith.constant 0.000000e+00 : f32
    %max3A_250 = vector.broadcast %max3A_249 : f32 to vector<256x128xf32>
    %max3A_251 = arith.maximumf %sub3A_248, %max3A_250 : vector<256x128xf32>
    %min3A_252 = vector.broadcast %get3A_239 : f32 to vector<256x128xf32>
    %min3A_253 = arith.minimumf %min3A_252, %add3A_31 : vector<256x128xf32>
    %max3A_254 = vector.broadcast %get3A_231 : f32 to vector<256x128xf32>
    %max3A_255 = arith.maximumf %max3A_254, %sub3A_24 : vector<256x128xf32>
    %sub3A_256 = arith.subf %min3A_253, %max3A_255 : vector<256x128xf32>
    %max3A_257 = arith.constant 0.000000e+00 : f32
    %max3A_258 = vector.broadcast %max3A_257 : f32 to vector<256x128xf32>
    %max3A_259 = arith.maximumf %sub3A_256, %max3A_258 : vector<256x128xf32>
    %mul3A_260 = arith.mulf %max3A_251, %max3A_259 : vector<256x128xf32>
    %sub3A_261 = arith.subf %get3A_235, %get3A_227 : f32
    %sub3A_262 = arith.subf %get3A_239, %get3A_231 : f32
    %mul3A_263 = arith.mulf %sub3A_261, %sub3A_262 : f32
    %add3A_264 = vector.broadcast %mul3A_263 : f32 to vector<256x128xf32>
    %add3A_265 = arith.addf %add3A_264, %mul3A_32 : vector<256x128xf32>
    %sub3A_266 = arith.subf %add3A_265, %mul3A_260 : vector<256x128xf32>
    %div3A_267 = arith.divf %mul3A_260, %sub3A_266 : vector<256x128xf32>
    %gt3A_268 = arith.cmpf ogt, %div3A_267, %select_n3A_208 : vector<256x128xf32>
    %jit3A_269 = arith.constant 3 : i32
    %broadcast_in_dim3A_270 = vector.broadcast %jit3A_269 : i32 to vector<256x128xi32>
    %select_n3A_271 = arith.select %gt3A_268, %broadcast_in_dim3A_270, %select_n3A_207 : vector<256x128xi1>, vector<256x128xi32>
    %select_n3A_272 = arith.select %gt3A_268, %div3A_267, %select_n3A_208 : vector<256x128xi1>, vector<256x128xf32>
    %reduce_max3A_273 = vector.shape_cast %div3A_267 : vector<256x128xf32> to vector<1x256x128xf32>
    %reduce_max3A_274 = arith.constant dense<0xFF800000> : vector<1xf32>
    %reduce_max3A_275 = vector.multi_reduction <maximumf>, %reduce_max3A_273, %reduce_max3A_274 [1, 2] : vector<1x256x128xf32> to vector<1xf32>
    %reduce_max3A_276 = vector.shape_cast %reduce_max3A_275 : vector<1xf32> to vector<1x1x1xf32>
    %reduce_max3A_277 = vector.extract %reduce_max3A_276[0, 0, 0] : f32 from vector<1x1x1xf32>
    %eq3A_278 = vector.broadcast %reduce_max3A_277 : f32 to vector<256x128xf32>
    %eq3A_279 = arith.cmpf oeq, %div3A_267, %eq3A_278 : vector<256x128xf32>
    %jit3A_280 = arith.constant 32768 : i32
    %broadcast_in_dim3A_281 = vector.broadcast %jit3A_280 : i32 to vector<256x128xi32>
    %select_n3A_282 = arith.select %eq3A_279, %add3A_37, %broadcast_in_dim3A_281 : vector<256x128xi1>, vector<256x128xi32>
    %reduce_min3A_283 = vector.shape_cast %select_n3A_282 : vector<256x128xi32> to vector<1x256x128xi32>
    %reduce_min3A_284 = arith.constant dense<2147483647> : vector<1xi32>
    %reduce_min3A_285 = vector.multi_reduction <minsi>, %reduce_min3A_283, %reduce_min3A_284 [1, 2] : vector<1x256x128xi32> to vector<1xi32>
    %reduce_min3A_286 = vector.shape_cast %reduce_min3A_285 : vector<1xi32> to vector<1x1x1xi32>
    %reduce_min3A_287 = vector.extract %reduce_min3A_286[0, 0, 0] : i32 from vector<1x1x1xi32>
    %get3A_288 = arith.constant 0 : index
    %get3A_289 = arith.constant 4 : index
    %get3A_290 = arith.constant 0 : index
    %get3A_291 = memref.load %arg1[%get3A_288, %get3A_289, %get3A_290] : memref<1x32x5xf32, #tpu.memory_space<smem>>
    %get3A_292 = arith.constant 0 : index
    %get3A_293 = arith.constant 4 : index
    %get3A_294 = arith.constant 1 : index
    %get3A_295 = memref.load %arg1[%get3A_292, %get3A_293, %get3A_294] : memref<1x32x5xf32, #tpu.memory_space<smem>>
    %get3A_296 = arith.constant 0 : index
    %get3A_297 = arith.constant 4 : index
    %get3A_298 = arith.constant 2 : index
    %get3A_299 = memref.load %arg1[%get3A_296, %get3A_297, %get3A_298] : memref<1x32x5xf32, #tpu.memory_space<smem>>
    %get3A_300 = arith.constant 0 : index
    %get3A_301 = arith.constant 4 : index
    %get3A_302 = arith.constant 3 : index
    %get3A_303 = memref.load %arg1[%get3A_300, %get3A_301, %get3A_302] : memref<1x32x5xf32, #tpu.memory_space<smem>>
    %get3A_304 = arith.constant 0 : index
    %get3A_305 = arith.constant 4 : index
    %get3A_306 = arith.constant 4 : index
    %get3A_307 = memref.load %arg1[%get3A_304, %get3A_305, %get3A_306] : memref<1x32x5xf32, #tpu.memory_space<smem>>
    %min3A_308 = vector.broadcast %get3A_299 : f32 to vector<256x128xf32>
    %min3A_309 = arith.minimumf %min3A_308, %add3A : vector<256x128xf32>
    %max3A_310 = vector.broadcast %get3A_291 : f32 to vector<256x128xf32>
    %max3A_311 = arith.maximumf %max3A_310, %sub3A : vector<256x128xf32>
    %sub3A_312 = arith.subf %min3A_309, %max3A_311 : vector<256x128xf32>
    %max3A_313 = arith.constant 0.000000e+00 : f32
    %max3A_314 = vector.broadcast %max3A_313 : f32 to vector<256x128xf32>
    %max3A_315 = arith.maximumf %sub3A_312, %max3A_314 : vector<256x128xf32>
    %min3A_316 = vector.broadcast %get3A_303 : f32 to vector<256x128xf32>
    %min3A_317 = arith.minimumf %min3A_316, %add3A_31 : vector<256x128xf32>
    %max3A_318 = vector.broadcast %get3A_295 : f32 to vector<256x128xf32>
    %max3A_319 = arith.maximumf %max3A_318, %sub3A_24 : vector<256x128xf32>
    %sub3A_320 = arith.subf %min3A_317, %max3A_319 : vector<256x128xf32>
    %max3A_321 = arith.constant 0.000000e+00 : f32
    %max3A_322 = vector.broadcast %max3A_321 : f32 to vector<256x128xf32>
    %max3A_323 = arith.maximumf %sub3A_320, %max3A_322 : vector<256x128xf32>
    %mul3A_324 = arith.mulf %max3A_315, %max3A_323 : vector<256x128xf32>
    %sub3A_325 = arith.subf %get3A_299, %get3A_291 : f32
    %sub3A_326 = arith.subf %get3A_303, %get3A_295 : f32
    %mul3A_327 = arith.mulf %sub3A_325, %sub3A_326 : f32
    %add3A_328 = vector.broadcast %mul3A_327 : f32 to vector<256x128xf32>
    %add3A_329 = arith.addf %add3A_328, %mul3A_32 : vector<256x128xf32>
    %sub3A_330 = arith.subf %add3A_329, %mul3A_324 : vector<256x128xf32>
    %div3A_331 = arith.divf %mul3A_324, %sub3A_330 : vector<256x128xf32>
    %gt3A_332 = arith.cmpf ogt, %div3A_331, %select_n3A_272 : vector<256x128xf32>
    %jit3A_333 = arith.constant 4 : i32
    %broadcast_in_dim3A_334 = vector.broadcast %jit3A_333 : i32 to vector<256x128xi32>
    %select_n3A_335 = arith.select %gt3A_332, %broadcast_in_dim3A_334, %select_n3A_271 : vector<256x128xi1>, vector<256x128xi32>
    %select_n3A_336 = arith.select %gt3A_332, %div3A_331, %select_n3A_272 : vector<256x128xi1>, vector<256x128xf32>
    %reduce_max3A_337 = vector.shape_cast %div3A_331 : vector<256x128xf32> to vector<1x256x128xf32>
    %reduce_max3A_338 = arith.constant dense<0xFF800000> : vector<1xf32>
    %reduce_max3A_339 = vector.multi_reduction <maximumf>, %reduce_max3A_337, %reduce_max3A_338 [1, 2] : vector<1x256x128xf32> to vector<1xf32>
    %reduce_max3A_340 = vector.shape_cast %reduce_max3A_339 : vector<1xf32> to vector<1x1x1xf32>
    %reduce_max3A_341 = vector.extract %reduce_max3A_340[0, 0, 0] : f32 from vector<1x1x1xf32>
    %eq3A_342 = vector.broadcast %reduce_max3A_341 : f32 to vector<256x128xf32>
    %eq3A_343 = arith.cmpf oeq, %div3A_331, %eq3A_342 : vector<256x128xf32>
    %jit3A_344 = arith.constant 32768 : i32
    %broadcast_in_dim3A_345 = vector.broadcast %jit3A_344 : i32 to vector<256x128xi32>
    %select_n3A_346 = arith.select %eq3A_343, %add3A_37, %broadcast_in_dim3A_345 : vector<256x128xi1>, vector<256x128xi32>
    %reduce_min3A_347 = vector.shape_cast %select_n3A_346 : vector<256x128xi32> to vector<1x256x128xi32>
    %reduce_min3A_348 = arith.constant dense<2147483647> : vector<1xi32>
    %reduce_min3A_349 = vector.multi_reduction <minsi>, %reduce_min3A_347, %reduce_min3A_348 [1, 2] : vector<1x256x128xi32> to vector<1xi32>
    %reduce_min3A_350 = vector.shape_cast %reduce_min3A_349 : vector<1xi32> to vector<1x1x1xi32>
    %reduce_min3A_351 = vector.extract %reduce_min3A_350[0, 0, 0] : i32 from vector<1x1x1xi32>
    %get3A_352 = arith.constant 0 : index
    %get3A_353 = arith.constant 5 : index
    %get3A_354 = arith.constant 0 : index
    %get3A_355 = memref.load %arg1[%get3A_352, %get3A_353, %get3A_354] : memref<1x32x5xf32, #tpu.memory_space<smem>>
    %get3A_356 = arith.constant 0 : index
    %get3A_357 = arith.constant 5 : index
    %get3A_358 = arith.constant 1 : index
    %get3A_359 = memref.load %arg1[%get3A_356, %get3A_357, %get3A_358] : memref<1x32x5xf32, #tpu.memory_space<smem>>
    %get3A_360 = arith.constant 0 : index
    %get3A_361 = arith.constant 5 : index
    %get3A_362 = arith.constant 2 : index
    %get3A_363 = memref.load %arg1[%get3A_360, %get3A_361, %get3A_362] : memref<1x32x5xf32, #tpu.memory_space<smem>>
    %get3A_364 = arith.constant 0 : index
    %get3A_365 = arith.constant 5 : index
    %get3A_366 = arith.constant 3 : index
    %get3A_367 = memref.load %arg1[%get3A_364, %get3A_365, %get3A_366] : memref<1x32x5xf32, #tpu.memory_space<smem>>
    %get3A_368 = arith.constant 0 : index
    %get3A_369 = arith.constant 5 : index
    %get3A_370 = arith.constant 4 : index
    %get3A_371 = memref.load %arg1[%get3A_368, %get3A_369, %get3A_370] : memref<1x32x5xf32, #tpu.memory_space<smem>>
    %min3A_372 = vector.broadcast %get3A_363 : f32 to vector<256x128xf32>
    %min3A_373 = arith.minimumf %min3A_372, %add3A : vector<256x128xf32>
    %max3A_374 = vector.broadcast %get3A_355 : f32 to vector<256x128xf32>
    %max3A_375 = arith.maximumf %max3A_374, %sub3A : vector<256x128xf32>
    %sub3A_376 = arith.subf %min3A_373, %max3A_375 : vector<256x128xf32>
    %max3A_377 = arith.constant 0.000000e+00 : f32
    %max3A_378 = vector.broadcast %max3A_377 : f32 to vector<256x128xf32>
    %max3A_379 = arith.maximumf %sub3A_376, %max3A_378 : vector<256x128xf32>
    %min3A_380 = vector.broadcast %get3A_367 : f32 to vector<256x128xf32>
    %min3A_381 = arith.minimumf %min3A_380, %add3A_31 : vector<256x128xf32>
    %max3A_382 = vector.broadcast %get3A_359 : f32 to vector<256x128xf32>
    %max3A_383 = arith.maximumf %max3A_382, %sub3A_24 : vector<256x128xf32>
    %sub3A_384 = arith.subf %min3A_381, %max3A_383 : vector<256x128xf32>
    %max3A_385 = arith.constant 0.000000e+00 : f32
    %max3A_386 = vector.broadcast %max3A_385 : f32 to vector<256x128xf32>
    %max3A_387 = arith.maximumf %sub3A_384, %max3A_386 : vector<256x128xf32>
    %mul3A_388 = arith.mulf %max3A_379, %max3A_387 : vector<256x128xf32>
    %sub3A_389 = arith.subf %get3A_363, %get3A_355 : f32
    %sub3A_390 = arith.subf %get3A_367, %get3A_359 : f32
    %mul3A_391 = arith.mulf %sub3A_389, %sub3A_390 : f32
    %add3A_392 = vector.broadcast %mul3A_391 : f32 to vector<256x128xf32>
    %add3A_393 = arith.addf %add3A_392, %mul3A_32 : vector<256x128xf32>
    %sub3A_394 = arith.subf %add3A_393, %mul3A_388 : vector<256x128xf32>
    %div3A_395 = arith.divf %mul3A_388, %sub3A_394 : vector<256x128xf32>
    %gt3A_396 = arith.cmpf ogt, %div3A_395, %select_n3A_336 : vector<256x128xf32>
    %jit3A_397 = arith.constant 5 : i32
    %broadcast_in_dim3A_398 = vector.broadcast %jit3A_397 : i32 to vector<256x128xi32>
    %select_n3A_399 = arith.select %gt3A_396, %broadcast_in_dim3A_398, %select_n3A_335 : vector<256x128xi1>, vector<256x128xi32>
    %select_n3A_400 = arith.select %gt3A_396, %div3A_395, %select_n3A_336 : vector<256x128xi1>, vector<256x128xf32>
    %reduce_max3A_401 = vector.shape_cast %div3A_395 : vector<256x128xf32> to vector<1x256x128xf32>
    %reduce_max3A_402 = arith.constant dense<0xFF800000> : vector<1xf32>
    %reduce_max3A_403 = vector.multi_reduction <maximumf>, %reduce_max3A_401, %reduce_max3A_402 [1, 2] : vector<1x256x128xf32> to vector<1xf32>
    %reduce_max3A_404 = vector.shape_cast %reduce_max3A_403 : vector<1xf32> to vector<1x1x1xf32>
    %reduce_max3A_405 = vector.extract %reduce_max3A_404[0, 0, 0] : f32 from vector<1x1x1xf32>
    %eq3A_406 = vector.broadcast %reduce_max3A_405 : f32 to vector<256x128xf32>
    %eq3A_407 = arith.cmpf oeq, %div3A_395, %eq3A_406 : vector<256x128xf32>
    %jit3A_408 = arith.constant 32768 : i32
    %broadcast_in_dim3A_409 = vector.broadcast %jit3A_408 : i32 to vector<256x128xi32>
    %select_n3A_410 = arith.select %eq3A_407, %add3A_37, %broadcast_in_dim3A_409 : vector<256x128xi1>, vector<256x128xi32>
    %reduce_min3A_411 = vector.shape_cast %select_n3A_410 : vector<256x128xi32> to vector<1x256x128xi32>
    %reduce_min3A_412 = arith.constant dense<2147483647> : vector<1xi32>
    %reduce_min3A_413 = vector.multi_reduction <minsi>, %reduce_min3A_411, %reduce_min3A_412 [1, 2] : vector<1x256x128xi32> to vector<1xi32>
    %reduce_min3A_414 = vector.shape_cast %reduce_min3A_413 : vector<1xi32> to vector<1x1x1xi32>
    %reduce_min3A_415 = vector.extract %reduce_min3A_414[0, 0, 0] : i32 from vector<1x1x1xi32>
    %get3A_416 = arith.constant 0 : index
    %get3A_417 = arith.constant 6 : index
    %get3A_418 = arith.constant 0 : index
    %get3A_419 = memref.load %arg1[%get3A_416, %get3A_417, %get3A_418] : memref<1x32x5xf32, #tpu.memory_space<smem>>
    %get3A_420 = arith.constant 0 : index
    %get3A_421 = arith.constant 6 : index
    %get3A_422 = arith.constant 1 : index
    %get3A_423 = memref.load %arg1[%get3A_420, %get3A_421, %get3A_422] : memref<1x32x5xf32, #tpu.memory_space<smem>>
    %get3A_424 = arith.constant 0 : index
    %get3A_425 = arith.constant 6 : index
    %get3A_426 = arith.constant 2 : index
    %get3A_427 = memref.load %arg1[%get3A_424, %get3A_425, %get3A_426] : memref<1x32x5xf32, #tpu.memory_space<smem>>
    %get3A_428 = arith.constant 0 : index
    %get3A_429 = arith.constant 6 : index
    %get3A_430 = arith.constant 3 : index
    %get3A_431 = memref.load %arg1[%get3A_428, %get3A_429, %get3A_430] : memref<1x32x5xf32, #tpu.memory_space<smem>>
    %get3A_432 = arith.constant 0 : index
    %get3A_433 = arith.constant 6 : index
    %get3A_434 = arith.constant 4 : index
    %get3A_435 = memref.load %arg1[%get3A_432, %get3A_433, %get3A_434] : memref<1x32x5xf32, #tpu.memory_space<smem>>
    %min3A_436 = vector.broadcast %get3A_427 : f32 to vector<256x128xf32>
    %min3A_437 = arith.minimumf %min3A_436, %add3A : vector<256x128xf32>
    %max3A_438 = vector.broadcast %get3A_419 : f32 to vector<256x128xf32>
    %max3A_439 = arith.maximumf %max3A_438, %sub3A : vector<256x128xf32>
    %sub3A_440 = arith.subf %min3A_437, %max3A_439 : vector<256x128xf32>
    %max3A_441 = arith.constant 0.000000e+00 : f32
    %max3A_442 = vector.broadcast %max3A_441 : f32 to vector<256x128xf32>
    %max3A_443 = arith.maximumf %sub3A_440, %max3A_442 : vector<256x128xf32>
    %min3A_444 = vector.broadcast %get3A_431 : f32 to vector<256x128xf32>
    %min3A_445 = arith.minimumf %min3A_444, %add3A_31 : vector<256x128xf32>
    %max3A_446 = vector.broadcast %get3A_423 : f32 to vector<256x128xf32>
    %max3A_447 = arith.maximumf %max3A_446, %sub3A_24 : vector<256x128xf32>
    %sub3A_448 = arith.subf %min3A_445, %max3A_447 : vector<256x128xf32>
    %max3A_449 = arith.constant 0.000000e+00 : f32
    %max3A_450 = vector.broadcast %max3A_449 : f32 to vector<256x128xf32>
    %max3A_451 = arith.maximumf %sub3A_448, %max3A_450 : vector<256x128xf32>
    %mul3A_452 = arith.mulf %max3A_443, %max3A_451 : vector<256x128xf32>
    %sub3A_453 = arith.subf %get3A_427, %get3A_419 : f32
    %sub3A_454 = arith.subf %get3A_431, %get3A_423 : f32
    %mul3A_455 = arith.mulf %sub3A_453, %sub3A_454 : f32
    %add3A_456 = vector.broadcast %mul3A_455 : f32 to vector<256x128xf32>
    %add3A_457 = arith.addf %add3A_456, %mul3A_32 : vector<256x128xf32>
    %sub3A_458 = arith.subf %add3A_457, %mul3A_452 : vector<256x128xf32>
    %div3A_459 = arith.divf %mul3A_452, %sub3A_458 : vector<256x128xf32>
    %gt3A_460 = arith.cmpf ogt, %div3A_459, %select_n3A_400 : vector<256x128xf32>
    %jit3A_461 = arith.constant 6 : i32
    %broadcast_in_dim3A_462 = vector.broadcast %jit3A_461 : i32 to vector<256x128xi32>
    %select_n3A_463 = arith.select %gt3A_460, %broadcast_in_dim3A_462, %select_n3A_399 : vector<256x128xi1>, vector<256x128xi32>
    %select_n3A_464 = arith.select %gt3A_460, %div3A_459, %select_n3A_400 : vector<256x128xi1>, vector<256x128xf32>
    %reduce_max3A_465 = vector.shape_cast %div3A_459 : vector<256x128xf32> to vector<1x256x128xf32>
    %reduce_max3A_466 = arith.constant dense<0xFF800000> : vector<1xf32>
    %reduce_max3A_467 = vector.multi_reduction <maximumf>, %reduce_max3A_465, %reduce_max3A_466 [1, 2] : vector<1x256x128xf32> to vector<1xf32>
    %reduce_max3A_468 = vector.shape_cast %reduce_max3A_467 : vector<1xf32> to vector<1x1x1xf32>
    %reduce_max3A_469 = vector.extract %reduce_max3A_468[0, 0, 0] : f32 from vector<1x1x1xf32>
    %eq3A_470 = vector.broadcast %reduce_max3A_469 : f32 to vector<256x128xf32>
    %eq3A_471 = arith.cmpf oeq, %div3A_459, %eq3A_470 : vector<256x128xf32>
    %jit3A_472 = arith.constant 32768 : i32
    %broadcast_in_dim3A_473 = vector.broadcast %jit3A_472 : i32 to vector<256x128xi32>
    %select_n3A_474 = arith.select %eq3A_471, %add3A_37, %broadcast_in_dim3A_473 : vector<256x128xi1>, vector<256x128xi32>
    %reduce_min3A_475 = vector.shape_cast %select_n3A_474 : vector<256x128xi32> to vector<1x256x128xi32>
    %reduce_min3A_476 = arith.constant dense<2147483647> : vector<1xi32>
    %reduce_min3A_477 = vector.multi_reduction <minsi>, %reduce_min3A_475, %reduce_min3A_476 [1, 2] : vector<1x256x128xi32> to vector<1xi32>
    %reduce_min3A_478 = vector.shape_cast %reduce_min3A_477 : vector<1xi32> to vector<1x1x1xi32>
    %reduce_min3A_479 = vector.extract %reduce_min3A_478[0, 0, 0] : i32 from vector<1x1x1xi32>
    %get3A_480 = arith.constant 0 : index
    %get3A_481 = arith.constant 7 : index
    %get3A_482 = arith.constant 0 : index
    %get3A_483 = memref.load %arg1[%get3A_480, %get3A_481, %get3A_482] : memref<1x32x5xf32, #tpu.memory_space<smem>>
    %get3A_484 = arith.constant 0 : index
    %get3A_485 = arith.constant 7 : index
    %get3A_486 = arith.constant 1 : index
    %get3A_487 = memref.load %arg1[%get3A_484, %get3A_485, %get3A_486] : memref<1x32x5xf32, #tpu.memory_space<smem>>
    %get3A_488 = arith.constant 0 : index
    %get3A_489 = arith.constant 7 : index
    %get3A_490 = arith.constant 2 : index
    %get3A_491 = memref.load %arg1[%get3A_488, %get3A_489, %get3A_490] : memref<1x32x5xf32, #tpu.memory_space<smem>>
    %get3A_492 = arith.constant 0 : index
    %get3A_493 = arith.constant 7 : index
    %get3A_494 = arith.constant 3 : index
    %get3A_495 = memref.load %arg1[%get3A_492, %get3A_493, %get3A_494] : memref<1x32x5xf32, #tpu.memory_space<smem>>
    %get3A_496 = arith.constant 0 : index
    %get3A_497 = arith.constant 7 : index
    %get3A_498 = arith.constant 4 : index
    %get3A_499 = memref.load %arg1[%get3A_496, %get3A_497, %get3A_498] : memref<1x32x5xf32, #tpu.memory_space<smem>>
    %min3A_500 = vector.broadcast %get3A_491 : f32 to vector<256x128xf32>
    %min3A_501 = arith.minimumf %min3A_500, %add3A : vector<256x128xf32>
    %max3A_502 = vector.broadcast %get3A_483 : f32 to vector<256x128xf32>
    %max3A_503 = arith.maximumf %max3A_502, %sub3A : vector<256x128xf32>
    %sub3A_504 = arith.subf %min3A_501, %max3A_503 : vector<256x128xf32>
    %max3A_505 = arith.constant 0.000000e+00 : f32
    %max3A_506 = vector.broadcast %max3A_505 : f32 to vector<256x128xf32>
    %max3A_507 = arith.maximumf %sub3A_504, %max3A_506 : vector<256x128xf32>
    %min3A_508 = vector.broadcast %get3A_495 : f32 to vector<256x128xf32>
    %min3A_509 = arith.minimumf %min3A_508, %add3A_31 : vector<256x128xf32>
    %max3A_510 = vector.broadcast %get3A_487 : f32 to vector<256x128xf32>
    %max3A_511 = arith.maximumf %max3A_510, %sub3A_24 : vector<256x128xf32>
    %sub3A_512 = arith.subf %min3A_509, %max3A_511 : vector<256x128xf32>
    %max3A_513 = arith.constant 0.000000e+00 : f32
    %max3A_514 = vector.broadcast %max3A_513 : f32 to vector<256x128xf32>
    %max3A_515 = arith.maximumf %sub3A_512, %max3A_514 : vector<256x128xf32>
    %mul3A_516 = arith.mulf %max3A_507, %max3A_515 : vector<256x128xf32>
    %sub3A_517 = arith.subf %get3A_491, %get3A_483 : f32
    %sub3A_518 = arith.subf %get3A_495, %get3A_487 : f32
    %mul3A_519 = arith.mulf %sub3A_517, %sub3A_518 : f32
    %add3A_520 = vector.broadcast %mul3A_519 : f32 to vector<256x128xf32>
    %add3A_521 = arith.addf %add3A_520, %mul3A_32 : vector<256x128xf32>
    %sub3A_522 = arith.subf %add3A_521, %mul3A_516 : vector<256x128xf32>
    %div3A_523 = arith.divf %mul3A_516, %sub3A_522 : vector<256x128xf32>
    %gt3A_524 = arith.cmpf ogt, %div3A_523, %select_n3A_464 : vector<256x128xf32>
    %jit3A_525 = arith.constant 7 : i32
    %broadcast_in_dim3A_526 = vector.broadcast %jit3A_525 : i32 to vector<256x128xi32>
    %select_n3A_527 = arith.select %gt3A_524, %broadcast_in_dim3A_526, %select_n3A_463 : vector<256x128xi1>, vector<256x128xi32>
    %select_n3A_528 = arith.select %gt3A_524, %div3A_523, %select_n3A_464 : vector<256x128xi1>, vector<256x128xf32>
    %reduce_max3A_529 = vector.shape_cast %div3A_523 : vector<256x128xf32> to vector<1x256x128xf32>
    %reduce_max3A_530 = arith.constant dense<0xFF800000> : vector<1xf32>
    %reduce_max3A_531 = vector.multi_reduction <maximumf>, %reduce_max3A_529, %reduce_max3A_530 [1, 2] : vector<1x256x128xf32> to vector<1xf32>
    %reduce_max3A_532 = vector.shape_cast %reduce_max3A_531 : vector<1xf32> to vector<1x1x1xf32>
    %reduce_max3A_533 = vector.extract %reduce_max3A_532[0, 0, 0] : f32 from vector<1x1x1xf32>
    %eq3A_534 = vector.broadcast %reduce_max3A_533 : f32 to vector<256x128xf32>
    %eq3A_535 = arith.cmpf oeq, %div3A_523, %eq3A_534 : vector<256x128xf32>
    %jit3A_536 = arith.constant 32768 : i32
    %broadcast_in_dim3A_537 = vector.broadcast %jit3A_536 : i32 to vector<256x128xi32>
    %select_n3A_538 = arith.select %eq3A_535, %add3A_37, %broadcast_in_dim3A_537 : vector<256x128xi1>, vector<256x128xi32>
    %reduce_min3A_539 = vector.shape_cast %select_n3A_538 : vector<256x128xi32> to vector<1x256x128xi32>
    %reduce_min3A_540 = arith.constant dense<2147483647> : vector<1xi32>
    %reduce_min3A_541 = vector.multi_reduction <minsi>, %reduce_min3A_539, %reduce_min3A_540 [1, 2] : vector<1x256x128xi32> to vector<1xi32>
    %reduce_min3A_542 = vector.shape_cast %reduce_min3A_541 : vector<1xi32> to vector<1x1x1xi32>
    %reduce_min3A_543 = vector.extract %reduce_min3A_542[0, 0, 0] : i32 from vector<1x1x1xi32>
    %get3A_544 = arith.constant 0 : index
    %get3A_545 = arith.constant 8 : index
    %get3A_546 = arith.constant 0 : index
    %get3A_547 = memref.load %arg1[%get3A_544, %get3A_545, %get3A_546] : memref<1x32x5xf32, #tpu.memory_space<smem>>
    %get3A_548 = arith.constant 0 : index
    %get3A_549 = arith.constant 8 : index
    %get3A_550 = arith.constant 1 : index
    %get3A_551 = memref.load %arg1[%get3A_548, %get3A_549, %get3A_550] : memref<1x32x5xf32, #tpu.memory_space<smem>>
    %get3A_552 = arith.constant 0 : index
    %get3A_553 = arith.constant 8 : index
    %get3A_554 = arith.constant 2 : index
    %get3A_555 = memref.load %arg1[%get3A_552, %get3A_553, %get3A_554] : memref<1x32x5xf32, #tpu.memory_space<smem>>
    %get3A_556 = arith.constant 0 : index
    %get3A_557 = arith.constant 8 : index
    %get3A_558 = arith.constant 3 : index
    %get3A_559 = memref.load %arg1[%get3A_556, %get3A_557, %get3A_558] : memref<1x32x5xf32, #tpu.memory_space<smem>>
    %get3A_560 = arith.constant 0 : index
    %get3A_561 = arith.constant 8 : index
    %get3A_562 = arith.constant 4 : index
    %get3A_563 = memref.load %arg1[%get3A_560, %get3A_561, %get3A_562] : memref<1x32x5xf32, #tpu.memory_space<smem>>
    %min3A_564 = vector.broadcast %get3A_555 : f32 to vector<256x128xf32>
    %min3A_565 = arith.minimumf %min3A_564, %add3A : vector<256x128xf32>
    %max3A_566 = vector.broadcast %get3A_547 : f32 to vector<256x128xf32>
    %max3A_567 = arith.maximumf %max3A_566, %sub3A : vector<256x128xf32>
    %sub3A_568 = arith.subf %min3A_565, %max3A_567 : vector<256x128xf32>
    %max3A_569 = arith.constant 0.000000e+00 : f32
    %max3A_570 = vector.broadcast %max3A_569 : f32 to vector<256x128xf32>
    %max3A_571 = arith.maximumf %sub3A_568, %max3A_570 : vector<256x128xf32>
    %min3A_572 = vector.broadcast %get3A_559 : f32 to vector<256x128xf32>
    %min3A_573 = arith.minimumf %min3A_572, %add3A_31 : vector<256x128xf32>
    %max3A_574 = vector.broadcast %get3A_551 : f32 to vector<256x128xf32>
    %max3A_575 = arith.maximumf %max3A_574, %sub3A_24 : vector<256x128xf32>
    %sub3A_576 = arith.subf %min3A_573, %max3A_575 : vector<256x128xf32>
    %max3A_577 = arith.constant 0.000000e+00 : f32
    %max3A_578 = vector.broadcast %max3A_577 : f32 to vector<256x128xf32>
    %max3A_579 = arith.maximumf %sub3A_576, %max3A_578 : vector<256x128xf32>
    %mul3A_580 = arith.mulf %max3A_571, %max3A_579 : vector<256x128xf32>
    %sub3A_581 = arith.subf %get3A_555, %get3A_547 : f32
    %sub3A_582 = arith.subf %get3A_559, %get3A_551 : f32
    %mul3A_583 = arith.mulf %sub3A_581, %sub3A_582 : f32
    %add3A_584 = vector.broadcast %mul3A_583 : f32 to vector<256x128xf32>
    %add3A_585 = arith.addf %add3A_584, %mul3A_32 : vector<256x128xf32>
    %sub3A_586 = arith.subf %add3A_585, %mul3A_580 : vector<256x128xf32>
    %div3A_587 = arith.divf %mul3A_580, %sub3A_586 : vector<256x128xf32>
    %gt3A_588 = arith.cmpf ogt, %div3A_587, %select_n3A_528 : vector<256x128xf32>
    %jit3A_589 = arith.constant 8 : i32
    %broadcast_in_dim3A_590 = vector.broadcast %jit3A_589 : i32 to vector<256x128xi32>
    %select_n3A_591 = arith.select %gt3A_588, %broadcast_in_dim3A_590, %select_n3A_527 : vector<256x128xi1>, vector<256x128xi32>
    %select_n3A_592 = arith.select %gt3A_588, %div3A_587, %select_n3A_528 : vector<256x128xi1>, vector<256x128xf32>
    %reduce_max3A_593 = vector.shape_cast %div3A_587 : vector<256x128xf32> to vector<1x256x128xf32>
    %reduce_max3A_594 = arith.constant dense<0xFF800000> : vector<1xf32>
    %reduce_max3A_595 = vector.multi_reduction <maximumf>, %reduce_max3A_593, %reduce_max3A_594 [1, 2] : vector<1x256x128xf32> to vector<1xf32>
    %reduce_max3A_596 = vector.shape_cast %reduce_max3A_595 : vector<1xf32> to vector<1x1x1xf32>
    %reduce_max3A_597 = vector.extract %reduce_max3A_596[0, 0, 0] : f32 from vector<1x1x1xf32>
    %eq3A_598 = vector.broadcast %reduce_max3A_597 : f32 to vector<256x128xf32>
    %eq3A_599 = arith.cmpf oeq, %div3A_587, %eq3A_598 : vector<256x128xf32>
    %jit3A_600 = arith.constant 32768 : i32
    %broadcast_in_dim3A_601 = vector.broadcast %jit3A_600 : i32 to vector<256x128xi32>
    %select_n3A_602 = arith.select %eq3A_599, %add3A_37, %broadcast_in_dim3A_601 : vector<256x128xi1>, vector<256x128xi32>
    %reduce_min3A_603 = vector.shape_cast %select_n3A_602 : vector<256x128xi32> to vector<1x256x128xi32>
    %reduce_min3A_604 = arith.constant dense<2147483647> : vector<1xi32>
    %reduce_min3A_605 = vector.multi_reduction <minsi>, %reduce_min3A_603, %reduce_min3A_604 [1, 2] : vector<1x256x128xi32> to vector<1xi32>
    %reduce_min3A_606 = vector.shape_cast %reduce_min3A_605 : vector<1xi32> to vector<1x1x1xi32>
    %reduce_min3A_607 = vector.extract %reduce_min3A_606[0, 0, 0] : i32 from vector<1x1x1xi32>
    %get3A_608 = arith.constant 0 : index
    %get3A_609 = arith.constant 9 : index
    %get3A_610 = arith.constant 0 : index
    %get3A_611 = memref.load %arg1[%get3A_608, %get3A_609, %get3A_610] : memref<1x32x5xf32, #tpu.memory_space<smem>>
    %get3A_612 = arith.constant 0 : index
    %get3A_613 = arith.constant 9 : index
    %get3A_614 = arith.constant 1 : index
    %get3A_615 = memref.load %arg1[%get3A_612, %get3A_613, %get3A_614] : memref<1x32x5xf32, #tpu.memory_space<smem>>
    %get3A_616 = arith.constant 0 : index
    %get3A_617 = arith.constant 9 : index
    %get3A_618 = arith.constant 2 : index
    %get3A_619 = memref.load %arg1[%get3A_616, %get3A_617, %get3A_618] : memref<1x32x5xf32, #tpu.memory_space<smem>>
    %get3A_620 = arith.constant 0 : index
    %get3A_621 = arith.constant 9 : index
    %get3A_622 = arith.constant 3 : index
    %get3A_623 = memref.load %arg1[%get3A_620, %get3A_621, %get3A_622] : memref<1x32x5xf32, #tpu.memory_space<smem>>
    %get3A_624 = arith.constant 0 : index
    %get3A_625 = arith.constant 9 : index
    %get3A_626 = arith.constant 4 : index
    %get3A_627 = memref.load %arg1[%get3A_624, %get3A_625, %get3A_626] : memref<1x32x5xf32, #tpu.memory_space<smem>>
    %min3A_628 = vector.broadcast %get3A_619 : f32 to vector<256x128xf32>
    %min3A_629 = arith.minimumf %min3A_628, %add3A : vector<256x128xf32>
    %max3A_630 = vector.broadcast %get3A_611 : f32 to vector<256x128xf32>
    %max3A_631 = arith.maximumf %max3A_630, %sub3A : vector<256x128xf32>
    %sub3A_632 = arith.subf %min3A_629, %max3A_631 : vector<256x128xf32>
    %max3A_633 = arith.constant 0.000000e+00 : f32
    %max3A_634 = vector.broadcast %max3A_633 : f32 to vector<256x128xf32>
    %max3A_635 = arith.maximumf %sub3A_632, %max3A_634 : vector<256x128xf32>
    %min3A_636 = vector.broadcast %get3A_623 : f32 to vector<256x128xf32>
    %min3A_637 = arith.minimumf %min3A_636, %add3A_31 : vector<256x128xf32>
    %max3A_638 = vector.broadcast %get3A_615 : f32 to vector<256x128xf32>
    %max3A_639 = arith.maximumf %max3A_638, %sub3A_24 : vector<256x128xf32>
    %sub3A_640 = arith.subf %min3A_637, %max3A_639 : vector<256x128xf32>
    %max3A_641 = arith.constant 0.000000e+00 : f32
    %max3A_642 = vector.broadcast %max3A_641 : f32 to vector<256x128xf32>
    %max3A_643 = arith.maximumf %sub3A_640, %max3A_642 : vector<256x128xf32>
    %mul3A_644 = arith.mulf %max3A_635, %max3A_643 : vector<256x128xf32>
    %sub3A_645 = arith.subf %get3A_619, %get3A_611 : f32
    %sub3A_646 = arith.subf %get3A_623, %get3A_615 : f32
    %mul3A_647 = arith.mulf %sub3A_645, %sub3A_646 : f32
    %add3A_648 = vector.broadcast %mul3A_647 : f32 to vector<256x128xf32>
    %add3A_649 = arith.addf %add3A_648, %mul3A_32 : vector<256x128xf32>
    %sub3A_650 = arith.subf %add3A_649, %mul3A_644 : vector<256x128xf32>
    %div3A_651 = arith.divf %mul3A_644, %sub3A_650 : vector<256x128xf32>
    %gt3A_652 = arith.cmpf ogt, %div3A_651, %select_n3A_592 : vector<256x128xf32>
    %jit3A_653 = arith.constant 9 : i32
    %broadcast_in_dim3A_654 = vector.broadcast %jit3A_653 : i32 to vector<256x128xi32>
    %select_n3A_655 = arith.select %gt3A_652, %broadcast_in_dim3A_654, %select_n3A_591 : vector<256x128xi1>, vector<256x128xi32>
    %select_n3A_656 = arith.select %gt3A_652, %div3A_651, %select_n3A_592 : vector<256x128xi1>, vector<256x128xf32>
    %reduce_max3A_657 = vector.shape_cast %div3A_651 : vector<256x128xf32> to vector<1x256x128xf32>
    %reduce_max3A_658 = arith.constant dense<0xFF800000> : vector<1xf32>
    %reduce_max3A_659 = vector.multi_reduction <maximumf>, %reduce_max3A_657, %reduce_max3A_658 [1, 2] : vector<1x256x128xf32> to vector<1xf32>
    %reduce_max3A_660 = vector.shape_cast %reduce_max3A_659 : vector<1xf32> to vector<1x1x1xf32>
    %reduce_max3A_661 = vector.extract %reduce_max3A_660[0, 0, 0] : f32 from vector<1x1x1xf32>
    %eq3A_662 = vector.broadcast %reduce_max3A_661 : f32 to vector<256x128xf32>
    %eq3A_663 = arith.cmpf oeq, %div3A_651, %eq3A_662 : vector<256x128xf32>
    %jit3A_664 = arith.constant 32768 : i32
    %broadcast_in_dim3A_665 = vector.broadcast %jit3A_664 : i32 to vector<256x128xi32>
    %select_n3A_666 = arith.select %eq3A_663, %add3A_37, %broadcast_in_dim3A_665 : vector<256x128xi1>, vector<256x128xi32>
    %reduce_min3A_667 = vector.shape_cast %select_n3A_666 : vector<256x128xi32> to vector<1x256x128xi32>
    %reduce_min3A_668 = arith.constant dense<2147483647> : vector<1xi32>
    %reduce_min3A_669 = vector.multi_reduction <minsi>, %reduce_min3A_667, %reduce_min3A_668 [1, 2] : vector<1x256x128xi32> to vector<1xi32>
    %reduce_min3A_670 = vector.shape_cast %reduce_min3A_669 : vector<1xi32> to vector<1x1x1xi32>
    %reduce_min3A_671 = vector.extract %reduce_min3A_670[0, 0, 0] : i32 from vector<1x1x1xi32>
    %get3A_672 = arith.constant 0 : index
    %get3A_673 = arith.constant 10 : index
    %get3A_674 = arith.constant 0 : index
    %get3A_675 = memref.load %arg1[%get3A_672, %get3A_673, %get3A_674] : memref<1x32x5xf32, #tpu.memory_space<smem>>
    %get3A_676 = arith.constant 0 : index
    %get3A_677 = arith.constant 10 : index
    %get3A_678 = arith.constant 1 : index
    %get3A_679 = memref.load %arg1[%get3A_676, %get3A_677, %get3A_678] : memref<1x32x5xf32, #tpu.memory_space<smem>>
    %get3A_680 = arith.constant 0 : index
    %get3A_681 = arith.constant 10 : index
    %get3A_682 = arith.constant 2 : index
    %get3A_683 = memref.load %arg1[%get3A_680, %get3A_681, %get3A_682] : memref<1x32x5xf32, #tpu.memory_space<smem>>
    %get3A_684 = arith.constant 0 : index
    %get3A_685 = arith.constant 10 : index
    %get3A_686 = arith.constant 3 : index
    %get3A_687 = memref.load %arg1[%get3A_684, %get3A_685, %get3A_686] : memref<1x32x5xf32, #tpu.memory_space<smem>>
    %get3A_688 = arith.constant 0 : index
    %get3A_689 = arith.constant 10 : index
    %get3A_690 = arith.constant 4 : index
    %get3A_691 = memref.load %arg1[%get3A_688, %get3A_689, %get3A_690] : memref<1x32x5xf32, #tpu.memory_space<smem>>
    %min3A_692 = vector.broadcast %get3A_683 : f32 to vector<256x128xf32>
    %min3A_693 = arith.minimumf %min3A_692, %add3A : vector<256x128xf32>
    %max3A_694 = vector.broadcast %get3A_675 : f32 to vector<256x128xf32>
    %max3A_695 = arith.maximumf %max3A_694, %sub3A : vector<256x128xf32>
    %sub3A_696 = arith.subf %min3A_693, %max3A_695 : vector<256x128xf32>
    %max3A_697 = arith.constant 0.000000e+00 : f32
    %max3A_698 = vector.broadcast %max3A_697 : f32 to vector<256x128xf32>
    %max3A_699 = arith.maximumf %sub3A_696, %max3A_698 : vector<256x128xf32>
    %min3A_700 = vector.broadcast %get3A_687 : f32 to vector<256x128xf32>
    %min3A_701 = arith.minimumf %min3A_700, %add3A_31 : vector<256x128xf32>
    %max3A_702 = vector.broadcast %get3A_679 : f32 to vector<256x128xf32>
    %max3A_703 = arith.maximumf %max3A_702, %sub3A_24 : vector<256x128xf32>
    %sub3A_704 = arith.subf %min3A_701, %max3A_703 : vector<256x128xf32>
    %max3A_705 = arith.constant 0.000000e+00 : f32
    %max3A_706 = vector.broadcast %max3A_705 : f32 to vector<256x128xf32>
    %max3A_707 = arith.maximumf %sub3A_704, %max3A_706 : vector<256x128xf32>
    %mul3A_708 = arith.mulf %max3A_699, %max3A_707 : vector<256x128xf32>
    %sub3A_709 = arith.subf %get3A_683, %get3A_675 : f32
    %sub3A_710 = arith.subf %get3A_687, %get3A_679 : f32
    %mul3A_711 = arith.mulf %sub3A_709, %sub3A_710 : f32
    %add3A_712 = vector.broadcast %mul3A_711 : f32 to vector<256x128xf32>
    %add3A_713 = arith.addf %add3A_712, %mul3A_32 : vector<256x128xf32>
    %sub3A_714 = arith.subf %add3A_713, %mul3A_708 : vector<256x128xf32>
    %div3A_715 = arith.divf %mul3A_708, %sub3A_714 : vector<256x128xf32>
    %gt3A_716 = arith.cmpf ogt, %div3A_715, %select_n3A_656 : vector<256x128xf32>
    %jit3A_717 = arith.constant 10 : i32
    %broadcast_in_dim3A_718 = vector.broadcast %jit3A_717 : i32 to vector<256x128xi32>
    %select_n3A_719 = arith.select %gt3A_716, %broadcast_in_dim3A_718, %select_n3A_655 : vector<256x128xi1>, vector<256x128xi32>
    %select_n3A_720 = arith.select %gt3A_716, %div3A_715, %select_n3A_656 : vector<256x128xi1>, vector<256x128xf32>
    %reduce_max3A_721 = vector.shape_cast %div3A_715 : vector<256x128xf32> to vector<1x256x128xf32>
    %reduce_max3A_722 = arith.constant dense<0xFF800000> : vector<1xf32>
    %reduce_max3A_723 = vector.multi_reduction <maximumf>, %reduce_max3A_721, %reduce_max3A_722 [1, 2] : vector<1x256x128xf32> to vector<1xf32>
    %reduce_max3A_724 = vector.shape_cast %reduce_max3A_723 : vector<1xf32> to vector<1x1x1xf32>
    %reduce_max3A_725 = vector.extract %reduce_max3A_724[0, 0, 0] : f32 from vector<1x1x1xf32>
    %eq3A_726 = vector.broadcast %reduce_max3A_725 : f32 to vector<256x128xf32>
    %eq3A_727 = arith.cmpf oeq, %div3A_715, %eq3A_726 : vector<256x128xf32>
    %jit3A_728 = arith.constant 32768 : i32
    %broadcast_in_dim3A_729 = vector.broadcast %jit3A_728 : i32 to vector<256x128xi32>
    %select_n3A_730 = arith.select %eq3A_727, %add3A_37, %broadcast_in_dim3A_729 : vector<256x128xi1>, vector<256x128xi32>
    %reduce_min3A_731 = vector.shape_cast %select_n3A_730 : vector<256x128xi32> to vector<1x256x128xi32>
    %reduce_min3A_732 = arith.constant dense<2147483647> : vector<1xi32>
    %reduce_min3A_733 = vector.multi_reduction <minsi>, %reduce_min3A_731, %reduce_min3A_732 [1, 2] : vector<1x256x128xi32> to vector<1xi32>
    %reduce_min3A_734 = vector.shape_cast %reduce_min3A_733 : vector<1xi32> to vector<1x1x1xi32>
    %reduce_min3A_735 = vector.extract %reduce_min3A_734[0, 0, 0] : i32 from vector<1x1x1xi32>
    %get3A_736 = arith.constant 0 : index
    %get3A_737 = arith.constant 11 : index
    %get3A_738 = arith.constant 0 : index
    %get3A_739 = memref.load %arg1[%get3A_736, %get3A_737, %get3A_738] : memref<1x32x5xf32, #tpu.memory_space<smem>>
    %get3A_740 = arith.constant 0 : index
    %get3A_741 = arith.constant 11 : index
    %get3A_742 = arith.constant 1 : index
    %get3A_743 = memref.load %arg1[%get3A_740, %get3A_741, %get3A_742] : memref<1x32x5xf32, #tpu.memory_space<smem>>
    %get3A_744 = arith.constant 0 : index
    %get3A_745 = arith.constant 11 : index
    %get3A_746 = arith.constant 2 : index
    %get3A_747 = memref.load %arg1[%get3A_744, %get3A_745, %get3A_746] : memref<1x32x5xf32, #tpu.memory_space<smem>>
    %get3A_748 = arith.constant 0 : index
    %get3A_749 = arith.constant 11 : index
    %get3A_750 = arith.constant 3 : index
    %get3A_751 = memref.load %arg1[%get3A_748, %get3A_749, %get3A_750] : memref<1x32x5xf32, #tpu.memory_space<smem>>
    %get3A_752 = arith.constant 0 : index
    %get3A_753 = arith.constant 11 : index
    %get3A_754 = arith.constant 4 : index
    %get3A_755 = memref.load %arg1[%get3A_752, %get3A_753, %get3A_754] : memref<1x32x5xf32, #tpu.memory_space<smem>>
    %min3A_756 = vector.broadcast %get3A_747 : f32 to vector<256x128xf32>
    %min3A_757 = arith.minimumf %min3A_756, %add3A : vector<256x128xf32>
    %max3A_758 = vector.broadcast %get3A_739 : f32 to vector<256x128xf32>
    %max3A_759 = arith.maximumf %max3A_758, %sub3A : vector<256x128xf32>
    %sub3A_760 = arith.subf %min3A_757, %max3A_759 : vector<256x128xf32>
    %max3A_761 = arith.constant 0.000000e+00 : f32
    %max3A_762 = vector.broadcast %max3A_761 : f32 to vector<256x128xf32>
    %max3A_763 = arith.maximumf %sub3A_760, %max3A_762 : vector<256x128xf32>
    %min3A_764 = vector.broadcast %get3A_751 : f32 to vector<256x128xf32>
    %min3A_765 = arith.minimumf %min3A_764, %add3A_31 : vector<256x128xf32>
    %max3A_766 = vector.broadcast %get3A_743 : f32 to vector<256x128xf32>
    %max3A_767 = arith.maximumf %max3A_766, %sub3A_24 : vector<256x128xf32>
    %sub3A_768 = arith.subf %min3A_765, %max3A_767 : vector<256x128xf32>
    %max3A_769 = arith.constant 0.000000e+00 : f32
    %max3A_770 = vector.broadcast %max3A_769 : f32 to vector<256x128xf32>
    %max3A_771 = arith.maximumf %sub3A_768, %max3A_770 : vector<256x128xf32>
    %mul3A_772 = arith.mulf %max3A_763, %max3A_771 : vector<256x128xf32>
    %sub3A_773 = arith.subf %get3A_747, %get3A_739 : f32
    %sub3A_774 = arith.subf %get3A_751, %get3A_743 : f32
    %mul3A_775 = arith.mulf %sub3A_773, %sub3A_774 : f32
    %add3A_776 = vector.broadcast %mul3A_775 : f32 to vector<256x128xf32>
    %add3A_777 = arith.addf %add3A_776, %mul3A_32 : vector<256x128xf32>
    %sub3A_778 = arith.subf %add3A_777, %mul3A_772 : vector<256x128xf32>
    %div3A_779 = arith.divf %mul3A_772, %sub3A_778 : vector<256x128xf32>
    %gt3A_780 = arith.cmpf ogt, %div3A_779, %select_n3A_720 : vector<256x128xf32>
    %jit3A_781 = arith.constant 11 : i32
    %broadcast_in_dim3A_782 = vector.broadcast %jit3A_781 : i32 to vector<256x128xi32>
    %select_n3A_783 = arith.select %gt3A_780, %broadcast_in_dim3A_782, %select_n3A_719 : vector<256x128xi1>, vector<256x128xi32>
    %select_n3A_784 = arith.select %gt3A_780, %div3A_779, %select_n3A_720 : vector<256x128xi1>, vector<256x128xf32>
    %reduce_max3A_785 = vector.shape_cast %div3A_779 : vector<256x128xf32> to vector<1x256x128xf32>
    %reduce_max3A_786 = arith.constant dense<0xFF800000> : vector<1xf32>
    %reduce_max3A_787 = vector.multi_reduction <maximumf>, %reduce_max3A_785, %reduce_max3A_786 [1, 2] : vector<1x256x128xf32> to vector<1xf32>
    %reduce_max3A_788 = vector.shape_cast %reduce_max3A_787 : vector<1xf32> to vector<1x1x1xf32>
    %reduce_max3A_789 = vector.extract %reduce_max3A_788[0, 0, 0] : f32 from vector<1x1x1xf32>
    %eq3A_790 = vector.broadcast %reduce_max3A_789 : f32 to vector<256x128xf32>
    %eq3A_791 = arith.cmpf oeq, %div3A_779, %eq3A_790 : vector<256x128xf32>
    %jit3A_792 = arith.constant 32768 : i32
    %broadcast_in_dim3A_793 = vector.broadcast %jit3A_792 : i32 to vector<256x128xi32>
    %select_n3A_794 = arith.select %eq3A_791, %add3A_37, %broadcast_in_dim3A_793 : vector<256x128xi1>, vector<256x128xi32>
    %reduce_min3A_795 = vector.shape_cast %select_n3A_794 : vector<256x128xi32> to vector<1x256x128xi32>
    %reduce_min3A_796 = arith.constant dense<2147483647> : vector<1xi32>
    %reduce_min3A_797 = vector.multi_reduction <minsi>, %reduce_min3A_795, %reduce_min3A_796 [1, 2] : vector<1x256x128xi32> to vector<1xi32>
    %reduce_min3A_798 = vector.shape_cast %reduce_min3A_797 : vector<1xi32> to vector<1x1x1xi32>
    %reduce_min3A_799 = vector.extract %reduce_min3A_798[0, 0, 0] : i32 from vector<1x1x1xi32>
    %get3A_800 = arith.constant 0 : index
    %get3A_801 = arith.constant 12 : index
    %get3A_802 = arith.constant 0 : index
    %get3A_803 = memref.load %arg1[%get3A_800, %get3A_801, %get3A_802] : memref<1x32x5xf32, #tpu.memory_space<smem>>
    %get3A_804 = arith.constant 0 : index
    %get3A_805 = arith.constant 12 : index
    %get3A_806 = arith.constant 1 : index
    %get3A_807 = memref.load %arg1[%get3A_804, %get3A_805, %get3A_806] : memref<1x32x5xf32, #tpu.memory_space<smem>>
    %get3A_808 = arith.constant 0 : index
    %get3A_809 = arith.constant 12 : index
    %get3A_810 = arith.constant 2 : index
    %get3A_811 = memref.load %arg1[%get3A_808, %get3A_809, %get3A_810] : memref<1x32x5xf32, #tpu.memory_space<smem>>
    %get3A_812 = arith.constant 0 : index
    %get3A_813 = arith.constant 12 : index
    %get3A_814 = arith.constant 3 : index
    %get3A_815 = memref.load %arg1[%get3A_812, %get3A_813, %get3A_814] : memref<1x32x5xf32, #tpu.memory_space<smem>>
    %get3A_816 = arith.constant 0 : index
    %get3A_817 = arith.constant 12 : index
    %get3A_818 = arith.constant 4 : index
    %get3A_819 = memref.load %arg1[%get3A_816, %get3A_817, %get3A_818] : memref<1x32x5xf32, #tpu.memory_space<smem>>
    %min3A_820 = vector.broadcast %get3A_811 : f32 to vector<256x128xf32>
    %min3A_821 = arith.minimumf %min3A_820, %add3A : vector<256x128xf32>
    %max3A_822 = vector.broadcast %get3A_803 : f32 to vector<256x128xf32>
    %max3A_823 = arith.maximumf %max3A_822, %sub3A : vector<256x128xf32>
    %sub3A_824 = arith.subf %min3A_821, %max3A_823 : vector<256x128xf32>
    %max3A_825 = arith.constant 0.000000e+00 : f32
    %max3A_826 = vector.broadcast %max3A_825 : f32 to vector<256x128xf32>
    %max3A_827 = arith.maximumf %sub3A_824, %max3A_826 : vector<256x128xf32>
    %min3A_828 = vector.broadcast %get3A_815 : f32 to vector<256x128xf32>
    %min3A_829 = arith.minimumf %min3A_828, %add3A_31 : vector<256x128xf32>
    %max3A_830 = vector.broadcast %get3A_807 : f32 to vector<256x128xf32>
    %max3A_831 = arith.maximumf %max3A_830, %sub3A_24 : vector<256x128xf32>
    %sub3A_832 = arith.subf %min3A_829, %max3A_831 : vector<256x128xf32>
    %max3A_833 = arith.constant 0.000000e+00 : f32
    %max3A_834 = vector.broadcast %max3A_833 : f32 to vector<256x128xf32>
    %max3A_835 = arith.maximumf %sub3A_832, %max3A_834 : vector<256x128xf32>
    %mul3A_836 = arith.mulf %max3A_827, %max3A_835 : vector<256x128xf32>
    %sub3A_837 = arith.subf %get3A_811, %get3A_803 : f32
    %sub3A_838 = arith.subf %get3A_815, %get3A_807 : f32
    %mul3A_839 = arith.mulf %sub3A_837, %sub3A_838 : f32
    %add3A_840 = vector.broadcast %mul3A_839 : f32 to vector<256x128xf32>
    %add3A_841 = arith.addf %add3A_840, %mul3A_32 : vector<256x128xf32>
    %sub3A_842 = arith.subf %add3A_841, %mul3A_836 : vector<256x128xf32>
    %div3A_843 = arith.divf %mul3A_836, %sub3A_842 : vector<256x128xf32>
    %gt3A_844 = arith.cmpf ogt, %div3A_843, %select_n3A_784 : vector<256x128xf32>
    %jit3A_845 = arith.constant 12 : i32
    %broadcast_in_dim3A_846 = vector.broadcast %jit3A_845 : i32 to vector<256x128xi32>
    %select_n3A_847 = arith.select %gt3A_844, %broadcast_in_dim3A_846, %select_n3A_783 : vector<256x128xi1>, vector<256x128xi32>
    %select_n3A_848 = arith.select %gt3A_844, %div3A_843, %select_n3A_784 : vector<256x128xi1>, vector<256x128xf32>
    %reduce_max3A_849 = vector.shape_cast %div3A_843 : vector<256x128xf32> to vector<1x256x128xf32>
    %reduce_max3A_850 = arith.constant dense<0xFF800000> : vector<1xf32>
    %reduce_max3A_851 = vector.multi_reduction <maximumf>, %reduce_max3A_849, %reduce_max3A_850 [1, 2] : vector<1x256x128xf32> to vector<1xf32>
    %reduce_max3A_852 = vector.shape_cast %reduce_max3A_851 : vector<1xf32> to vector<1x1x1xf32>
    %reduce_max3A_853 = vector.extract %reduce_max3A_852[0, 0, 0] : f32 from vector<1x1x1xf32>
    %eq3A_854 = vector.broadcast %reduce_max3A_853 : f32 to vector<256x128xf32>
    %eq3A_855 = arith.cmpf oeq, %div3A_843, %eq3A_854 : vector<256x128xf32>
    %jit3A_856 = arith.constant 32768 : i32
    %broadcast_in_dim3A_857 = vector.broadcast %jit3A_856 : i32 to vector<256x128xi32>
    %select_n3A_858 = arith.select %eq3A_855, %add3A_37, %broadcast_in_dim3A_857 : vector<256x128xi1>, vector<256x128xi32>
    %reduce_min3A_859 = vector.shape_cast %select_n3A_858 : vector<256x128xi32> to vector<1x256x128xi32>
    %reduce_min3A_860 = arith.constant dense<2147483647> : vector<1xi32>
    %reduce_min3A_861 = vector.multi_reduction <minsi>, %reduce_min3A_859, %reduce_min3A_860 [1, 2] : vector<1x256x128xi32> to vector<1xi32>
    %reduce_min3A_862 = vector.shape_cast %reduce_min3A_861 : vector<1xi32> to vector<1x1x1xi32>
    %reduce_min3A_863 = vector.extract %reduce_min3A_862[0, 0, 0] : i32 from vector<1x1x1xi32>
    %get3A_864 = arith.constant 0 : index
    %get3A_865 = arith.constant 13 : index
    %get3A_866 = arith.constant 0 : index
    %get3A_867 = memref.load %arg1[%get3A_864, %get3A_865, %get3A_866] : memref<1x32x5xf32, #tpu.memory_space<smem>>
    %get3A_868 = arith.constant 0 : index
    %get3A_869 = arith.constant 13 : index
    %get3A_870 = arith.constant 1 : index
    %get3A_871 = memref.load %arg1[%get3A_868, %get3A_869, %get3A_870] : memref<1x32x5xf32, #tpu.memory_space<smem>>
    %get3A_872 = arith.constant 0 : index
    %get3A_873 = arith.constant 13 : index
    %get3A_874 = arith.constant 2 : index
    %get3A_875 = memref.load %arg1[%get3A_872, %get3A_873, %get3A_874] : memref<1x32x5xf32, #tpu.memory_space<smem>>
    %get3A_876 = arith.constant 0 : index
    %get3A_877 = arith.constant 13 : index
    %get3A_878 = arith.constant 3 : index
    %get3A_879 = memref.load %arg1[%get3A_876, %get3A_877, %get3A_878] : memref<1x32x5xf32, #tpu.memory_space<smem>>
    %get3A_880 = arith.constant 0 : index
    %get3A_881 = arith.constant 13 : index
    %get3A_882 = arith.constant 4 : index
    %get3A_883 = memref.load %arg1[%get3A_880, %get3A_881, %get3A_882] : memref<1x32x5xf32, #tpu.memory_space<smem>>
    %min3A_884 = vector.broadcast %get3A_875 : f32 to vector<256x128xf32>
    %min3A_885 = arith.minimumf %min3A_884, %add3A : vector<256x128xf32>
    %max3A_886 = vector.broadcast %get3A_867 : f32 to vector<256x128xf32>
    %max3A_887 = arith.maximumf %max3A_886, %sub3A : vector<256x128xf32>
    %sub3A_888 = arith.subf %min3A_885, %max3A_887 : vector<256x128xf32>
    %max3A_889 = arith.constant 0.000000e+00 : f32
    %max3A_890 = vector.broadcast %max3A_889 : f32 to vector<256x128xf32>
    %max3A_891 = arith.maximumf %sub3A_888, %max3A_890 : vector<256x128xf32>
    %min3A_892 = vector.broadcast %get3A_879 : f32 to vector<256x128xf32>
    %min3A_893 = arith.minimumf %min3A_892, %add3A_31 : vector<256x128xf32>
    %max3A_894 = vector.broadcast %get3A_871 : f32 to vector<256x128xf32>
    %max3A_895 = arith.maximumf %max3A_894, %sub3A_24 : vector<256x128xf32>
    %sub3A_896 = arith.subf %min3A_893, %max3A_895 : vector<256x128xf32>
    %max3A_897 = arith.constant 0.000000e+00 : f32
    %max3A_898 = vector.broadcast %max3A_897 : f32 to vector<256x128xf32>
    %max3A_899 = arith.maximumf %sub3A_896, %max3A_898 : vector<256x128xf32>
    %mul3A_900 = arith.mulf %max3A_891, %max3A_899 : vector<256x128xf32>
    %sub3A_901 = arith.subf %get3A_875, %get3A_867 : f32
    %sub3A_902 = arith.subf %get3A_879, %get3A_871 : f32
    %mul3A_903 = arith.mulf %sub3A_901, %sub3A_902 : f32
    %add3A_904 = vector.broadcast %mul3A_903 : f32 to vector<256x128xf32>
    %add3A_905 = arith.addf %add3A_904, %mul3A_32 : vector<256x128xf32>
    %sub3A_906 = arith.subf %add3A_905, %mul3A_900 : vector<256x128xf32>
    %div3A_907 = arith.divf %mul3A_900, %sub3A_906 : vector<256x128xf32>
    %gt3A_908 = arith.cmpf ogt, %div3A_907, %select_n3A_848 : vector<256x128xf32>
    %jit3A_909 = arith.constant 13 : i32
    %broadcast_in_dim3A_910 = vector.broadcast %jit3A_909 : i32 to vector<256x128xi32>
    %select_n3A_911 = arith.select %gt3A_908, %broadcast_in_dim3A_910, %select_n3A_847 : vector<256x128xi1>, vector<256x128xi32>
    %select_n3A_912 = arith.select %gt3A_908, %div3A_907, %select_n3A_848 : vector<256x128xi1>, vector<256x128xf32>
    %reduce_max3A_913 = vector.shape_cast %div3A_907 : vector<256x128xf32> to vector<1x256x128xf32>
    %reduce_max3A_914 = arith.constant dense<0xFF800000> : vector<1xf32>
    %reduce_max3A_915 = vector.multi_reduction <maximumf>, %reduce_max3A_913, %reduce_max3A_914 [1, 2] : vector<1x256x128xf32> to vector<1xf32>
    %reduce_max3A_916 = vector.shape_cast %reduce_max3A_915 : vector<1xf32> to vector<1x1x1xf32>
    %reduce_max3A_917 = vector.extract %reduce_max3A_916[0, 0, 0] : f32 from vector<1x1x1xf32>
    %eq3A_918 = vector.broadcast %reduce_max3A_917 : f32 to vector<256x128xf32>
    %eq3A_919 = arith.cmpf oeq, %div3A_907, %eq3A_918 : vector<256x128xf32>
    %jit3A_920 = arith.constant 32768 : i32
    %broadcast_in_dim3A_921 = vector.broadcast %jit3A_920 : i32 to vector<256x128xi32>
    %select_n3A_922 = arith.select %eq3A_919, %add3A_37, %broadcast_in_dim3A_921 : vector<256x128xi1>, vector<256x128xi32>
    %reduce_min3A_923 = vector.shape_cast %select_n3A_922 : vector<256x128xi32> to vector<1x256x128xi32>
    %reduce_min3A_924 = arith.constant dense<2147483647> : vector<1xi32>
    %reduce_min3A_925 = vector.multi_reduction <minsi>, %reduce_min3A_923, %reduce_min3A_924 [1, 2] : vector<1x256x128xi32> to vector<1xi32>
    %reduce_min3A_926 = vector.shape_cast %reduce_min3A_925 : vector<1xi32> to vector<1x1x1xi32>
    %reduce_min3A_927 = vector.extract %reduce_min3A_926[0, 0, 0] : i32 from vector<1x1x1xi32>
    %get3A_928 = arith.constant 0 : index
    %get3A_929 = arith.constant 14 : index
    %get3A_930 = arith.constant 0 : index
    %get3A_931 = memref.load %arg1[%get3A_928, %get3A_929, %get3A_930] : memref<1x32x5xf32, #tpu.memory_space<smem>>
    %get3A_932 = arith.constant 0 : index
    %get3A_933 = arith.constant 14 : index
    %get3A_934 = arith.constant 1 : index
    %get3A_935 = memref.load %arg1[%get3A_932, %get3A_933, %get3A_934] : memref<1x32x5xf32, #tpu.memory_space<smem>>
    %get3A_936 = arith.constant 0 : index
    %get3A_937 = arith.constant 14 : index
    %get3A_938 = arith.constant 2 : index
    %get3A_939 = memref.load %arg1[%get3A_936, %get3A_937, %get3A_938] : memref<1x32x5xf32, #tpu.memory_space<smem>>
    %get3A_940 = arith.constant 0 : index
    %get3A_941 = arith.constant 14 : index
    %get3A_942 = arith.constant 3 : index
    %get3A_943 = memref.load %arg1[%get3A_940, %get3A_941, %get3A_942] : memref<1x32x5xf32, #tpu.memory_space<smem>>
    %get3A_944 = arith.constant 0 : index
    %get3A_945 = arith.constant 14 : index
    %get3A_946 = arith.constant 4 : index
    %get3A_947 = memref.load %arg1[%get3A_944, %get3A_945, %get3A_946] : memref<1x32x5xf32, #tpu.memory_space<smem>>
    %min3A_948 = vector.broadcast %get3A_939 : f32 to vector<256x128xf32>
    %min3A_949 = arith.minimumf %min3A_948, %add3A : vector<256x128xf32>
    %max3A_950 = vector.broadcast %get3A_931 : f32 to vector<256x128xf32>
    %max3A_951 = arith.maximumf %max3A_950, %sub3A : vector<256x128xf32>
    %sub3A_952 = arith.subf %min3A_949, %max3A_951 : vector<256x128xf32>
    %max3A_953 = arith.constant 0.000000e+00 : f32
    %max3A_954 = vector.broadcast %max3A_953 : f32 to vector<256x128xf32>
    %max3A_955 = arith.maximumf %sub3A_952, %max3A_954 : vector<256x128xf32>
    %min3A_956 = vector.broadcast %get3A_943 : f32 to vector<256x128xf32>
    %min3A_957 = arith.minimumf %min3A_956, %add3A_31 : vector<256x128xf32>
    %max3A_958 = vector.broadcast %get3A_935 : f32 to vector<256x128xf32>
    %max3A_959 = arith.maximumf %max3A_958, %sub3A_24 : vector<256x128xf32>
    %sub3A_960 = arith.subf %min3A_957, %max3A_959 : vector<256x128xf32>
    %max3A_961 = arith.constant 0.000000e+00 : f32
    %max3A_962 = vector.broadcast %max3A_961 : f32 to vector<256x128xf32>
    %max3A_963 = arith.maximumf %sub3A_960, %max3A_962 : vector<256x128xf32>
    %mul3A_964 = arith.mulf %max3A_955, %max3A_963 : vector<256x128xf32>
    %sub3A_965 = arith.subf %get3A_939, %get3A_931 : f32
    %sub3A_966 = arith.subf %get3A_943, %get3A_935 : f32
    %mul3A_967 = arith.mulf %sub3A_965, %sub3A_966 : f32
    %add3A_968 = vector.broadcast %mul3A_967 : f32 to vector<256x128xf32>
    %add3A_969 = arith.addf %add3A_968, %mul3A_32 : vector<256x128xf32>
    %sub3A_970 = arith.subf %add3A_969, %mul3A_964 : vector<256x128xf32>
    %div3A_971 = arith.divf %mul3A_964, %sub3A_970 : vector<256x128xf32>
    %gt3A_972 = arith.cmpf ogt, %div3A_971, %select_n3A_912 : vector<256x128xf32>
    %jit3A_973 = arith.constant 14 : i32
    %broadcast_in_dim3A_974 = vector.broadcast %jit3A_973 : i32 to vector<256x128xi32>
    %select_n3A_975 = arith.select %gt3A_972, %broadcast_in_dim3A_974, %select_n3A_911 : vector<256x128xi1>, vector<256x128xi32>
    %select_n3A_976 = arith.select %gt3A_972, %div3A_971, %select_n3A_912 : vector<256x128xi1>, vector<256x128xf32>
    %reduce_max3A_977 = vector.shape_cast %div3A_971 : vector<256x128xf32> to vector<1x256x128xf32>
    %reduce_max3A_978 = arith.constant dense<0xFF800000> : vector<1xf32>
    %reduce_max3A_979 = vector.multi_reduction <maximumf>, %reduce_max3A_977, %reduce_max3A_978 [1, 2] : vector<1x256x128xf32> to vector<1xf32>
    %reduce_max3A_980 = vector.shape_cast %reduce_max3A_979 : vector<1xf32> to vector<1x1x1xf32>
    %reduce_max3A_981 = vector.extract %reduce_max3A_980[0, 0, 0] : f32 from vector<1x1x1xf32>
    %eq3A_982 = vector.broadcast %reduce_max3A_981 : f32 to vector<256x128xf32>
    %eq3A_983 = arith.cmpf oeq, %div3A_971, %eq3A_982 : vector<256x128xf32>
    %jit3A_984 = arith.constant 32768 : i32
    %broadcast_in_dim3A_985 = vector.broadcast %jit3A_984 : i32 to vector<256x128xi32>
    %select_n3A_986 = arith.select %eq3A_983, %add3A_37, %broadcast_in_dim3A_985 : vector<256x128xi1>, vector<256x128xi32>
    %reduce_min3A_987 = vector.shape_cast %select_n3A_986 : vector<256x128xi32> to vector<1x256x128xi32>
    %reduce_min3A_988 = arith.constant dense<2147483647> : vector<1xi32>
    %reduce_min3A_989 = vector.multi_reduction <minsi>, %reduce_min3A_987, %reduce_min3A_988 [1, 2] : vector<1x256x128xi32> to vector<1xi32>
    %reduce_min3A_990 = vector.shape_cast %reduce_min3A_989 : vector<1xi32> to vector<1x1x1xi32>
    %reduce_min3A_991 = vector.extract %reduce_min3A_990[0, 0, 0] : i32 from vector<1x1x1xi32>
    %get3A_992 = arith.constant 0 : index
    %get3A_993 = arith.constant 15 : index
    %get3A_994 = arith.constant 0 : index
    %get3A_995 = memref.load %arg1[%get3A_992, %get3A_993, %get3A_994] : memref<1x32x5xf32, #tpu.memory_space<smem>>
    %get3A_996 = arith.constant 0 : index
    %get3A_997 = arith.constant 15 : index
    %get3A_998 = arith.constant 1 : index
    %get3A_999 = memref.load %arg1[%get3A_996, %get3A_997, %get3A_998] : memref<1x32x5xf32, #tpu.memory_space<smem>>
    %get3A_1000 = arith.constant 0 : index
    %get3A_1001 = arith.constant 15 : index
    %get3A_1002 = arith.constant 2 : index
    %get3A_1003 = memref.load %arg1[%get3A_1000, %get3A_1001, %get3A_1002] : memref<1x32x5xf32, #tpu.memory_space<smem>>
    %get3A_1004 = arith.constant 0 : index
    %get3A_1005 = arith.constant 15 : index
    %get3A_1006 = arith.constant 3 : index
    %get3A_1007 = memref.load %arg1[%get3A_1004, %get3A_1005, %get3A_1006] : memref<1x32x5xf32, #tpu.memory_space<smem>>
    %get3A_1008 = arith.constant 0 : index
    %get3A_1009 = arith.constant 15 : index
    %get3A_1010 = arith.constant 4 : index
    %get3A_1011 = memref.load %arg1[%get3A_1008, %get3A_1009, %get3A_1010] : memref<1x32x5xf32, #tpu.memory_space<smem>>
    %min3A_1012 = vector.broadcast %get3A_1003 : f32 to vector<256x128xf32>
    %min3A_1013 = arith.minimumf %min3A_1012, %add3A : vector<256x128xf32>
    %max3A_1014 = vector.broadcast %get3A_995 : f32 to vector<256x128xf32>
    %max3A_1015 = arith.maximumf %max3A_1014, %sub3A : vector<256x128xf32>
    %sub3A_1016 = arith.subf %min3A_1013, %max3A_1015 : vector<256x128xf32>
    %max3A_1017 = arith.constant 0.000000e+00 : f32
    %max3A_1018 = vector.broadcast %max3A_1017 : f32 to vector<256x128xf32>
    %max3A_1019 = arith.maximumf %sub3A_1016, %max3A_1018 : vector<256x128xf32>
    %min3A_1020 = vector.broadcast %get3A_1007 : f32 to vector<256x128xf32>
    %min3A_1021 = arith.minimumf %min3A_1020, %add3A_31 : vector<256x128xf32>
    %max3A_1022 = vector.broadcast %get3A_999 : f32 to vector<256x128xf32>
    %max3A_1023 = arith.maximumf %max3A_1022, %sub3A_24 : vector<256x128xf32>
    %sub3A_1024 = arith.subf %min3A_1021, %max3A_1023 : vector<256x128xf32>
    %max3A_1025 = arith.constant 0.000000e+00 : f32
    %max3A_1026 = vector.broadcast %max3A_1025 : f32 to vector<256x128xf32>
    %max3A_1027 = arith.maximumf %sub3A_1024, %max3A_1026 : vector<256x128xf32>
    %mul3A_1028 = arith.mulf %max3A_1019, %max3A_1027 : vector<256x128xf32>
    %sub3A_1029 = arith.subf %get3A_1003, %get3A_995 : f32
    %sub3A_1030 = arith.subf %get3A_1007, %get3A_999 : f32
    %mul3A_1031 = arith.mulf %sub3A_1029, %sub3A_1030 : f32
    %add3A_1032 = vector.broadcast %mul3A_1031 : f32 to vector<256x128xf32>
    %add3A_1033 = arith.addf %add3A_1032, %mul3A_32 : vector<256x128xf32>
    %sub3A_1034 = arith.subf %add3A_1033, %mul3A_1028 : vector<256x128xf32>
    %div3A_1035 = arith.divf %mul3A_1028, %sub3A_1034 : vector<256x128xf32>
    %gt3A_1036 = arith.cmpf ogt, %div3A_1035, %select_n3A_976 : vector<256x128xf32>
    %jit3A_1037 = arith.constant 15 : i32
    %broadcast_in_dim3A_1038 = vector.broadcast %jit3A_1037 : i32 to vector<256x128xi32>
    %select_n3A_1039 = arith.select %gt3A_1036, %broadcast_in_dim3A_1038, %select_n3A_975 : vector<256x128xi1>, vector<256x128xi32>
    %select_n3A_1040 = arith.select %gt3A_1036, %div3A_1035, %select_n3A_976 : vector<256x128xi1>, vector<256x128xf32>
    %reduce_max3A_1041 = vector.shape_cast %div3A_1035 : vector<256x128xf32> to vector<1x256x128xf32>
    %reduce_max3A_1042 = arith.constant dense<0xFF800000> : vector<1xf32>
    %reduce_max3A_1043 = vector.multi_reduction <maximumf>, %reduce_max3A_1041, %reduce_max3A_1042 [1, 2] : vector<1x256x128xf32> to vector<1xf32>
    %reduce_max3A_1044 = vector.shape_cast %reduce_max3A_1043 : vector<1xf32> to vector<1x1x1xf32>
    %reduce_max3A_1045 = vector.extract %reduce_max3A_1044[0, 0, 0] : f32 from vector<1x1x1xf32>
    %eq3A_1046 = vector.broadcast %reduce_max3A_1045 : f32 to vector<256x128xf32>
    %eq3A_1047 = arith.cmpf oeq, %div3A_1035, %eq3A_1046 : vector<256x128xf32>
    %jit3A_1048 = arith.constant 32768 : i32
    %broadcast_in_dim3A_1049 = vector.broadcast %jit3A_1048 : i32 to vector<256x128xi32>
    %select_n3A_1050 = arith.select %eq3A_1047, %add3A_37, %broadcast_in_dim3A_1049 : vector<256x128xi1>, vector<256x128xi32>
    %reduce_min3A_1051 = vector.shape_cast %select_n3A_1050 : vector<256x128xi32> to vector<1x256x128xi32>
    %reduce_min3A_1052 = arith.constant dense<2147483647> : vector<1xi32>
    %reduce_min3A_1053 = vector.multi_reduction <minsi>, %reduce_min3A_1051, %reduce_min3A_1052 [1, 2] : vector<1x256x128xi32> to vector<1xi32>
    %reduce_min3A_1054 = vector.shape_cast %reduce_min3A_1053 : vector<1xi32> to vector<1x1x1xi32>
    %reduce_min3A_1055 = vector.extract %reduce_min3A_1054[0, 0, 0] : i32 from vector<1x1x1xi32>
    %get3A_1056 = arith.constant 0 : index
    %get3A_1057 = arith.constant 16 : index
    %get3A_1058 = arith.constant 0 : index
    %get3A_1059 = memref.load %arg1[%get3A_1056, %get3A_1057, %get3A_1058] : memref<1x32x5xf32, #tpu.memory_space<smem>>
    %get3A_1060 = arith.constant 0 : index
    %get3A_1061 = arith.constant 16 : index
    %get3A_1062 = arith.constant 1 : index
    %get3A_1063 = memref.load %arg1[%get3A_1060, %get3A_1061, %get3A_1062] : memref<1x32x5xf32, #tpu.memory_space<smem>>
    %get3A_1064 = arith.constant 0 : index
    %get3A_1065 = arith.constant 16 : index
    %get3A_1066 = arith.constant 2 : index
    %get3A_1067 = memref.load %arg1[%get3A_1064, %get3A_1065, %get3A_1066] : memref<1x32x5xf32, #tpu.memory_space<smem>>
    %get3A_1068 = arith.constant 0 : index
    %get3A_1069 = arith.constant 16 : index
    %get3A_1070 = arith.constant 3 : index
    %get3A_1071 = memref.load %arg1[%get3A_1068, %get3A_1069, %get3A_1070] : memref<1x32x5xf32, #tpu.memory_space<smem>>
    %get3A_1072 = arith.constant 0 : index
    %get3A_1073 = arith.constant 16 : index
    %get3A_1074 = arith.constant 4 : index
    %get3A_1075 = memref.load %arg1[%get3A_1072, %get3A_1073, %get3A_1074] : memref<1x32x5xf32, #tpu.memory_space<smem>>
    %min3A_1076 = vector.broadcast %get3A_1067 : f32 to vector<256x128xf32>
    %min3A_1077 = arith.minimumf %min3A_1076, %add3A : vector<256x128xf32>
    %max3A_1078 = vector.broadcast %get3A_1059 : f32 to vector<256x128xf32>
    %max3A_1079 = arith.maximumf %max3A_1078, %sub3A : vector<256x128xf32>
    %sub3A_1080 = arith.subf %min3A_1077, %max3A_1079 : vector<256x128xf32>
    %max3A_1081 = arith.constant 0.000000e+00 : f32
    %max3A_1082 = vector.broadcast %max3A_1081 : f32 to vector<256x128xf32>
    %max3A_1083 = arith.maximumf %sub3A_1080, %max3A_1082 : vector<256x128xf32>
    %min3A_1084 = vector.broadcast %get3A_1071 : f32 to vector<256x128xf32>
    %min3A_1085 = arith.minimumf %min3A_1084, %add3A_31 : vector<256x128xf32>
    %max3A_1086 = vector.broadcast %get3A_1063 : f32 to vector<256x128xf32>
    %max3A_1087 = arith.maximumf %max3A_1086, %sub3A_24 : vector<256x128xf32>
    %sub3A_1088 = arith.subf %min3A_1085, %max3A_1087 : vector<256x128xf32>
    %max3A_1089 = arith.constant 0.000000e+00 : f32
    %max3A_1090 = vector.broadcast %max3A_1089 : f32 to vector<256x128xf32>
    %max3A_1091 = arith.maximumf %sub3A_1088, %max3A_1090 : vector<256x128xf32>
    %mul3A_1092 = arith.mulf %max3A_1083, %max3A_1091 : vector<256x128xf32>
    %sub3A_1093 = arith.subf %get3A_1067, %get3A_1059 : f32
    %sub3A_1094 = arith.subf %get3A_1071, %get3A_1063 : f32
    %mul3A_1095 = arith.mulf %sub3A_1093, %sub3A_1094 : f32
    %add3A_1096 = vector.broadcast %mul3A_1095 : f32 to vector<256x128xf32>
    %add3A_1097 = arith.addf %add3A_1096, %mul3A_32 : vector<256x128xf32>
    %sub3A_1098 = arith.subf %add3A_1097, %mul3A_1092 : vector<256x128xf32>
    %div3A_1099 = arith.divf %mul3A_1092, %sub3A_1098 : vector<256x128xf32>
    %gt3A_1100 = arith.cmpf ogt, %div3A_1099, %select_n3A_1040 : vector<256x128xf32>
    %jit3A_1101 = arith.constant 16 : i32
    %broadcast_in_dim3A_1102 = vector.broadcast %jit3A_1101 : i32 to vector<256x128xi32>
    %select_n3A_1103 = arith.select %gt3A_1100, %broadcast_in_dim3A_1102, %select_n3A_1039 : vector<256x128xi1>, vector<256x128xi32>
    %select_n3A_1104 = arith.select %gt3A_1100, %div3A_1099, %select_n3A_1040 : vector<256x128xi1>, vector<256x128xf32>
    %reduce_max3A_1105 = vector.shape_cast %div3A_1099 : vector<256x128xf32> to vector<1x256x128xf32>
    %reduce_max3A_1106 = arith.constant dense<0xFF800000> : vector<1xf32>
    %reduce_max3A_1107 = vector.multi_reduction <maximumf>, %reduce_max3A_1105, %reduce_max3A_1106 [1, 2] : vector<1x256x128xf32> to vector<1xf32>
    %reduce_max3A_1108 = vector.shape_cast %reduce_max3A_1107 : vector<1xf32> to vector<1x1x1xf32>
    %reduce_max3A_1109 = vector.extract %reduce_max3A_1108[0, 0, 0] : f32 from vector<1x1x1xf32>
    %eq3A_1110 = vector.broadcast %reduce_max3A_1109 : f32 to vector<256x128xf32>
    %eq3A_1111 = arith.cmpf oeq, %div3A_1099, %eq3A_1110 : vector<256x128xf32>
    %jit3A_1112 = arith.constant 32768 : i32
    %broadcast_in_dim3A_1113 = vector.broadcast %jit3A_1112 : i32 to vector<256x128xi32>
    %select_n3A_1114 = arith.select %eq3A_1111, %add3A_37, %broadcast_in_dim3A_1113 : vector<256x128xi1>, vector<256x128xi32>
    %reduce_min3A_1115 = vector.shape_cast %select_n3A_1114 : vector<256x128xi32> to vector<1x256x128xi32>
    %reduce_min3A_1116 = arith.constant dense<2147483647> : vector<1xi32>
    %reduce_min3A_1117 = vector.multi_reduction <minsi>, %reduce_min3A_1115, %reduce_min3A_1116 [1, 2] : vector<1x256x128xi32> to vector<1xi32>
    %reduce_min3A_1118 = vector.shape_cast %reduce_min3A_1117 : vector<1xi32> to vector<1x1x1xi32>
    %reduce_min3A_1119 = vector.extract %reduce_min3A_1118[0, 0, 0] : i32 from vector<1x1x1xi32>
    %get3A_1120 = arith.constant 0 : index
    %get3A_1121 = arith.constant 17 : index
    %get3A_1122 = arith.constant 0 : index
    %get3A_1123 = memref.load %arg1[%get3A_1120, %get3A_1121, %get3A_1122] : memref<1x32x5xf32, #tpu.memory_space<smem>>
    %get3A_1124 = arith.constant 0 : index
    %get3A_1125 = arith.constant 17 : index
    %get3A_1126 = arith.constant 1 : index
    %get3A_1127 = memref.load %arg1[%get3A_1124, %get3A_1125, %get3A_1126] : memref<1x32x5xf32, #tpu.memory_space<smem>>
    %get3A_1128 = arith.constant 0 : index
    %get3A_1129 = arith.constant 17 : index
    %get3A_1130 = arith.constant 2 : index
    %get3A_1131 = memref.load %arg1[%get3A_1128, %get3A_1129, %get3A_1130] : memref<1x32x5xf32, #tpu.memory_space<smem>>
    %get3A_1132 = arith.constant 0 : index
    %get3A_1133 = arith.constant 17 : index
    %get3A_1134 = arith.constant 3 : index
    %get3A_1135 = memref.load %arg1[%get3A_1132, %get3A_1133, %get3A_1134] : memref<1x32x5xf32, #tpu.memory_space<smem>>
    %get3A_1136 = arith.constant 0 : index
    %get3A_1137 = arith.constant 17 : index
    %get3A_1138 = arith.constant 4 : index
    %get3A_1139 = memref.load %arg1[%get3A_1136, %get3A_1137, %get3A_1138] : memref<1x32x5xf32, #tpu.memory_space<smem>>
    %min3A_1140 = vector.broadcast %get3A_1131 : f32 to vector<256x128xf32>
    %min3A_1141 = arith.minimumf %min3A_1140, %add3A : vector<256x128xf32>
    %max3A_1142 = vector.broadcast %get3A_1123 : f32 to vector<256x128xf32>
    %max3A_1143 = arith.maximumf %max3A_1142, %sub3A : vector<256x128xf32>
    %sub3A_1144 = arith.subf %min3A_1141, %max3A_1143 : vector<256x128xf32>
    %max3A_1145 = arith.constant 0.000000e+00 : f32
    %max3A_1146 = vector.broadcast %max3A_1145 : f32 to vector<256x128xf32>
    %max3A_1147 = arith.maximumf %sub3A_1144, %max3A_1146 : vector<256x128xf32>
    %min3A_1148 = vector.broadcast %get3A_1135 : f32 to vector<256x128xf32>
    %min3A_1149 = arith.minimumf %min3A_1148, %add3A_31 : vector<256x128xf32>
    %max3A_1150 = vector.broadcast %get3A_1127 : f32 to vector<256x128xf32>
    %max3A_1151 = arith.maximumf %max3A_1150, %sub3A_24 : vector<256x128xf32>
    %sub3A_1152 = arith.subf %min3A_1149, %max3A_1151 : vector<256x128xf32>
    %max3A_1153 = arith.constant 0.000000e+00 : f32
    %max3A_1154 = vector.broadcast %max3A_1153 : f32 to vector<256x128xf32>
    %max3A_1155 = arith.maximumf %sub3A_1152, %max3A_1154 : vector<256x128xf32>
    %mul3A_1156 = arith.mulf %max3A_1147, %max3A_1155 : vector<256x128xf32>
    %sub3A_1157 = arith.subf %get3A_1131, %get3A_1123 : f32
    %sub3A_1158 = arith.subf %get3A_1135, %get3A_1127 : f32
    %mul3A_1159 = arith.mulf %sub3A_1157, %sub3A_1158 : f32
    %add3A_1160 = vector.broadcast %mul3A_1159 : f32 to vector<256x128xf32>
    %add3A_1161 = arith.addf %add3A_1160, %mul3A_32 : vector<256x128xf32>
    %sub3A_1162 = arith.subf %add3A_1161, %mul3A_1156 : vector<256x128xf32>
    %div3A_1163 = arith.divf %mul3A_1156, %sub3A_1162 : vector<256x128xf32>
    %gt3A_1164 = arith.cmpf ogt, %div3A_1163, %select_n3A_1104 : vector<256x128xf32>
    %jit3A_1165 = arith.constant 17 : i32
    %broadcast_in_dim3A_1166 = vector.broadcast %jit3A_1165 : i32 to vector<256x128xi32>
    %select_n3A_1167 = arith.select %gt3A_1164, %broadcast_in_dim3A_1166, %select_n3A_1103 : vector<256x128xi1>, vector<256x128xi32>
    %select_n3A_1168 = arith.select %gt3A_1164, %div3A_1163, %select_n3A_1104 : vector<256x128xi1>, vector<256x128xf32>
    %reduce_max3A_1169 = vector.shape_cast %div3A_1163 : vector<256x128xf32> to vector<1x256x128xf32>
    %reduce_max3A_1170 = arith.constant dense<0xFF800000> : vector<1xf32>
    %reduce_max3A_1171 = vector.multi_reduction <maximumf>, %reduce_max3A_1169, %reduce_max3A_1170 [1, 2] : vector<1x256x128xf32> to vector<1xf32>
    %reduce_max3A_1172 = vector.shape_cast %reduce_max3A_1171 : vector<1xf32> to vector<1x1x1xf32>
    %reduce_max3A_1173 = vector.extract %reduce_max3A_1172[0, 0, 0] : f32 from vector<1x1x1xf32>
    %eq3A_1174 = vector.broadcast %reduce_max3A_1173 : f32 to vector<256x128xf32>
    %eq3A_1175 = arith.cmpf oeq, %div3A_1163, %eq3A_1174 : vector<256x128xf32>
    %jit3A_1176 = arith.constant 32768 : i32
    %broadcast_in_dim3A_1177 = vector.broadcast %jit3A_1176 : i32 to vector<256x128xi32>
    %select_n3A_1178 = arith.select %eq3A_1175, %add3A_37, %broadcast_in_dim3A_1177 : vector<256x128xi1>, vector<256x128xi32>
    %reduce_min3A_1179 = vector.shape_cast %select_n3A_1178 : vector<256x128xi32> to vector<1x256x128xi32>
    %reduce_min3A_1180 = arith.constant dense<2147483647> : vector<1xi32>
    %reduce_min3A_1181 = vector.multi_reduction <minsi>, %reduce_min3A_1179, %reduce_min3A_1180 [1, 2] : vector<1x256x128xi32> to vector<1xi32>
    %reduce_min3A_1182 = vector.shape_cast %reduce_min3A_1181 : vector<1xi32> to vector<1x1x1xi32>
    %reduce_min3A_1183 = vector.extract %reduce_min3A_1182[0, 0, 0] : i32 from vector<1x1x1xi32>
    %get3A_1184 = arith.constant 0 : index
    %get3A_1185 = arith.constant 18 : index
    %get3A_1186 = arith.constant 0 : index
    %get3A_1187 = memref.load %arg1[%get3A_1184, %get3A_1185, %get3A_1186] : memref<1x32x5xf32, #tpu.memory_space<smem>>
    %get3A_1188 = arith.constant 0 : index
    %get3A_1189 = arith.constant 18 : index
    %get3A_1190 = arith.constant 1 : index
    %get3A_1191 = memref.load %arg1[%get3A_1188, %get3A_1189, %get3A_1190] : memref<1x32x5xf32, #tpu.memory_space<smem>>
    %get3A_1192 = arith.constant 0 : index
    %get3A_1193 = arith.constant 18 : index
    %get3A_1194 = arith.constant 2 : index
    %get3A_1195 = memref.load %arg1[%get3A_1192, %get3A_1193, %get3A_1194] : memref<1x32x5xf32, #tpu.memory_space<smem>>
    %get3A_1196 = arith.constant 0 : index
    %get3A_1197 = arith.constant 18 : index
    %get3A_1198 = arith.constant 3 : index
    %get3A_1199 = memref.load %arg1[%get3A_1196, %get3A_1197, %get3A_1198] : memref<1x32x5xf32, #tpu.memory_space<smem>>
    %get3A_1200 = arith.constant 0 : index
    %get3A_1201 = arith.constant 18 : index
    %get3A_1202 = arith.constant 4 : index
    %get3A_1203 = memref.load %arg1[%get3A_1200, %get3A_1201, %get3A_1202] : memref<1x32x5xf32, #tpu.memory_space<smem>>
    %min3A_1204 = vector.broadcast %get3A_1195 : f32 to vector<256x128xf32>
    %min3A_1205 = arith.minimumf %min3A_1204, %add3A : vector<256x128xf32>
    %max3A_1206 = vector.broadcast %get3A_1187 : f32 to vector<256x128xf32>
    %max3A_1207 = arith.maximumf %max3A_1206, %sub3A : vector<256x128xf32>
    %sub3A_1208 = arith.subf %min3A_1205, %max3A_1207 : vector<256x128xf32>
    %max3A_1209 = arith.constant 0.000000e+00 : f32
    %max3A_1210 = vector.broadcast %max3A_1209 : f32 to vector<256x128xf32>
    %max3A_1211 = arith.maximumf %sub3A_1208, %max3A_1210 : vector<256x128xf32>
    %min3A_1212 = vector.broadcast %get3A_1199 : f32 to vector<256x128xf32>
    %min3A_1213 = arith.minimumf %min3A_1212, %add3A_31 : vector<256x128xf32>
    %max3A_1214 = vector.broadcast %get3A_1191 : f32 to vector<256x128xf32>
    %max3A_1215 = arith.maximumf %max3A_1214, %sub3A_24 : vector<256x128xf32>
    %sub3A_1216 = arith.subf %min3A_1213, %max3A_1215 : vector<256x128xf32>
    %max3A_1217 = arith.constant 0.000000e+00 : f32
    %max3A_1218 = vector.broadcast %max3A_1217 : f32 to vector<256x128xf32>
    %max3A_1219 = arith.maximumf %sub3A_1216, %max3A_1218 : vector<256x128xf32>
    %mul3A_1220 = arith.mulf %max3A_1211, %max3A_1219 : vector<256x128xf32>
    %sub3A_1221 = arith.subf %get3A_1195, %get3A_1187 : f32
    %sub3A_1222 = arith.subf %get3A_1199, %get3A_1191 : f32
    %mul3A_1223 = arith.mulf %sub3A_1221, %sub3A_1222 : f32
    %add3A_1224 = vector.broadcast %mul3A_1223 : f32 to vector<256x128xf32>
    %add3A_1225 = arith.addf %add3A_1224, %mul3A_32 : vector<256x128xf32>
    %sub3A_1226 = arith.subf %add3A_1225, %mul3A_1220 : vector<256x128xf32>
    %div3A_1227 = arith.divf %mul3A_1220, %sub3A_1226 : vector<256x128xf32>
    %gt3A_1228 = arith.cmpf ogt, %div3A_1227, %select_n3A_1168 : vector<256x128xf32>
    %jit3A_1229 = arith.constant 18 : i32
    %broadcast_in_dim3A_1230 = vector.broadcast %jit3A_1229 : i32 to vector<256x128xi32>
    %select_n3A_1231 = arith.select %gt3A_1228, %broadcast_in_dim3A_1230, %select_n3A_1167 : vector<256x128xi1>, vector<256x128xi32>
    %select_n3A_1232 = arith.select %gt3A_1228, %div3A_1227, %select_n3A_1168 : vector<256x128xi1>, vector<256x128xf32>
    %reduce_max3A_1233 = vector.shape_cast %div3A_1227 : vector<256x128xf32> to vector<1x256x128xf32>
    %reduce_max3A_1234 = arith.constant dense<0xFF800000> : vector<1xf32>
    %reduce_max3A_1235 = vector.multi_reduction <maximumf>, %reduce_max3A_1233, %reduce_max3A_1234 [1, 2] : vector<1x256x128xf32> to vector<1xf32>
    %reduce_max3A_1236 = vector.shape_cast %reduce_max3A_1235 : vector<1xf32> to vector<1x1x1xf32>
    %reduce_max3A_1237 = vector.extract %reduce_max3A_1236[0, 0, 0] : f32 from vector<1x1x1xf32>
    %eq3A_1238 = vector.broadcast %reduce_max3A_1237 : f32 to vector<256x128xf32>
    %eq3A_1239 = arith.cmpf oeq, %div3A_1227, %eq3A_1238 : vector<256x128xf32>
    %jit3A_1240 = arith.constant 32768 : i32
    %broadcast_in_dim3A_1241 = vector.broadcast %jit3A_1240 : i32 to vector<256x128xi32>
    %select_n3A_1242 = arith.select %eq3A_1239, %add3A_37, %broadcast_in_dim3A_1241 : vector<256x128xi1>, vector<256x128xi32>
    %reduce_min3A_1243 = vector.shape_cast %select_n3A_1242 : vector<256x128xi32> to vector<1x256x128xi32>
    %reduce_min3A_1244 = arith.constant dense<2147483647> : vector<1xi32>
    %reduce_min3A_1245 = vector.multi_reduction <minsi>, %reduce_min3A_1243, %reduce_min3A_1244 [1, 2] : vector<1x256x128xi32> to vector<1xi32>
    %reduce_min3A_1246 = vector.shape_cast %reduce_min3A_1245 : vector<1xi32> to vector<1x1x1xi32>
    %reduce_min3A_1247 = vector.extract %reduce_min3A_1246[0, 0, 0] : i32 from vector<1x1x1xi32>
    %get3A_1248 = arith.constant 0 : index
    %get3A_1249 = arith.constant 19 : index
    %get3A_1250 = arith.constant 0 : index
    %get3A_1251 = memref.load %arg1[%get3A_1248, %get3A_1249, %get3A_1250] : memref<1x32x5xf32, #tpu.memory_space<smem>>
    %get3A_1252 = arith.constant 0 : index
    %get3A_1253 = arith.constant 19 : index
    %get3A_1254 = arith.constant 1 : index
    %get3A_1255 = memref.load %arg1[%get3A_1252, %get3A_1253, %get3A_1254] : memref<1x32x5xf32, #tpu.memory_space<smem>>
    %get3A_1256 = arith.constant 0 : index
    %get3A_1257 = arith.constant 19 : index
    %get3A_1258 = arith.constant 2 : index
    %get3A_1259 = memref.load %arg1[%get3A_1256, %get3A_1257, %get3A_1258] : memref<1x32x5xf32, #tpu.memory_space<smem>>
    %get3A_1260 = arith.constant 0 : index
    %get3A_1261 = arith.constant 19 : index
    %get3A_1262 = arith.constant 3 : index
    %get3A_1263 = memref.load %arg1[%get3A_1260, %get3A_1261, %get3A_1262] : memref<1x32x5xf32, #tpu.memory_space<smem>>
    %get3A_1264 = arith.constant 0 : index
    %get3A_1265 = arith.constant 19 : index
    %get3A_1266 = arith.constant 4 : index
    %get3A_1267 = memref.load %arg1[%get3A_1264, %get3A_1265, %get3A_1266] : memref<1x32x5xf32, #tpu.memory_space<smem>>
    %min3A_1268 = vector.broadcast %get3A_1259 : f32 to vector<256x128xf32>
    %min3A_1269 = arith.minimumf %min3A_1268, %add3A : vector<256x128xf32>
    %max3A_1270 = vector.broadcast %get3A_1251 : f32 to vector<256x128xf32>
    %max3A_1271 = arith.maximumf %max3A_1270, %sub3A : vector<256x128xf32>
    %sub3A_1272 = arith.subf %min3A_1269, %max3A_1271 : vector<256x128xf32>
    %max3A_1273 = arith.constant 0.000000e+00 : f32
    %max3A_1274 = vector.broadcast %max3A_1273 : f32 to vector<256x128xf32>
    %max3A_1275 = arith.maximumf %sub3A_1272, %max3A_1274 : vector<256x128xf32>
    %min3A_1276 = vector.broadcast %get3A_1263 : f32 to vector<256x128xf32>
    %min3A_1277 = arith.minimumf %min3A_1276, %add3A_31 : vector<256x128xf32>
    %max3A_1278 = vector.broadcast %get3A_1255 : f32 to vector<256x128xf32>
    %max3A_1279 = arith.maximumf %max3A_1278, %sub3A_24 : vector<256x128xf32>
    %sub3A_1280 = arith.subf %min3A_1277, %max3A_1279 : vector<256x128xf32>
    %max3A_1281 = arith.constant 0.000000e+00 : f32
    %max3A_1282 = vector.broadcast %max3A_1281 : f32 to vector<256x128xf32>
    %max3A_1283 = arith.maximumf %sub3A_1280, %max3A_1282 : vector<256x128xf32>
    %mul3A_1284 = arith.mulf %max3A_1275, %max3A_1283 : vector<256x128xf32>
    %sub3A_1285 = arith.subf %get3A_1259, %get3A_1251 : f32
    %sub3A_1286 = arith.subf %get3A_1263, %get3A_1255 : f32
    %mul3A_1287 = arith.mulf %sub3A_1285, %sub3A_1286 : f32
    %add3A_1288 = vector.broadcast %mul3A_1287 : f32 to vector<256x128xf32>
    %add3A_1289 = arith.addf %add3A_1288, %mul3A_32 : vector<256x128xf32>
    %sub3A_1290 = arith.subf %add3A_1289, %mul3A_1284 : vector<256x128xf32>
    %div3A_1291 = arith.divf %mul3A_1284, %sub3A_1290 : vector<256x128xf32>
    %gt3A_1292 = arith.cmpf ogt, %div3A_1291, %select_n3A_1232 : vector<256x128xf32>
    %jit3A_1293 = arith.constant 19 : i32
    %broadcast_in_dim3A_1294 = vector.broadcast %jit3A_1293 : i32 to vector<256x128xi32>
    %select_n3A_1295 = arith.select %gt3A_1292, %broadcast_in_dim3A_1294, %select_n3A_1231 : vector<256x128xi1>, vector<256x128xi32>
    %select_n3A_1296 = arith.select %gt3A_1292, %div3A_1291, %select_n3A_1232 : vector<256x128xi1>, vector<256x128xf32>
    %reduce_max3A_1297 = vector.shape_cast %div3A_1291 : vector<256x128xf32> to vector<1x256x128xf32>
    %reduce_max3A_1298 = arith.constant dense<0xFF800000> : vector<1xf32>
    %reduce_max3A_1299 = vector.multi_reduction <maximumf>, %reduce_max3A_1297, %reduce_max3A_1298 [1, 2] : vector<1x256x128xf32> to vector<1xf32>
    %reduce_max3A_1300 = vector.shape_cast %reduce_max3A_1299 : vector<1xf32> to vector<1x1x1xf32>
    %reduce_max3A_1301 = vector.extract %reduce_max3A_1300[0, 0, 0] : f32 from vector<1x1x1xf32>
    %eq3A_1302 = vector.broadcast %reduce_max3A_1301 : f32 to vector<256x128xf32>
    %eq3A_1303 = arith.cmpf oeq, %div3A_1291, %eq3A_1302 : vector<256x128xf32>
    %jit3A_1304 = arith.constant 32768 : i32
    %broadcast_in_dim3A_1305 = vector.broadcast %jit3A_1304 : i32 to vector<256x128xi32>
    %select_n3A_1306 = arith.select %eq3A_1303, %add3A_37, %broadcast_in_dim3A_1305 : vector<256x128xi1>, vector<256x128xi32>
    %reduce_min3A_1307 = vector.shape_cast %select_n3A_1306 : vector<256x128xi32> to vector<1x256x128xi32>
    %reduce_min3A_1308 = arith.constant dense<2147483647> : vector<1xi32>
    %reduce_min3A_1309 = vector.multi_reduction <minsi>, %reduce_min3A_1307, %reduce_min3A_1308 [1, 2] : vector<1x256x128xi32> to vector<1xi32>
    %reduce_min3A_1310 = vector.shape_cast %reduce_min3A_1309 : vector<1xi32> to vector<1x1x1xi32>
    %reduce_min3A_1311 = vector.extract %reduce_min3A_1310[0, 0, 0] : i32 from vector<1x1x1xi32>
    %get3A_1312 = arith.constant 0 : index
    %get3A_1313 = arith.constant 20 : index
    %get3A_1314 = arith.constant 0 : index
    %get3A_1315 = memref.load %arg1[%get3A_1312, %get3A_1313, %get3A_1314] : memref<1x32x5xf32, #tpu.memory_space<smem>>
    %get3A_1316 = arith.constant 0 : index
    %get3A_1317 = arith.constant 20 : index
    %get3A_1318 = arith.constant 1 : index
    %get3A_1319 = memref.load %arg1[%get3A_1316, %get3A_1317, %get3A_1318] : memref<1x32x5xf32, #tpu.memory_space<smem>>
    %get3A_1320 = arith.constant 0 : index
    %get3A_1321 = arith.constant 20 : index
    %get3A_1322 = arith.constant 2 : index
    %get3A_1323 = memref.load %arg1[%get3A_1320, %get3A_1321, %get3A_1322] : memref<1x32x5xf32, #tpu.memory_space<smem>>
    %get3A_1324 = arith.constant 0 : index
    %get3A_1325 = arith.constant 20 : index
    %get3A_1326 = arith.constant 3 : index
    %get3A_1327 = memref.load %arg1[%get3A_1324, %get3A_1325, %get3A_1326] : memref<1x32x5xf32, #tpu.memory_space<smem>>
    %get3A_1328 = arith.constant 0 : index
    %get3A_1329 = arith.constant 20 : index
    %get3A_1330 = arith.constant 4 : index
    %get3A_1331 = memref.load %arg1[%get3A_1328, %get3A_1329, %get3A_1330] : memref<1x32x5xf32, #tpu.memory_space<smem>>
    %min3A_1332 = vector.broadcast %get3A_1323 : f32 to vector<256x128xf32>
    %min3A_1333 = arith.minimumf %min3A_1332, %add3A : vector<256x128xf32>
    %max3A_1334 = vector.broadcast %get3A_1315 : f32 to vector<256x128xf32>
    %max3A_1335 = arith.maximumf %max3A_1334, %sub3A : vector<256x128xf32>
    %sub3A_1336 = arith.subf %min3A_1333, %max3A_1335 : vector<256x128xf32>
    %max3A_1337 = arith.constant 0.000000e+00 : f32
    %max3A_1338 = vector.broadcast %max3A_1337 : f32 to vector<256x128xf32>
    %max3A_1339 = arith.maximumf %sub3A_1336, %max3A_1338 : vector<256x128xf32>
    %min3A_1340 = vector.broadcast %get3A_1327 : f32 to vector<256x128xf32>
    %min3A_1341 = arith.minimumf %min3A_1340, %add3A_31 : vector<256x128xf32>
    %max3A_1342 = vector.broadcast %get3A_1319 : f32 to vector<256x128xf32>
    %max3A_1343 = arith.maximumf %max3A_1342, %sub3A_24 : vector<256x128xf32>
    %sub3A_1344 = arith.subf %min3A_1341, %max3A_1343 : vector<256x128xf32>
    %max3A_1345 = arith.constant 0.000000e+00 : f32
    %max3A_1346 = vector.broadcast %max3A_1345 : f32 to vector<256x128xf32>
    %max3A_1347 = arith.maximumf %sub3A_1344, %max3A_1346 : vector<256x128xf32>
    %mul3A_1348 = arith.mulf %max3A_1339, %max3A_1347 : vector<256x128xf32>
    %sub3A_1349 = arith.subf %get3A_1323, %get3A_1315 : f32
    %sub3A_1350 = arith.subf %get3A_1327, %get3A_1319 : f32
    %mul3A_1351 = arith.mulf %sub3A_1349, %sub3A_1350 : f32
    %add3A_1352 = vector.broadcast %mul3A_1351 : f32 to vector<256x128xf32>
    %add3A_1353 = arith.addf %add3A_1352, %mul3A_32 : vector<256x128xf32>
    %sub3A_1354 = arith.subf %add3A_1353, %mul3A_1348 : vector<256x128xf32>
    %div3A_1355 = arith.divf %mul3A_1348, %sub3A_1354 : vector<256x128xf32>
    %gt3A_1356 = arith.cmpf ogt, %div3A_1355, %select_n3A_1296 : vector<256x128xf32>
    %jit3A_1357 = arith.constant 20 : i32
    %broadcast_in_dim3A_1358 = vector.broadcast %jit3A_1357 : i32 to vector<256x128xi32>
    %select_n3A_1359 = arith.select %gt3A_1356, %broadcast_in_dim3A_1358, %select_n3A_1295 : vector<256x128xi1>, vector<256x128xi32>
    %select_n3A_1360 = arith.select %gt3A_1356, %div3A_1355, %select_n3A_1296 : vector<256x128xi1>, vector<256x128xf32>
    %reduce_max3A_1361 = vector.shape_cast %div3A_1355 : vector<256x128xf32> to vector<1x256x128xf32>
    %reduce_max3A_1362 = arith.constant dense<0xFF800000> : vector<1xf32>
    %reduce_max3A_1363 = vector.multi_reduction <maximumf>, %reduce_max3A_1361, %reduce_max3A_1362 [1, 2] : vector<1x256x128xf32> to vector<1xf32>
    %reduce_max3A_1364 = vector.shape_cast %reduce_max3A_1363 : vector<1xf32> to vector<1x1x1xf32>
    %reduce_max3A_1365 = vector.extract %reduce_max3A_1364[0, 0, 0] : f32 from vector<1x1x1xf32>
    %eq3A_1366 = vector.broadcast %reduce_max3A_1365 : f32 to vector<256x128xf32>
    %eq3A_1367 = arith.cmpf oeq, %div3A_1355, %eq3A_1366 : vector<256x128xf32>
    %jit3A_1368 = arith.constant 32768 : i32
    %broadcast_in_dim3A_1369 = vector.broadcast %jit3A_1368 : i32 to vector<256x128xi32>
    %select_n3A_1370 = arith.select %eq3A_1367, %add3A_37, %broadcast_in_dim3A_1369 : vector<256x128xi1>, vector<256x128xi32>
    %reduce_min3A_1371 = vector.shape_cast %select_n3A_1370 : vector<256x128xi32> to vector<1x256x128xi32>
    %reduce_min3A_1372 = arith.constant dense<2147483647> : vector<1xi32>
    %reduce_min3A_1373 = vector.multi_reduction <minsi>, %reduce_min3A_1371, %reduce_min3A_1372 [1, 2] : vector<1x256x128xi32> to vector<1xi32>
    %reduce_min3A_1374 = vector.shape_cast %reduce_min3A_1373 : vector<1xi32> to vector<1x1x1xi32>
    %reduce_min3A_1375 = vector.extract %reduce_min3A_1374[0, 0, 0] : i32 from vector<1x1x1xi32>
    %get3A_1376 = arith.constant 0 : index
    %get3A_1377 = arith.constant 21 : index
    %get3A_1378 = arith.constant 0 : index
    %get3A_1379 = memref.load %arg1[%get3A_1376, %get3A_1377, %get3A_1378] : memref<1x32x5xf32, #tpu.memory_space<smem>>
    %get3A_1380 = arith.constant 0 : index
    %get3A_1381 = arith.constant 21 : index
    %get3A_1382 = arith.constant 1 : index
    %get3A_1383 = memref.load %arg1[%get3A_1380, %get3A_1381, %get3A_1382] : memref<1x32x5xf32, #tpu.memory_space<smem>>
    %get3A_1384 = arith.constant 0 : index
    %get3A_1385 = arith.constant 21 : index
    %get3A_1386 = arith.constant 2 : index
    %get3A_1387 = memref.load %arg1[%get3A_1384, %get3A_1385, %get3A_1386] : memref<1x32x5xf32, #tpu.memory_space<smem>>
    %get3A_1388 = arith.constant 0 : index
    %get3A_1389 = arith.constant 21 : index
    %get3A_1390 = arith.constant 3 : index
    %get3A_1391 = memref.load %arg1[%get3A_1388, %get3A_1389, %get3A_1390] : memref<1x32x5xf32, #tpu.memory_space<smem>>
    %get3A_1392 = arith.constant 0 : index
    %get3A_1393 = arith.constant 21 : index
    %get3A_1394 = arith.constant 4 : index
    %get3A_1395 = memref.load %arg1[%get3A_1392, %get3A_1393, %get3A_1394] : memref<1x32x5xf32, #tpu.memory_space<smem>>
    %min3A_1396 = vector.broadcast %get3A_1387 : f32 to vector<256x128xf32>
    %min3A_1397 = arith.minimumf %min3A_1396, %add3A : vector<256x128xf32>
    %max3A_1398 = vector.broadcast %get3A_1379 : f32 to vector<256x128xf32>
    %max3A_1399 = arith.maximumf %max3A_1398, %sub3A : vector<256x128xf32>
    %sub3A_1400 = arith.subf %min3A_1397, %max3A_1399 : vector<256x128xf32>
    %max3A_1401 = arith.constant 0.000000e+00 : f32
    %max3A_1402 = vector.broadcast %max3A_1401 : f32 to vector<256x128xf32>
    %max3A_1403 = arith.maximumf %sub3A_1400, %max3A_1402 : vector<256x128xf32>
    %min3A_1404 = vector.broadcast %get3A_1391 : f32 to vector<256x128xf32>
    %min3A_1405 = arith.minimumf %min3A_1404, %add3A_31 : vector<256x128xf32>
    %max3A_1406 = vector.broadcast %get3A_1383 : f32 to vector<256x128xf32>
    %max3A_1407 = arith.maximumf %max3A_1406, %sub3A_24 : vector<256x128xf32>
    %sub3A_1408 = arith.subf %min3A_1405, %max3A_1407 : vector<256x128xf32>
    %max3A_1409 = arith.constant 0.000000e+00 : f32
    %max3A_1410 = vector.broadcast %max3A_1409 : f32 to vector<256x128xf32>
    %max3A_1411 = arith.maximumf %sub3A_1408, %max3A_1410 : vector<256x128xf32>
    %mul3A_1412 = arith.mulf %max3A_1403, %max3A_1411 : vector<256x128xf32>
    %sub3A_1413 = arith.subf %get3A_1387, %get3A_1379 : f32
    %sub3A_1414 = arith.subf %get3A_1391, %get3A_1383 : f32
    %mul3A_1415 = arith.mulf %sub3A_1413, %sub3A_1414 : f32
    %add3A_1416 = vector.broadcast %mul3A_1415 : f32 to vector<256x128xf32>
    %add3A_1417 = arith.addf %add3A_1416, %mul3A_32 : vector<256x128xf32>
    %sub3A_1418 = arith.subf %add3A_1417, %mul3A_1412 : vector<256x128xf32>
    %div3A_1419 = arith.divf %mul3A_1412, %sub3A_1418 : vector<256x128xf32>
    %gt3A_1420 = arith.cmpf ogt, %div3A_1419, %select_n3A_1360 : vector<256x128xf32>
    %jit3A_1421 = arith.constant 21 : i32
    %broadcast_in_dim3A_1422 = vector.broadcast %jit3A_1421 : i32 to vector<256x128xi32>
    %select_n3A_1423 = arith.select %gt3A_1420, %broadcast_in_dim3A_1422, %select_n3A_1359 : vector<256x128xi1>, vector<256x128xi32>
    %select_n3A_1424 = arith.select %gt3A_1420, %div3A_1419, %select_n3A_1360 : vector<256x128xi1>, vector<256x128xf32>
    %reduce_max3A_1425 = vector.shape_cast %div3A_1419 : vector<256x128xf32> to vector<1x256x128xf32>
    %reduce_max3A_1426 = arith.constant dense<0xFF800000> : vector<1xf32>
    %reduce_max3A_1427 = vector.multi_reduction <maximumf>, %reduce_max3A_1425, %reduce_max3A_1426 [1, 2] : vector<1x256x128xf32> to vector<1xf32>
    %reduce_max3A_1428 = vector.shape_cast %reduce_max3A_1427 : vector<1xf32> to vector<1x1x1xf32>
    %reduce_max3A_1429 = vector.extract %reduce_max3A_1428[0, 0, 0] : f32 from vector<1x1x1xf32>
    %eq3A_1430 = vector.broadcast %reduce_max3A_1429 : f32 to vector<256x128xf32>
    %eq3A_1431 = arith.cmpf oeq, %div3A_1419, %eq3A_1430 : vector<256x128xf32>
    %jit3A_1432 = arith.constant 32768 : i32
    %broadcast_in_dim3A_1433 = vector.broadcast %jit3A_1432 : i32 to vector<256x128xi32>
    %select_n3A_1434 = arith.select %eq3A_1431, %add3A_37, %broadcast_in_dim3A_1433 : vector<256x128xi1>, vector<256x128xi32>
    %reduce_min3A_1435 = vector.shape_cast %select_n3A_1434 : vector<256x128xi32> to vector<1x256x128xi32>
    %reduce_min3A_1436 = arith.constant dense<2147483647> : vector<1xi32>
    %reduce_min3A_1437 = vector.multi_reduction <minsi>, %reduce_min3A_1435, %reduce_min3A_1436 [1, 2] : vector<1x256x128xi32> to vector<1xi32>
    %reduce_min3A_1438 = vector.shape_cast %reduce_min3A_1437 : vector<1xi32> to vector<1x1x1xi32>
    %reduce_min3A_1439 = vector.extract %reduce_min3A_1438[0, 0, 0] : i32 from vector<1x1x1xi32>
    %get3A_1440 = arith.constant 0 : index
    %get3A_1441 = arith.constant 22 : index
    %get3A_1442 = arith.constant 0 : index
    %get3A_1443 = memref.load %arg1[%get3A_1440, %get3A_1441, %get3A_1442] : memref<1x32x5xf32, #tpu.memory_space<smem>>
    %get3A_1444 = arith.constant 0 : index
    %get3A_1445 = arith.constant 22 : index
    %get3A_1446 = arith.constant 1 : index
    %get3A_1447 = memref.load %arg1[%get3A_1444, %get3A_1445, %get3A_1446] : memref<1x32x5xf32, #tpu.memory_space<smem>>
    %get3A_1448 = arith.constant 0 : index
    %get3A_1449 = arith.constant 22 : index
    %get3A_1450 = arith.constant 2 : index
    %get3A_1451 = memref.load %arg1[%get3A_1448, %get3A_1449, %get3A_1450] : memref<1x32x5xf32, #tpu.memory_space<smem>>
    %get3A_1452 = arith.constant 0 : index
    %get3A_1453 = arith.constant 22 : index
    %get3A_1454 = arith.constant 3 : index
    %get3A_1455 = memref.load %arg1[%get3A_1452, %get3A_1453, %get3A_1454] : memref<1x32x5xf32, #tpu.memory_space<smem>>
    %get3A_1456 = arith.constant 0 : index
    %get3A_1457 = arith.constant 22 : index
    %get3A_1458 = arith.constant 4 : index
    %get3A_1459 = memref.load %arg1[%get3A_1456, %get3A_1457, %get3A_1458] : memref<1x32x5xf32, #tpu.memory_space<smem>>
    %min3A_1460 = vector.broadcast %get3A_1451 : f32 to vector<256x128xf32>
    %min3A_1461 = arith.minimumf %min3A_1460, %add3A : vector<256x128xf32>
    %max3A_1462 = vector.broadcast %get3A_1443 : f32 to vector<256x128xf32>
    %max3A_1463 = arith.maximumf %max3A_1462, %sub3A : vector<256x128xf32>
    %sub3A_1464 = arith.subf %min3A_1461, %max3A_1463 : vector<256x128xf32>
    %max3A_1465 = arith.constant 0.000000e+00 : f32
    %max3A_1466 = vector.broadcast %max3A_1465 : f32 to vector<256x128xf32>
    %max3A_1467 = arith.maximumf %sub3A_1464, %max3A_1466 : vector<256x128xf32>
    %min3A_1468 = vector.broadcast %get3A_1455 : f32 to vector<256x128xf32>
    %min3A_1469 = arith.minimumf %min3A_1468, %add3A_31 : vector<256x128xf32>
    %max3A_1470 = vector.broadcast %get3A_1447 : f32 to vector<256x128xf32>
    %max3A_1471 = arith.maximumf %max3A_1470, %sub3A_24 : vector<256x128xf32>
    %sub3A_1472 = arith.subf %min3A_1469, %max3A_1471 : vector<256x128xf32>
    %max3A_1473 = arith.constant 0.000000e+00 : f32
    %max3A_1474 = vector.broadcast %max3A_1473 : f32 to vector<256x128xf32>
    %max3A_1475 = arith.maximumf %sub3A_1472, %max3A_1474 : vector<256x128xf32>
    %mul3A_1476 = arith.mulf %max3A_1467, %max3A_1475 : vector<256x128xf32>
    %sub3A_1477 = arith.subf %get3A_1451, %get3A_1443 : f32
    %sub3A_1478 = arith.subf %get3A_1455, %get3A_1447 : f32
    %mul3A_1479 = arith.mulf %sub3A_1477, %sub3A_1478 : f32
    %add3A_1480 = vector.broadcast %mul3A_1479 : f32 to vector<256x128xf32>
    %add3A_1481 = arith.addf %add3A_1480, %mul3A_32 : vector<256x128xf32>
    %sub3A_1482 = arith.subf %add3A_1481, %mul3A_1476 : vector<256x128xf32>
    %div3A_1483 = arith.divf %mul3A_1476, %sub3A_1482 : vector<256x128xf32>
    %gt3A_1484 = arith.cmpf ogt, %div3A_1483, %select_n3A_1424 : vector<256x128xf32>
    %jit3A_1485 = arith.constant 22 : i32
    %broadcast_in_dim3A_1486 = vector.broadcast %jit3A_1485 : i32 to vector<256x128xi32>
    %select_n3A_1487 = arith.select %gt3A_1484, %broadcast_in_dim3A_1486, %select_n3A_1423 : vector<256x128xi1>, vector<256x128xi32>
    %select_n3A_1488 = arith.select %gt3A_1484, %div3A_1483, %select_n3A_1424 : vector<256x128xi1>, vector<256x128xf32>
    %reduce_max3A_1489 = vector.shape_cast %div3A_1483 : vector<256x128xf32> to vector<1x256x128xf32>
    %reduce_max3A_1490 = arith.constant dense<0xFF800000> : vector<1xf32>
    %reduce_max3A_1491 = vector.multi_reduction <maximumf>, %reduce_max3A_1489, %reduce_max3A_1490 [1, 2] : vector<1x256x128xf32> to vector<1xf32>
    %reduce_max3A_1492 = vector.shape_cast %reduce_max3A_1491 : vector<1xf32> to vector<1x1x1xf32>
    %reduce_max3A_1493 = vector.extract %reduce_max3A_1492[0, 0, 0] : f32 from vector<1x1x1xf32>
    %eq3A_1494 = vector.broadcast %reduce_max3A_1493 : f32 to vector<256x128xf32>
    %eq3A_1495 = arith.cmpf oeq, %div3A_1483, %eq3A_1494 : vector<256x128xf32>
    %jit3A_1496 = arith.constant 32768 : i32
    %broadcast_in_dim3A_1497 = vector.broadcast %jit3A_1496 : i32 to vector<256x128xi32>
    %select_n3A_1498 = arith.select %eq3A_1495, %add3A_37, %broadcast_in_dim3A_1497 : vector<256x128xi1>, vector<256x128xi32>
    %reduce_min3A_1499 = vector.shape_cast %select_n3A_1498 : vector<256x128xi32> to vector<1x256x128xi32>
    %reduce_min3A_1500 = arith.constant dense<2147483647> : vector<1xi32>
    %reduce_min3A_1501 = vector.multi_reduction <minsi>, %reduce_min3A_1499, %reduce_min3A_1500 [1, 2] : vector<1x256x128xi32> to vector<1xi32>
    %reduce_min3A_1502 = vector.shape_cast %reduce_min3A_1501 : vector<1xi32> to vector<1x1x1xi32>
    %reduce_min3A_1503 = vector.extract %reduce_min3A_1502[0, 0, 0] : i32 from vector<1x1x1xi32>
    %get3A_1504 = arith.constant 0 : index
    %get3A_1505 = arith.constant 23 : index
    %get3A_1506 = arith.constant 0 : index
    %get3A_1507 = memref.load %arg1[%get3A_1504, %get3A_1505, %get3A_1506] : memref<1x32x5xf32, #tpu.memory_space<smem>>
    %get3A_1508 = arith.constant 0 : index
    %get3A_1509 = arith.constant 23 : index
    %get3A_1510 = arith.constant 1 : index
    %get3A_1511 = memref.load %arg1[%get3A_1508, %get3A_1509, %get3A_1510] : memref<1x32x5xf32, #tpu.memory_space<smem>>
    %get3A_1512 = arith.constant 0 : index
    %get3A_1513 = arith.constant 23 : index
    %get3A_1514 = arith.constant 2 : index
    %get3A_1515 = memref.load %arg1[%get3A_1512, %get3A_1513, %get3A_1514] : memref<1x32x5xf32, #tpu.memory_space<smem>>
    %get3A_1516 = arith.constant 0 : index
    %get3A_1517 = arith.constant 23 : index
    %get3A_1518 = arith.constant 3 : index
    %get3A_1519 = memref.load %arg1[%get3A_1516, %get3A_1517, %get3A_1518] : memref<1x32x5xf32, #tpu.memory_space<smem>>
    %get3A_1520 = arith.constant 0 : index
    %get3A_1521 = arith.constant 23 : index
    %get3A_1522 = arith.constant 4 : index
    %get3A_1523 = memref.load %arg1[%get3A_1520, %get3A_1521, %get3A_1522] : memref<1x32x5xf32, #tpu.memory_space<smem>>
    %min3A_1524 = vector.broadcast %get3A_1515 : f32 to vector<256x128xf32>
    %min3A_1525 = arith.minimumf %min3A_1524, %add3A : vector<256x128xf32>
    %max3A_1526 = vector.broadcast %get3A_1507 : f32 to vector<256x128xf32>
    %max3A_1527 = arith.maximumf %max3A_1526, %sub3A : vector<256x128xf32>
    %sub3A_1528 = arith.subf %min3A_1525, %max3A_1527 : vector<256x128xf32>
    %max3A_1529 = arith.constant 0.000000e+00 : f32
    %max3A_1530 = vector.broadcast %max3A_1529 : f32 to vector<256x128xf32>
    %max3A_1531 = arith.maximumf %sub3A_1528, %max3A_1530 : vector<256x128xf32>
    %min3A_1532 = vector.broadcast %get3A_1519 : f32 to vector<256x128xf32>
    %min3A_1533 = arith.minimumf %min3A_1532, %add3A_31 : vector<256x128xf32>
    %max3A_1534 = vector.broadcast %get3A_1511 : f32 to vector<256x128xf32>
    %max3A_1535 = arith.maximumf %max3A_1534, %sub3A_24 : vector<256x128xf32>
    %sub3A_1536 = arith.subf %min3A_1533, %max3A_1535 : vector<256x128xf32>
    %max3A_1537 = arith.constant 0.000000e+00 : f32
    %max3A_1538 = vector.broadcast %max3A_1537 : f32 to vector<256x128xf32>
    %max3A_1539 = arith.maximumf %sub3A_1536, %max3A_1538 : vector<256x128xf32>
    %mul3A_1540 = arith.mulf %max3A_1531, %max3A_1539 : vector<256x128xf32>
    %sub3A_1541 = arith.subf %get3A_1515, %get3A_1507 : f32
    %sub3A_1542 = arith.subf %get3A_1519, %get3A_1511 : f32
    %mul3A_1543 = arith.mulf %sub3A_1541, %sub3A_1542 : f32
    %add3A_1544 = vector.broadcast %mul3A_1543 : f32 to vector<256x128xf32>
    %add3A_1545 = arith.addf %add3A_1544, %mul3A_32 : vector<256x128xf32>
    %sub3A_1546 = arith.subf %add3A_1545, %mul3A_1540 : vector<256x128xf32>
    %div3A_1547 = arith.divf %mul3A_1540, %sub3A_1546 : vector<256x128xf32>
    %gt3A_1548 = arith.cmpf ogt, %div3A_1547, %select_n3A_1488 : vector<256x128xf32>
    %jit3A_1549 = arith.constant 23 : i32
    %broadcast_in_dim3A_1550 = vector.broadcast %jit3A_1549 : i32 to vector<256x128xi32>
    %select_n3A_1551 = arith.select %gt3A_1548, %broadcast_in_dim3A_1550, %select_n3A_1487 : vector<256x128xi1>, vector<256x128xi32>
    %select_n3A_1552 = arith.select %gt3A_1548, %div3A_1547, %select_n3A_1488 : vector<256x128xi1>, vector<256x128xf32>
    %reduce_max3A_1553 = vector.shape_cast %div3A_1547 : vector<256x128xf32> to vector<1x256x128xf32>
    %reduce_max3A_1554 = arith.constant dense<0xFF800000> : vector<1xf32>
    %reduce_max3A_1555 = vector.multi_reduction <maximumf>, %reduce_max3A_1553, %reduce_max3A_1554 [1, 2] : vector<1x256x128xf32> to vector<1xf32>
    %reduce_max3A_1556 = vector.shape_cast %reduce_max3A_1555 : vector<1xf32> to vector<1x1x1xf32>
    %reduce_max3A_1557 = vector.extract %reduce_max3A_1556[0, 0, 0] : f32 from vector<1x1x1xf32>
    %eq3A_1558 = vector.broadcast %reduce_max3A_1557 : f32 to vector<256x128xf32>
    %eq3A_1559 = arith.cmpf oeq, %div3A_1547, %eq3A_1558 : vector<256x128xf32>
    %jit3A_1560 = arith.constant 32768 : i32
    %broadcast_in_dim3A_1561 = vector.broadcast %jit3A_1560 : i32 to vector<256x128xi32>
    %select_n3A_1562 = arith.select %eq3A_1559, %add3A_37, %broadcast_in_dim3A_1561 : vector<256x128xi1>, vector<256x128xi32>
    %reduce_min3A_1563 = vector.shape_cast %select_n3A_1562 : vector<256x128xi32> to vector<1x256x128xi32>
    %reduce_min3A_1564 = arith.constant dense<2147483647> : vector<1xi32>
    %reduce_min3A_1565 = vector.multi_reduction <minsi>, %reduce_min3A_1563, %reduce_min3A_1564 [1, 2] : vector<1x256x128xi32> to vector<1xi32>
    %reduce_min3A_1566 = vector.shape_cast %reduce_min3A_1565 : vector<1xi32> to vector<1x1x1xi32>
    %reduce_min3A_1567 = vector.extract %reduce_min3A_1566[0, 0, 0] : i32 from vector<1x1x1xi32>
    %get3A_1568 = arith.constant 0 : index
    %get3A_1569 = arith.constant 24 : index
    %get3A_1570 = arith.constant 0 : index
    %get3A_1571 = memref.load %arg1[%get3A_1568, %get3A_1569, %get3A_1570] : memref<1x32x5xf32, #tpu.memory_space<smem>>
    %get3A_1572 = arith.constant 0 : index
    %get3A_1573 = arith.constant 24 : index
    %get3A_1574 = arith.constant 1 : index
    %get3A_1575 = memref.load %arg1[%get3A_1572, %get3A_1573, %get3A_1574] : memref<1x32x5xf32, #tpu.memory_space<smem>>
    %get3A_1576 = arith.constant 0 : index
    %get3A_1577 = arith.constant 24 : index
    %get3A_1578 = arith.constant 2 : index
    %get3A_1579 = memref.load %arg1[%get3A_1576, %get3A_1577, %get3A_1578] : memref<1x32x5xf32, #tpu.memory_space<smem>>
    %get3A_1580 = arith.constant 0 : index
    %get3A_1581 = arith.constant 24 : index
    %get3A_1582 = arith.constant 3 : index
    %get3A_1583 = memref.load %arg1[%get3A_1580, %get3A_1581, %get3A_1582] : memref<1x32x5xf32, #tpu.memory_space<smem>>
    %get3A_1584 = arith.constant 0 : index
    %get3A_1585 = arith.constant 24 : index
    %get3A_1586 = arith.constant 4 : index
    %get3A_1587 = memref.load %arg1[%get3A_1584, %get3A_1585, %get3A_1586] : memref<1x32x5xf32, #tpu.memory_space<smem>>
    %min3A_1588 = vector.broadcast %get3A_1579 : f32 to vector<256x128xf32>
    %min3A_1589 = arith.minimumf %min3A_1588, %add3A : vector<256x128xf32>
    %max3A_1590 = vector.broadcast %get3A_1571 : f32 to vector<256x128xf32>
    %max3A_1591 = arith.maximumf %max3A_1590, %sub3A : vector<256x128xf32>
    %sub3A_1592 = arith.subf %min3A_1589, %max3A_1591 : vector<256x128xf32>
    %max3A_1593 = arith.constant 0.000000e+00 : f32
    %max3A_1594 = vector.broadcast %max3A_1593 : f32 to vector<256x128xf32>
    %max3A_1595 = arith.maximumf %sub3A_1592, %max3A_1594 : vector<256x128xf32>
    %min3A_1596 = vector.broadcast %get3A_1583 : f32 to vector<256x128xf32>
    %min3A_1597 = arith.minimumf %min3A_1596, %add3A_31 : vector<256x128xf32>
    %max3A_1598 = vector.broadcast %get3A_1575 : f32 to vector<256x128xf32>
    %max3A_1599 = arith.maximumf %max3A_1598, %sub3A_24 : vector<256x128xf32>
    %sub3A_1600 = arith.subf %min3A_1597, %max3A_1599 : vector<256x128xf32>
    %max3A_1601 = arith.constant 0.000000e+00 : f32
    %max3A_1602 = vector.broadcast %max3A_1601 : f32 to vector<256x128xf32>
    %max3A_1603 = arith.maximumf %sub3A_1600, %max3A_1602 : vector<256x128xf32>
    %mul3A_1604 = arith.mulf %max3A_1595, %max3A_1603 : vector<256x128xf32>
    %sub3A_1605 = arith.subf %get3A_1579, %get3A_1571 : f32
    %sub3A_1606 = arith.subf %get3A_1583, %get3A_1575 : f32
    %mul3A_1607 = arith.mulf %sub3A_1605, %sub3A_1606 : f32
    %add3A_1608 = vector.broadcast %mul3A_1607 : f32 to vector<256x128xf32>
    %add3A_1609 = arith.addf %add3A_1608, %mul3A_32 : vector<256x128xf32>
    %sub3A_1610 = arith.subf %add3A_1609, %mul3A_1604 : vector<256x128xf32>
    %div3A_1611 = arith.divf %mul3A_1604, %sub3A_1610 : vector<256x128xf32>
    %gt3A_1612 = arith.cmpf ogt, %div3A_1611, %select_n3A_1552 : vector<256x128xf32>
    %jit3A_1613 = arith.constant 24 : i32
    %broadcast_in_dim3A_1614 = vector.broadcast %jit3A_1613 : i32 to vector<256x128xi32>
    %select_n3A_1615 = arith.select %gt3A_1612, %broadcast_in_dim3A_1614, %select_n3A_1551 : vector<256x128xi1>, vector<256x128xi32>
    %select_n3A_1616 = arith.select %gt3A_1612, %div3A_1611, %select_n3A_1552 : vector<256x128xi1>, vector<256x128xf32>
    %reduce_max3A_1617 = vector.shape_cast %div3A_1611 : vector<256x128xf32> to vector<1x256x128xf32>
    %reduce_max3A_1618 = arith.constant dense<0xFF800000> : vector<1xf32>
    %reduce_max3A_1619 = vector.multi_reduction <maximumf>, %reduce_max3A_1617, %reduce_max3A_1618 [1, 2] : vector<1x256x128xf32> to vector<1xf32>
    %reduce_max3A_1620 = vector.shape_cast %reduce_max3A_1619 : vector<1xf32> to vector<1x1x1xf32>
    %reduce_max3A_1621 = vector.extract %reduce_max3A_1620[0, 0, 0] : f32 from vector<1x1x1xf32>
    %eq3A_1622 = vector.broadcast %reduce_max3A_1621 : f32 to vector<256x128xf32>
    %eq3A_1623 = arith.cmpf oeq, %div3A_1611, %eq3A_1622 : vector<256x128xf32>
    %jit3A_1624 = arith.constant 32768 : i32
    %broadcast_in_dim3A_1625 = vector.broadcast %jit3A_1624 : i32 to vector<256x128xi32>
    %select_n3A_1626 = arith.select %eq3A_1623, %add3A_37, %broadcast_in_dim3A_1625 : vector<256x128xi1>, vector<256x128xi32>
    %reduce_min3A_1627 = vector.shape_cast %select_n3A_1626 : vector<256x128xi32> to vector<1x256x128xi32>
    %reduce_min3A_1628 = arith.constant dense<2147483647> : vector<1xi32>
    %reduce_min3A_1629 = vector.multi_reduction <minsi>, %reduce_min3A_1627, %reduce_min3A_1628 [1, 2] : vector<1x256x128xi32> to vector<1xi32>
    %reduce_min3A_1630 = vector.shape_cast %reduce_min3A_1629 : vector<1xi32> to vector<1x1x1xi32>
    %reduce_min3A_1631 = vector.extract %reduce_min3A_1630[0, 0, 0] : i32 from vector<1x1x1xi32>
    %get3A_1632 = arith.constant 0 : index
    %get3A_1633 = arith.constant 25 : index
    %get3A_1634 = arith.constant 0 : index
    %get3A_1635 = memref.load %arg1[%get3A_1632, %get3A_1633, %get3A_1634] : memref<1x32x5xf32, #tpu.memory_space<smem>>
    %get3A_1636 = arith.constant 0 : index
    %get3A_1637 = arith.constant 25 : index
    %get3A_1638 = arith.constant 1 : index
    %get3A_1639 = memref.load %arg1[%get3A_1636, %get3A_1637, %get3A_1638] : memref<1x32x5xf32, #tpu.memory_space<smem>>
    %get3A_1640 = arith.constant 0 : index
    %get3A_1641 = arith.constant 25 : index
    %get3A_1642 = arith.constant 2 : index
    %get3A_1643 = memref.load %arg1[%get3A_1640, %get3A_1641, %get3A_1642] : memref<1x32x5xf32, #tpu.memory_space<smem>>
    %get3A_1644 = arith.constant 0 : index
    %get3A_1645 = arith.constant 25 : index
    %get3A_1646 = arith.constant 3 : index
    %get3A_1647 = memref.load %arg1[%get3A_1644, %get3A_1645, %get3A_1646] : memref<1x32x5xf32, #tpu.memory_space<smem>>
    %get3A_1648 = arith.constant 0 : index
    %get3A_1649 = arith.constant 25 : index
    %get3A_1650 = arith.constant 4 : index
    %get3A_1651 = memref.load %arg1[%get3A_1648, %get3A_1649, %get3A_1650] : memref<1x32x5xf32, #tpu.memory_space<smem>>
    %min3A_1652 = vector.broadcast %get3A_1643 : f32 to vector<256x128xf32>
    %min3A_1653 = arith.minimumf %min3A_1652, %add3A : vector<256x128xf32>
    %max3A_1654 = vector.broadcast %get3A_1635 : f32 to vector<256x128xf32>
    %max3A_1655 = arith.maximumf %max3A_1654, %sub3A : vector<256x128xf32>
    %sub3A_1656 = arith.subf %min3A_1653, %max3A_1655 : vector<256x128xf32>
    %max3A_1657 = arith.constant 0.000000e+00 : f32
    %max3A_1658 = vector.broadcast %max3A_1657 : f32 to vector<256x128xf32>
    %max3A_1659 = arith.maximumf %sub3A_1656, %max3A_1658 : vector<256x128xf32>
    %min3A_1660 = vector.broadcast %get3A_1647 : f32 to vector<256x128xf32>
    %min3A_1661 = arith.minimumf %min3A_1660, %add3A_31 : vector<256x128xf32>
    %max3A_1662 = vector.broadcast %get3A_1639 : f32 to vector<256x128xf32>
    %max3A_1663 = arith.maximumf %max3A_1662, %sub3A_24 : vector<256x128xf32>
    %sub3A_1664 = arith.subf %min3A_1661, %max3A_1663 : vector<256x128xf32>
    %max3A_1665 = arith.constant 0.000000e+00 : f32
    %max3A_1666 = vector.broadcast %max3A_1665 : f32 to vector<256x128xf32>
    %max3A_1667 = arith.maximumf %sub3A_1664, %max3A_1666 : vector<256x128xf32>
    %mul3A_1668 = arith.mulf %max3A_1659, %max3A_1667 : vector<256x128xf32>
    %sub3A_1669 = arith.subf %get3A_1643, %get3A_1635 : f32
    %sub3A_1670 = arith.subf %get3A_1647, %get3A_1639 : f32
    %mul3A_1671 = arith.mulf %sub3A_1669, %sub3A_1670 : f32
    %add3A_1672 = vector.broadcast %mul3A_1671 : f32 to vector<256x128xf32>
    %add3A_1673 = arith.addf %add3A_1672, %mul3A_32 : vector<256x128xf32>
    %sub3A_1674 = arith.subf %add3A_1673, %mul3A_1668 : vector<256x128xf32>
    %div3A_1675 = arith.divf %mul3A_1668, %sub3A_1674 : vector<256x128xf32>
    %gt3A_1676 = arith.cmpf ogt, %div3A_1675, %select_n3A_1616 : vector<256x128xf32>
    %jit3A_1677 = arith.constant 25 : i32
    %broadcast_in_dim3A_1678 = vector.broadcast %jit3A_1677 : i32 to vector<256x128xi32>
    %select_n3A_1679 = arith.select %gt3A_1676, %broadcast_in_dim3A_1678, %select_n3A_1615 : vector<256x128xi1>, vector<256x128xi32>
    %select_n3A_1680 = arith.select %gt3A_1676, %div3A_1675, %select_n3A_1616 : vector<256x128xi1>, vector<256x128xf32>
    %reduce_max3A_1681 = vector.shape_cast %div3A_1675 : vector<256x128xf32> to vector<1x256x128xf32>
    %reduce_max3A_1682 = arith.constant dense<0xFF800000> : vector<1xf32>
    %reduce_max3A_1683 = vector.multi_reduction <maximumf>, %reduce_max3A_1681, %reduce_max3A_1682 [1, 2] : vector<1x256x128xf32> to vector<1xf32>
    %reduce_max3A_1684 = vector.shape_cast %reduce_max3A_1683 : vector<1xf32> to vector<1x1x1xf32>
    %reduce_max3A_1685 = vector.extract %reduce_max3A_1684[0, 0, 0] : f32 from vector<1x1x1xf32>
    %eq3A_1686 = vector.broadcast %reduce_max3A_1685 : f32 to vector<256x128xf32>
    %eq3A_1687 = arith.cmpf oeq, %div3A_1675, %eq3A_1686 : vector<256x128xf32>
    %jit3A_1688 = arith.constant 32768 : i32
    %broadcast_in_dim3A_1689 = vector.broadcast %jit3A_1688 : i32 to vector<256x128xi32>
    %select_n3A_1690 = arith.select %eq3A_1687, %add3A_37, %broadcast_in_dim3A_1689 : vector<256x128xi1>, vector<256x128xi32>
    %reduce_min3A_1691 = vector.shape_cast %select_n3A_1690 : vector<256x128xi32> to vector<1x256x128xi32>
    %reduce_min3A_1692 = arith.constant dense<2147483647> : vector<1xi32>
    %reduce_min3A_1693 = vector.multi_reduction <minsi>, %reduce_min3A_1691, %reduce_min3A_1692 [1, 2] : vector<1x256x128xi32> to vector<1xi32>
    %reduce_min3A_1694 = vector.shape_cast %reduce_min3A_1693 : vector<1xi32> to vector<1x1x1xi32>
    %reduce_min3A_1695 = vector.extract %reduce_min3A_1694[0, 0, 0] : i32 from vector<1x1x1xi32>
    %get3A_1696 = arith.constant 0 : index
    %get3A_1697 = arith.constant 26 : index
    %get3A_1698 = arith.constant 0 : index
    %get3A_1699 = memref.load %arg1[%get3A_1696, %get3A_1697, %get3A_1698] : memref<1x32x5xf32, #tpu.memory_space<smem>>
    %get3A_1700 = arith.constant 0 : index
    %get3A_1701 = arith.constant 26 : index
    %get3A_1702 = arith.constant 1 : index
    %get3A_1703 = memref.load %arg1[%get3A_1700, %get3A_1701, %get3A_1702] : memref<1x32x5xf32, #tpu.memory_space<smem>>
    %get3A_1704 = arith.constant 0 : index
    %get3A_1705 = arith.constant 26 : index
    %get3A_1706 = arith.constant 2 : index
    %get3A_1707 = memref.load %arg1[%get3A_1704, %get3A_1705, %get3A_1706] : memref<1x32x5xf32, #tpu.memory_space<smem>>
    %get3A_1708 = arith.constant 0 : index
    %get3A_1709 = arith.constant 26 : index
    %get3A_1710 = arith.constant 3 : index
    %get3A_1711 = memref.load %arg1[%get3A_1708, %get3A_1709, %get3A_1710] : memref<1x32x5xf32, #tpu.memory_space<smem>>
    %get3A_1712 = arith.constant 0 : index
    %get3A_1713 = arith.constant 26 : index
    %get3A_1714 = arith.constant 4 : index
    %get3A_1715 = memref.load %arg1[%get3A_1712, %get3A_1713, %get3A_1714] : memref<1x32x5xf32, #tpu.memory_space<smem>>
    %min3A_1716 = vector.broadcast %get3A_1707 : f32 to vector<256x128xf32>
    %min3A_1717 = arith.minimumf %min3A_1716, %add3A : vector<256x128xf32>
    %max3A_1718 = vector.broadcast %get3A_1699 : f32 to vector<256x128xf32>
    %max3A_1719 = arith.maximumf %max3A_1718, %sub3A : vector<256x128xf32>
    %sub3A_1720 = arith.subf %min3A_1717, %max3A_1719 : vector<256x128xf32>
    %max3A_1721 = arith.constant 0.000000e+00 : f32
    %max3A_1722 = vector.broadcast %max3A_1721 : f32 to vector<256x128xf32>
    %max3A_1723 = arith.maximumf %sub3A_1720, %max3A_1722 : vector<256x128xf32>
    %min3A_1724 = vector.broadcast %get3A_1711 : f32 to vector<256x128xf32>
    %min3A_1725 = arith.minimumf %min3A_1724, %add3A_31 : vector<256x128xf32>
    %max3A_1726 = vector.broadcast %get3A_1703 : f32 to vector<256x128xf32>
    %max3A_1727 = arith.maximumf %max3A_1726, %sub3A_24 : vector<256x128xf32>
    %sub3A_1728 = arith.subf %min3A_1725, %max3A_1727 : vector<256x128xf32>
    %max3A_1729 = arith.constant 0.000000e+00 : f32
    %max3A_1730 = vector.broadcast %max3A_1729 : f32 to vector<256x128xf32>
    %max3A_1731 = arith.maximumf %sub3A_1728, %max3A_1730 : vector<256x128xf32>
    %mul3A_1732 = arith.mulf %max3A_1723, %max3A_1731 : vector<256x128xf32>
    %sub3A_1733 = arith.subf %get3A_1707, %get3A_1699 : f32
    %sub3A_1734 = arith.subf %get3A_1711, %get3A_1703 : f32
    %mul3A_1735 = arith.mulf %sub3A_1733, %sub3A_1734 : f32
    %add3A_1736 = vector.broadcast %mul3A_1735 : f32 to vector<256x128xf32>
    %add3A_1737 = arith.addf %add3A_1736, %mul3A_32 : vector<256x128xf32>
    %sub3A_1738 = arith.subf %add3A_1737, %mul3A_1732 : vector<256x128xf32>
    %div3A_1739 = arith.divf %mul3A_1732, %sub3A_1738 : vector<256x128xf32>
    %gt3A_1740 = arith.cmpf ogt, %div3A_1739, %select_n3A_1680 : vector<256x128xf32>
    %jit3A_1741 = arith.constant 26 : i32
    %broadcast_in_dim3A_1742 = vector.broadcast %jit3A_1741 : i32 to vector<256x128xi32>
    %select_n3A_1743 = arith.select %gt3A_1740, %broadcast_in_dim3A_1742, %select_n3A_1679 : vector<256x128xi1>, vector<256x128xi32>
    %select_n3A_1744 = arith.select %gt3A_1740, %div3A_1739, %select_n3A_1680 : vector<256x128xi1>, vector<256x128xf32>
    %reduce_max3A_1745 = vector.shape_cast %div3A_1739 : vector<256x128xf32> to vector<1x256x128xf32>
    %reduce_max3A_1746 = arith.constant dense<0xFF800000> : vector<1xf32>
    %reduce_max3A_1747 = vector.multi_reduction <maximumf>, %reduce_max3A_1745, %reduce_max3A_1746 [1, 2] : vector<1x256x128xf32> to vector<1xf32>
    %reduce_max3A_1748 = vector.shape_cast %reduce_max3A_1747 : vector<1xf32> to vector<1x1x1xf32>
    %reduce_max3A_1749 = vector.extract %reduce_max3A_1748[0, 0, 0] : f32 from vector<1x1x1xf32>
    %eq3A_1750 = vector.broadcast %reduce_max3A_1749 : f32 to vector<256x128xf32>
    %eq3A_1751 = arith.cmpf oeq, %div3A_1739, %eq3A_1750 : vector<256x128xf32>
    %jit3A_1752 = arith.constant 32768 : i32
    %broadcast_in_dim3A_1753 = vector.broadcast %jit3A_1752 : i32 to vector<256x128xi32>
    %select_n3A_1754 = arith.select %eq3A_1751, %add3A_37, %broadcast_in_dim3A_1753 : vector<256x128xi1>, vector<256x128xi32>
    %reduce_min3A_1755 = vector.shape_cast %select_n3A_1754 : vector<256x128xi32> to vector<1x256x128xi32>
    %reduce_min3A_1756 = arith.constant dense<2147483647> : vector<1xi32>
    %reduce_min3A_1757 = vector.multi_reduction <minsi>, %reduce_min3A_1755, %reduce_min3A_1756 [1, 2] : vector<1x256x128xi32> to vector<1xi32>
    %reduce_min3A_1758 = vector.shape_cast %reduce_min3A_1757 : vector<1xi32> to vector<1x1x1xi32>
    %reduce_min3A_1759 = vector.extract %reduce_min3A_1758[0, 0, 0] : i32 from vector<1x1x1xi32>
    %get3A_1760 = arith.constant 0 : index
    %get3A_1761 = arith.constant 27 : index
    %get3A_1762 = arith.constant 0 : index
    %get3A_1763 = memref.load %arg1[%get3A_1760, %get3A_1761, %get3A_1762] : memref<1x32x5xf32, #tpu.memory_space<smem>>
    %get3A_1764 = arith.constant 0 : index
    %get3A_1765 = arith.constant 27 : index
    %get3A_1766 = arith.constant 1 : index
    %get3A_1767 = memref.load %arg1[%get3A_1764, %get3A_1765, %get3A_1766] : memref<1x32x5xf32, #tpu.memory_space<smem>>
    %get3A_1768 = arith.constant 0 : index
    %get3A_1769 = arith.constant 27 : index
    %get3A_1770 = arith.constant 2 : index
    %get3A_1771 = memref.load %arg1[%get3A_1768, %get3A_1769, %get3A_1770] : memref<1x32x5xf32, #tpu.memory_space<smem>>
    %get3A_1772 = arith.constant 0 : index
    %get3A_1773 = arith.constant 27 : index
    %get3A_1774 = arith.constant 3 : index
    %get3A_1775 = memref.load %arg1[%get3A_1772, %get3A_1773, %get3A_1774] : memref<1x32x5xf32, #tpu.memory_space<smem>>
    %get3A_1776 = arith.constant 0 : index
    %get3A_1777 = arith.constant 27 : index
    %get3A_1778 = arith.constant 4 : index
    %get3A_1779 = memref.load %arg1[%get3A_1776, %get3A_1777, %get3A_1778] : memref<1x32x5xf32, #tpu.memory_space<smem>>
    %min3A_1780 = vector.broadcast %get3A_1771 : f32 to vector<256x128xf32>
    %min3A_1781 = arith.minimumf %min3A_1780, %add3A : vector<256x128xf32>
    %max3A_1782 = vector.broadcast %get3A_1763 : f32 to vector<256x128xf32>
    %max3A_1783 = arith.maximumf %max3A_1782, %sub3A : vector<256x128xf32>
    %sub3A_1784 = arith.subf %min3A_1781, %max3A_1783 : vector<256x128xf32>
    %max3A_1785 = arith.constant 0.000000e+00 : f32
    %max3A_1786 = vector.broadcast %max3A_1785 : f32 to vector<256x128xf32>
    %max3A_1787 = arith.maximumf %sub3A_1784, %max3A_1786 : vector<256x128xf32>
    %min3A_1788 = vector.broadcast %get3A_1775 : f32 to vector<256x128xf32>
    %min3A_1789 = arith.minimumf %min3A_1788, %add3A_31 : vector<256x128xf32>
    %max3A_1790 = vector.broadcast %get3A_1767 : f32 to vector<256x128xf32>
    %max3A_1791 = arith.maximumf %max3A_1790, %sub3A_24 : vector<256x128xf32>
    %sub3A_1792 = arith.subf %min3A_1789, %max3A_1791 : vector<256x128xf32>
    %max3A_1793 = arith.constant 0.000000e+00 : f32
    %max3A_1794 = vector.broadcast %max3A_1793 : f32 to vector<256x128xf32>
    %max3A_1795 = arith.maximumf %sub3A_1792, %max3A_1794 : vector<256x128xf32>
    %mul3A_1796 = arith.mulf %max3A_1787, %max3A_1795 : vector<256x128xf32>
    %sub3A_1797 = arith.subf %get3A_1771, %get3A_1763 : f32
    %sub3A_1798 = arith.subf %get3A_1775, %get3A_1767 : f32
    %mul3A_1799 = arith.mulf %sub3A_1797, %sub3A_1798 : f32
    %add3A_1800 = vector.broadcast %mul3A_1799 : f32 to vector<256x128xf32>
    %add3A_1801 = arith.addf %add3A_1800, %mul3A_32 : vector<256x128xf32>
    %sub3A_1802 = arith.subf %add3A_1801, %mul3A_1796 : vector<256x128xf32>
    %div3A_1803 = arith.divf %mul3A_1796, %sub3A_1802 : vector<256x128xf32>
    %gt3A_1804 = arith.cmpf ogt, %div3A_1803, %select_n3A_1744 : vector<256x128xf32>
    %jit3A_1805 = arith.constant 27 : i32
    %broadcast_in_dim3A_1806 = vector.broadcast %jit3A_1805 : i32 to vector<256x128xi32>
    %select_n3A_1807 = arith.select %gt3A_1804, %broadcast_in_dim3A_1806, %select_n3A_1743 : vector<256x128xi1>, vector<256x128xi32>
    %select_n3A_1808 = arith.select %gt3A_1804, %div3A_1803, %select_n3A_1744 : vector<256x128xi1>, vector<256x128xf32>
    %reduce_max3A_1809 = vector.shape_cast %div3A_1803 : vector<256x128xf32> to vector<1x256x128xf32>
    %reduce_max3A_1810 = arith.constant dense<0xFF800000> : vector<1xf32>
    %reduce_max3A_1811 = vector.multi_reduction <maximumf>, %reduce_max3A_1809, %reduce_max3A_1810 [1, 2] : vector<1x256x128xf32> to vector<1xf32>
    %reduce_max3A_1812 = vector.shape_cast %reduce_max3A_1811 : vector<1xf32> to vector<1x1x1xf32>
    %reduce_max3A_1813 = vector.extract %reduce_max3A_1812[0, 0, 0] : f32 from vector<1x1x1xf32>
    %eq3A_1814 = vector.broadcast %reduce_max3A_1813 : f32 to vector<256x128xf32>
    %eq3A_1815 = arith.cmpf oeq, %div3A_1803, %eq3A_1814 : vector<256x128xf32>
    %jit3A_1816 = arith.constant 32768 : i32
    %broadcast_in_dim3A_1817 = vector.broadcast %jit3A_1816 : i32 to vector<256x128xi32>
    %select_n3A_1818 = arith.select %eq3A_1815, %add3A_37, %broadcast_in_dim3A_1817 : vector<256x128xi1>, vector<256x128xi32>
    %reduce_min3A_1819 = vector.shape_cast %select_n3A_1818 : vector<256x128xi32> to vector<1x256x128xi32>
    %reduce_min3A_1820 = arith.constant dense<2147483647> : vector<1xi32>
    %reduce_min3A_1821 = vector.multi_reduction <minsi>, %reduce_min3A_1819, %reduce_min3A_1820 [1, 2] : vector<1x256x128xi32> to vector<1xi32>
    %reduce_min3A_1822 = vector.shape_cast %reduce_min3A_1821 : vector<1xi32> to vector<1x1x1xi32>
    %reduce_min3A_1823 = vector.extract %reduce_min3A_1822[0, 0, 0] : i32 from vector<1x1x1xi32>
    %get3A_1824 = arith.constant 0 : index
    %get3A_1825 = arith.constant 28 : index
    %get3A_1826 = arith.constant 0 : index
    %get3A_1827 = memref.load %arg1[%get3A_1824, %get3A_1825, %get3A_1826] : memref<1x32x5xf32, #tpu.memory_space<smem>>
    %get3A_1828 = arith.constant 0 : index
    %get3A_1829 = arith.constant 28 : index
    %get3A_1830 = arith.constant 1 : index
    %get3A_1831 = memref.load %arg1[%get3A_1828, %get3A_1829, %get3A_1830] : memref<1x32x5xf32, #tpu.memory_space<smem>>
    %get3A_1832 = arith.constant 0 : index
    %get3A_1833 = arith.constant 28 : index
    %get3A_1834 = arith.constant 2 : index
    %get3A_1835 = memref.load %arg1[%get3A_1832, %get3A_1833, %get3A_1834] : memref<1x32x5xf32, #tpu.memory_space<smem>>
    %get3A_1836 = arith.constant 0 : index
    %get3A_1837 = arith.constant 28 : index
    %get3A_1838 = arith.constant 3 : index
    %get3A_1839 = memref.load %arg1[%get3A_1836, %get3A_1837, %get3A_1838] : memref<1x32x5xf32, #tpu.memory_space<smem>>
    %get3A_1840 = arith.constant 0 : index
    %get3A_1841 = arith.constant 28 : index
    %get3A_1842 = arith.constant 4 : index
    %get3A_1843 = memref.load %arg1[%get3A_1840, %get3A_1841, %get3A_1842] : memref<1x32x5xf32, #tpu.memory_space<smem>>
    %min3A_1844 = vector.broadcast %get3A_1835 : f32 to vector<256x128xf32>
    %min3A_1845 = arith.minimumf %min3A_1844, %add3A : vector<256x128xf32>
    %max3A_1846 = vector.broadcast %get3A_1827 : f32 to vector<256x128xf32>
    %max3A_1847 = arith.maximumf %max3A_1846, %sub3A : vector<256x128xf32>
    %sub3A_1848 = arith.subf %min3A_1845, %max3A_1847 : vector<256x128xf32>
    %max3A_1849 = arith.constant 0.000000e+00 : f32
    %max3A_1850 = vector.broadcast %max3A_1849 : f32 to vector<256x128xf32>
    %max3A_1851 = arith.maximumf %sub3A_1848, %max3A_1850 : vector<256x128xf32>
    %min3A_1852 = vector.broadcast %get3A_1839 : f32 to vector<256x128xf32>
    %min3A_1853 = arith.minimumf %min3A_1852, %add3A_31 : vector<256x128xf32>
    %max3A_1854 = vector.broadcast %get3A_1831 : f32 to vector<256x128xf32>
    %max3A_1855 = arith.maximumf %max3A_1854, %sub3A_24 : vector<256x128xf32>
    %sub3A_1856 = arith.subf %min3A_1853, %max3A_1855 : vector<256x128xf32>
    %max3A_1857 = arith.constant 0.000000e+00 : f32
    %max3A_1858 = vector.broadcast %max3A_1857 : f32 to vector<256x128xf32>
    %max3A_1859 = arith.maximumf %sub3A_1856, %max3A_1858 : vector<256x128xf32>
    %mul3A_1860 = arith.mulf %max3A_1851, %max3A_1859 : vector<256x128xf32>
    %sub3A_1861 = arith.subf %get3A_1835, %get3A_1827 : f32
    %sub3A_1862 = arith.subf %get3A_1839, %get3A_1831 : f32
    %mul3A_1863 = arith.mulf %sub3A_1861, %sub3A_1862 : f32
    %add3A_1864 = vector.broadcast %mul3A_1863 : f32 to vector<256x128xf32>
    %add3A_1865 = arith.addf %add3A_1864, %mul3A_32 : vector<256x128xf32>
    %sub3A_1866 = arith.subf %add3A_1865, %mul3A_1860 : vector<256x128xf32>
    %div3A_1867 = arith.divf %mul3A_1860, %sub3A_1866 : vector<256x128xf32>
    %gt3A_1868 = arith.cmpf ogt, %div3A_1867, %select_n3A_1808 : vector<256x128xf32>
    %jit3A_1869 = arith.constant 28 : i32
    %broadcast_in_dim3A_1870 = vector.broadcast %jit3A_1869 : i32 to vector<256x128xi32>
    %select_n3A_1871 = arith.select %gt3A_1868, %broadcast_in_dim3A_1870, %select_n3A_1807 : vector<256x128xi1>, vector<256x128xi32>
    %select_n3A_1872 = arith.select %gt3A_1868, %div3A_1867, %select_n3A_1808 : vector<256x128xi1>, vector<256x128xf32>
    %reduce_max3A_1873 = vector.shape_cast %div3A_1867 : vector<256x128xf32> to vector<1x256x128xf32>
    %reduce_max3A_1874 = arith.constant dense<0xFF800000> : vector<1xf32>
    %reduce_max3A_1875 = vector.multi_reduction <maximumf>, %reduce_max3A_1873, %reduce_max3A_1874 [1, 2] : vector<1x256x128xf32> to vector<1xf32>
    %reduce_max3A_1876 = vector.shape_cast %reduce_max3A_1875 : vector<1xf32> to vector<1x1x1xf32>
    %reduce_max3A_1877 = vector.extract %reduce_max3A_1876[0, 0, 0] : f32 from vector<1x1x1xf32>
    %eq3A_1878 = vector.broadcast %reduce_max3A_1877 : f32 to vector<256x128xf32>
    %eq3A_1879 = arith.cmpf oeq, %div3A_1867, %eq3A_1878 : vector<256x128xf32>
    %jit3A_1880 = arith.constant 32768 : i32
    %broadcast_in_dim3A_1881 = vector.broadcast %jit3A_1880 : i32 to vector<256x128xi32>
    %select_n3A_1882 = arith.select %eq3A_1879, %add3A_37, %broadcast_in_dim3A_1881 : vector<256x128xi1>, vector<256x128xi32>
    %reduce_min3A_1883 = vector.shape_cast %select_n3A_1882 : vector<256x128xi32> to vector<1x256x128xi32>
    %reduce_min3A_1884 = arith.constant dense<2147483647> : vector<1xi32>
    %reduce_min3A_1885 = vector.multi_reduction <minsi>, %reduce_min3A_1883, %reduce_min3A_1884 [1, 2] : vector<1x256x128xi32> to vector<1xi32>
    %reduce_min3A_1886 = vector.shape_cast %reduce_min3A_1885 : vector<1xi32> to vector<1x1x1xi32>
    %reduce_min3A_1887 = vector.extract %reduce_min3A_1886[0, 0, 0] : i32 from vector<1x1x1xi32>
    %get3A_1888 = arith.constant 0 : index
    %get3A_1889 = arith.constant 29 : index
    %get3A_1890 = arith.constant 0 : index
    %get3A_1891 = memref.load %arg1[%get3A_1888, %get3A_1889, %get3A_1890] : memref<1x32x5xf32, #tpu.memory_space<smem>>
    %get3A_1892 = arith.constant 0 : index
    %get3A_1893 = arith.constant 29 : index
    %get3A_1894 = arith.constant 1 : index
    %get3A_1895 = memref.load %arg1[%get3A_1892, %get3A_1893, %get3A_1894] : memref<1x32x5xf32, #tpu.memory_space<smem>>
    %get3A_1896 = arith.constant 0 : index
    %get3A_1897 = arith.constant 29 : index
    %get3A_1898 = arith.constant 2 : index
    %get3A_1899 = memref.load %arg1[%get3A_1896, %get3A_1897, %get3A_1898] : memref<1x32x5xf32, #tpu.memory_space<smem>>
    %get3A_1900 = arith.constant 0 : index
    %get3A_1901 = arith.constant 29 : index
    %get3A_1902 = arith.constant 3 : index
    %get3A_1903 = memref.load %arg1[%get3A_1900, %get3A_1901, %get3A_1902] : memref<1x32x5xf32, #tpu.memory_space<smem>>
    %get3A_1904 = arith.constant 0 : index
    %get3A_1905 = arith.constant 29 : index
    %get3A_1906 = arith.constant 4 : index
    %get3A_1907 = memref.load %arg1[%get3A_1904, %get3A_1905, %get3A_1906] : memref<1x32x5xf32, #tpu.memory_space<smem>>
    %min3A_1908 = vector.broadcast %get3A_1899 : f32 to vector<256x128xf32>
    %min3A_1909 = arith.minimumf %min3A_1908, %add3A : vector<256x128xf32>
    %max3A_1910 = vector.broadcast %get3A_1891 : f32 to vector<256x128xf32>
    %max3A_1911 = arith.maximumf %max3A_1910, %sub3A : vector<256x128xf32>
    %sub3A_1912 = arith.subf %min3A_1909, %max3A_1911 : vector<256x128xf32>
    %max3A_1913 = arith.constant 0.000000e+00 : f32
    %max3A_1914 = vector.broadcast %max3A_1913 : f32 to vector<256x128xf32>
    %max3A_1915 = arith.maximumf %sub3A_1912, %max3A_1914 : vector<256x128xf32>
    %min3A_1916 = vector.broadcast %get3A_1903 : f32 to vector<256x128xf32>
    %min3A_1917 = arith.minimumf %min3A_1916, %add3A_31 : vector<256x128xf32>
    %max3A_1918 = vector.broadcast %get3A_1895 : f32 to vector<256x128xf32>
    %max3A_1919 = arith.maximumf %max3A_1918, %sub3A_24 : vector<256x128xf32>
    %sub3A_1920 = arith.subf %min3A_1917, %max3A_1919 : vector<256x128xf32>
    %max3A_1921 = arith.constant 0.000000e+00 : f32
    %max3A_1922 = vector.broadcast %max3A_1921 : f32 to vector<256x128xf32>
    %max3A_1923 = arith.maximumf %sub3A_1920, %max3A_1922 : vector<256x128xf32>
    %mul3A_1924 = arith.mulf %max3A_1915, %max3A_1923 : vector<256x128xf32>
    %sub3A_1925 = arith.subf %get3A_1899, %get3A_1891 : f32
    %sub3A_1926 = arith.subf %get3A_1903, %get3A_1895 : f32
    %mul3A_1927 = arith.mulf %sub3A_1925, %sub3A_1926 : f32
    %add3A_1928 = vector.broadcast %mul3A_1927 : f32 to vector<256x128xf32>
    %add3A_1929 = arith.addf %add3A_1928, %mul3A_32 : vector<256x128xf32>
    %sub3A_1930 = arith.subf %add3A_1929, %mul3A_1924 : vector<256x128xf32>
    %div3A_1931 = arith.divf %mul3A_1924, %sub3A_1930 : vector<256x128xf32>
    %gt3A_1932 = arith.cmpf ogt, %div3A_1931, %select_n3A_1872 : vector<256x128xf32>
    %jit3A_1933 = arith.constant 29 : i32
    %broadcast_in_dim3A_1934 = vector.broadcast %jit3A_1933 : i32 to vector<256x128xi32>
    %select_n3A_1935 = arith.select %gt3A_1932, %broadcast_in_dim3A_1934, %select_n3A_1871 : vector<256x128xi1>, vector<256x128xi32>
    %select_n3A_1936 = arith.select %gt3A_1932, %div3A_1931, %select_n3A_1872 : vector<256x128xi1>, vector<256x128xf32>
    %reduce_max3A_1937 = vector.shape_cast %div3A_1931 : vector<256x128xf32> to vector<1x256x128xf32>
    %reduce_max3A_1938 = arith.constant dense<0xFF800000> : vector<1xf32>
    %reduce_max3A_1939 = vector.multi_reduction <maximumf>, %reduce_max3A_1937, %reduce_max3A_1938 [1, 2] : vector<1x256x128xf32> to vector<1xf32>
    %reduce_max3A_1940 = vector.shape_cast %reduce_max3A_1939 : vector<1xf32> to vector<1x1x1xf32>
    %reduce_max3A_1941 = vector.extract %reduce_max3A_1940[0, 0, 0] : f32 from vector<1x1x1xf32>
    %eq3A_1942 = vector.broadcast %reduce_max3A_1941 : f32 to vector<256x128xf32>
    %eq3A_1943 = arith.cmpf oeq, %div3A_1931, %eq3A_1942 : vector<256x128xf32>
    %jit3A_1944 = arith.constant 32768 : i32
    %broadcast_in_dim3A_1945 = vector.broadcast %jit3A_1944 : i32 to vector<256x128xi32>
    %select_n3A_1946 = arith.select %eq3A_1943, %add3A_37, %broadcast_in_dim3A_1945 : vector<256x128xi1>, vector<256x128xi32>
    %reduce_min3A_1947 = vector.shape_cast %select_n3A_1946 : vector<256x128xi32> to vector<1x256x128xi32>
    %reduce_min3A_1948 = arith.constant dense<2147483647> : vector<1xi32>
    %reduce_min3A_1949 = vector.multi_reduction <minsi>, %reduce_min3A_1947, %reduce_min3A_1948 [1, 2] : vector<1x256x128xi32> to vector<1xi32>
    %reduce_min3A_1950 = vector.shape_cast %reduce_min3A_1949 : vector<1xi32> to vector<1x1x1xi32>
    %reduce_min3A_1951 = vector.extract %reduce_min3A_1950[0, 0, 0] : i32 from vector<1x1x1xi32>
    %get3A_1952 = arith.constant 0 : index
    %get3A_1953 = arith.constant 30 : index
    %get3A_1954 = arith.constant 0 : index
    %get3A_1955 = memref.load %arg1[%get3A_1952, %get3A_1953, %get3A_1954] : memref<1x32x5xf32, #tpu.memory_space<smem>>
    %get3A_1956 = arith.constant 0 : index
    %get3A_1957 = arith.constant 30 : index
    %get3A_1958 = arith.constant 1 : index
    %get3A_1959 = memref.load %arg1[%get3A_1956, %get3A_1957, %get3A_1958] : memref<1x32x5xf32, #tpu.memory_space<smem>>
    %get3A_1960 = arith.constant 0 : index
    %get3A_1961 = arith.constant 30 : index
    %get3A_1962 = arith.constant 2 : index
    %get3A_1963 = memref.load %arg1[%get3A_1960, %get3A_1961, %get3A_1962] : memref<1x32x5xf32, #tpu.memory_space<smem>>
    %get3A_1964 = arith.constant 0 : index
    %get3A_1965 = arith.constant 30 : index
    %get3A_1966 = arith.constant 3 : index
    %get3A_1967 = memref.load %arg1[%get3A_1964, %get3A_1965, %get3A_1966] : memref<1x32x5xf32, #tpu.memory_space<smem>>
    %get3A_1968 = arith.constant 0 : index
    %get3A_1969 = arith.constant 30 : index
    %get3A_1970 = arith.constant 4 : index
    %get3A_1971 = memref.load %arg1[%get3A_1968, %get3A_1969, %get3A_1970] : memref<1x32x5xf32, #tpu.memory_space<smem>>
    %min3A_1972 = vector.broadcast %get3A_1963 : f32 to vector<256x128xf32>
    %min3A_1973 = arith.minimumf %min3A_1972, %add3A : vector<256x128xf32>
    %max3A_1974 = vector.broadcast %get3A_1955 : f32 to vector<256x128xf32>
    %max3A_1975 = arith.maximumf %max3A_1974, %sub3A : vector<256x128xf32>
    %sub3A_1976 = arith.subf %min3A_1973, %max3A_1975 : vector<256x128xf32>
    %max3A_1977 = arith.constant 0.000000e+00 : f32
    %max3A_1978 = vector.broadcast %max3A_1977 : f32 to vector<256x128xf32>
    %max3A_1979 = arith.maximumf %sub3A_1976, %max3A_1978 : vector<256x128xf32>
    %min3A_1980 = vector.broadcast %get3A_1967 : f32 to vector<256x128xf32>
    %min3A_1981 = arith.minimumf %min3A_1980, %add3A_31 : vector<256x128xf32>
    %max3A_1982 = vector.broadcast %get3A_1959 : f32 to vector<256x128xf32>
    %max3A_1983 = arith.maximumf %max3A_1982, %sub3A_24 : vector<256x128xf32>
    %sub3A_1984 = arith.subf %min3A_1981, %max3A_1983 : vector<256x128xf32>
    %max3A_1985 = arith.constant 0.000000e+00 : f32
    %max3A_1986 = vector.broadcast %max3A_1985 : f32 to vector<256x128xf32>
    %max3A_1987 = arith.maximumf %sub3A_1984, %max3A_1986 : vector<256x128xf32>
    %mul3A_1988 = arith.mulf %max3A_1979, %max3A_1987 : vector<256x128xf32>
    %sub3A_1989 = arith.subf %get3A_1963, %get3A_1955 : f32
    %sub3A_1990 = arith.subf %get3A_1967, %get3A_1959 : f32
    %mul3A_1991 = arith.mulf %sub3A_1989, %sub3A_1990 : f32
    %add3A_1992 = vector.broadcast %mul3A_1991 : f32 to vector<256x128xf32>
    %add3A_1993 = arith.addf %add3A_1992, %mul3A_32 : vector<256x128xf32>
    %sub3A_1994 = arith.subf %add3A_1993, %mul3A_1988 : vector<256x128xf32>
    %div3A_1995 = arith.divf %mul3A_1988, %sub3A_1994 : vector<256x128xf32>
    %gt3A_1996 = arith.cmpf ogt, %div3A_1995, %select_n3A_1936 : vector<256x128xf32>
    %jit3A_1997 = arith.constant 30 : i32
    %broadcast_in_dim3A_1998 = vector.broadcast %jit3A_1997 : i32 to vector<256x128xi32>
    %select_n3A_1999 = arith.select %gt3A_1996, %broadcast_in_dim3A_1998, %select_n3A_1935 : vector<256x128xi1>, vector<256x128xi32>
    %select_n3A_2000 = arith.select %gt3A_1996, %div3A_1995, %select_n3A_1936 : vector<256x128xi1>, vector<256x128xf32>
    %reduce_max3A_2001 = vector.shape_cast %div3A_1995 : vector<256x128xf32> to vector<1x256x128xf32>
    %reduce_max3A_2002 = arith.constant dense<0xFF800000> : vector<1xf32>
    %reduce_max3A_2003 = vector.multi_reduction <maximumf>, %reduce_max3A_2001, %reduce_max3A_2002 [1, 2] : vector<1x256x128xf32> to vector<1xf32>
    %reduce_max3A_2004 = vector.shape_cast %reduce_max3A_2003 : vector<1xf32> to vector<1x1x1xf32>
    %reduce_max3A_2005 = vector.extract %reduce_max3A_2004[0, 0, 0] : f32 from vector<1x1x1xf32>
    %eq3A_2006 = vector.broadcast %reduce_max3A_2005 : f32 to vector<256x128xf32>
    %eq3A_2007 = arith.cmpf oeq, %div3A_1995, %eq3A_2006 : vector<256x128xf32>
    %jit3A_2008 = arith.constant 32768 : i32
    %broadcast_in_dim3A_2009 = vector.broadcast %jit3A_2008 : i32 to vector<256x128xi32>
    %select_n3A_2010 = arith.select %eq3A_2007, %add3A_37, %broadcast_in_dim3A_2009 : vector<256x128xi1>, vector<256x128xi32>
    %reduce_min3A_2011 = vector.shape_cast %select_n3A_2010 : vector<256x128xi32> to vector<1x256x128xi32>
    %reduce_min3A_2012 = arith.constant dense<2147483647> : vector<1xi32>
    %reduce_min3A_2013 = vector.multi_reduction <minsi>, %reduce_min3A_2011, %reduce_min3A_2012 [1, 2] : vector<1x256x128xi32> to vector<1xi32>
    %reduce_min3A_2014 = vector.shape_cast %reduce_min3A_2013 : vector<1xi32> to vector<1x1x1xi32>
    %reduce_min3A_2015 = vector.extract %reduce_min3A_2014[0, 0, 0] : i32 from vector<1x1x1xi32>
    %get3A_2016 = arith.constant 0 : index
    %get3A_2017 = arith.constant 31 : index
    %get3A_2018 = arith.constant 0 : index
    %get3A_2019 = memref.load %arg1[%get3A_2016, %get3A_2017, %get3A_2018] : memref<1x32x5xf32, #tpu.memory_space<smem>>
    %get3A_2020 = arith.constant 0 : index
    %get3A_2021 = arith.constant 31 : index
    %get3A_2022 = arith.constant 1 : index
    %get3A_2023 = memref.load %arg1[%get3A_2020, %get3A_2021, %get3A_2022] : memref<1x32x5xf32, #tpu.memory_space<smem>>
    %get3A_2024 = arith.constant 0 : index
    %get3A_2025 = arith.constant 31 : index
    %get3A_2026 = arith.constant 2 : index
    %get3A_2027 = memref.load %arg1[%get3A_2024, %get3A_2025, %get3A_2026] : memref<1x32x5xf32, #tpu.memory_space<smem>>
    %get3A_2028 = arith.constant 0 : index
    %get3A_2029 = arith.constant 31 : index
    %get3A_2030 = arith.constant 3 : index
    %get3A_2031 = memref.load %arg1[%get3A_2028, %get3A_2029, %get3A_2030] : memref<1x32x5xf32, #tpu.memory_space<smem>>
    %get3A_2032 = arith.constant 0 : index
    %get3A_2033 = arith.constant 31 : index
    %get3A_2034 = arith.constant 4 : index
    %get3A_2035 = memref.load %arg1[%get3A_2032, %get3A_2033, %get3A_2034] : memref<1x32x5xf32, #tpu.memory_space<smem>>
    %min3A_2036 = vector.broadcast %get3A_2027 : f32 to vector<256x128xf32>
    %min3A_2037 = arith.minimumf %min3A_2036, %add3A : vector<256x128xf32>
    %max3A_2038 = vector.broadcast %get3A_2019 : f32 to vector<256x128xf32>
    %max3A_2039 = arith.maximumf %max3A_2038, %sub3A : vector<256x128xf32>
    %sub3A_2040 = arith.subf %min3A_2037, %max3A_2039 : vector<256x128xf32>
    %max3A_2041 = arith.constant 0.000000e+00 : f32
    %max3A_2042 = vector.broadcast %max3A_2041 : f32 to vector<256x128xf32>
    %max3A_2043 = arith.maximumf %sub3A_2040, %max3A_2042 : vector<256x128xf32>
    %min3A_2044 = vector.broadcast %get3A_2031 : f32 to vector<256x128xf32>
    %min3A_2045 = arith.minimumf %min3A_2044, %add3A_31 : vector<256x128xf32>
    %max3A_2046 = vector.broadcast %get3A_2023 : f32 to vector<256x128xf32>
    %max3A_2047 = arith.maximumf %max3A_2046, %sub3A_24 : vector<256x128xf32>
    %sub3A_2048 = arith.subf %min3A_2045, %max3A_2047 : vector<256x128xf32>
    %max3A_2049 = arith.constant 0.000000e+00 : f32
    %max3A_2050 = vector.broadcast %max3A_2049 : f32 to vector<256x128xf32>
    %max3A_2051 = arith.maximumf %sub3A_2048, %max3A_2050 : vector<256x128xf32>
    %mul3A_2052 = arith.mulf %max3A_2043, %max3A_2051 : vector<256x128xf32>
    %sub3A_2053 = arith.subf %get3A_2027, %get3A_2019 : f32
    %sub3A_2054 = arith.subf %get3A_2031, %get3A_2023 : f32
    %mul3A_2055 = arith.mulf %sub3A_2053, %sub3A_2054 : f32
    %add3A_2056 = vector.broadcast %mul3A_2055 : f32 to vector<256x128xf32>
    %add3A_2057 = arith.addf %add3A_2056, %mul3A_32 : vector<256x128xf32>
    %sub3A_2058 = arith.subf %add3A_2057, %mul3A_2052 : vector<256x128xf32>
    %div3A_2059 = arith.divf %mul3A_2052, %sub3A_2058 : vector<256x128xf32>
    %gt3A_2060 = arith.cmpf ogt, %div3A_2059, %select_n3A_2000 : vector<256x128xf32>
    %jit3A_2061 = arith.constant 31 : i32
    %broadcast_in_dim3A_2062 = vector.broadcast %jit3A_2061 : i32 to vector<256x128xi32>
    %select_n3A_2063 = arith.select %gt3A_2060, %broadcast_in_dim3A_2062, %select_n3A_1999 : vector<256x128xi1>, vector<256x128xi32>
    %select_n3A_2064 = arith.select %gt3A_2060, %div3A_2059, %select_n3A_2000 : vector<256x128xi1>, vector<256x128xf32>
    %reduce_max3A_2065 = vector.shape_cast %div3A_2059 : vector<256x128xf32> to vector<1x256x128xf32>
    %reduce_max3A_2066 = arith.constant dense<0xFF800000> : vector<1xf32>
    %reduce_max3A_2067 = vector.multi_reduction <maximumf>, %reduce_max3A_2065, %reduce_max3A_2066 [1, 2] : vector<1x256x128xf32> to vector<1xf32>
    %reduce_max3A_2068 = vector.shape_cast %reduce_max3A_2067 : vector<1xf32> to vector<1x1x1xf32>
    %reduce_max3A_2069 = vector.extract %reduce_max3A_2068[0, 0, 0] : f32 from vector<1x1x1xf32>
    %eq3A_2070 = vector.broadcast %reduce_max3A_2069 : f32 to vector<256x128xf32>
    %eq3A_2071 = arith.cmpf oeq, %div3A_2059, %eq3A_2070 : vector<256x128xf32>
    %jit3A_2072 = arith.constant 32768 : i32
    %broadcast_in_dim3A_2073 = vector.broadcast %jit3A_2072 : i32 to vector<256x128xi32>
    %select_n3A_2074 = arith.select %eq3A_2071, %add3A_37, %broadcast_in_dim3A_2073 : vector<256x128xi1>, vector<256x128xi32>
    %reduce_min3A_2075 = vector.shape_cast %select_n3A_2074 : vector<256x128xi32> to vector<1x256x128xi32>
    %reduce_min3A_2076 = arith.constant dense<2147483647> : vector<1xi32>
    %reduce_min3A_2077 = vector.multi_reduction <minsi>, %reduce_min3A_2075, %reduce_min3A_2076 [1, 2] : vector<1x256x128xi32> to vector<1xi32>
    %reduce_min3A_2078 = vector.shape_cast %reduce_min3A_2077 : vector<1xi32> to vector<1x1x1xi32>
    %reduce_min3A_2079 = vector.extract %reduce_min3A_2078[0, 0, 0] : i32 from vector<1x1x1xi32>
    %broadcast_in_dim3A_2080 = arith.constant -1 : i32
    %broadcast_in_dim3A_2081 = vector.broadcast %broadcast_in_dim3A_2080 : i32 to vector<256x128xi32>
    %eq3A_2082 = vector.broadcast %reduce_min3A_95 : i32 to vector<256x128xi32>
    %eq3A_2083 = arith.cmpi eq, %add3A_37, %eq3A_2082 : vector<256x128xi32>
    %jit3A_2084 = arith.constant 0 : i32
    %broadcast_in_dim3A_2085 = vector.broadcast %jit3A_2084 : i32 to vector<256x128xi32>
    %select_n3A_2086 = arith.select %eq3A_2083, %broadcast_in_dim3A_2085, %broadcast_in_dim3A_2081 : vector<256x128xi1>, vector<256x128xi32>
    %eq3A_2087 = vector.broadcast %reduce_min3A_159 : i32 to vector<256x128xi32>
    %eq3A_2088 = arith.cmpi eq, %add3A_37, %eq3A_2087 : vector<256x128xi32>
    %jit3A_2089 = arith.constant 1 : i32
    %broadcast_in_dim3A_2090 = vector.broadcast %jit3A_2089 : i32 to vector<256x128xi32>
    %select_n3A_2091 = arith.select %eq3A_2088, %broadcast_in_dim3A_2090, %select_n3A_2086 : vector<256x128xi1>, vector<256x128xi32>
    %eq3A_2092 = vector.broadcast %reduce_min3A_223 : i32 to vector<256x128xi32>
    %eq3A_2093 = arith.cmpi eq, %add3A_37, %eq3A_2092 : vector<256x128xi32>
    %jit3A_2094 = arith.constant 2 : i32
    %broadcast_in_dim3A_2095 = vector.broadcast %jit3A_2094 : i32 to vector<256x128xi32>
    %select_n3A_2096 = arith.select %eq3A_2093, %broadcast_in_dim3A_2095, %select_n3A_2091 : vector<256x128xi1>, vector<256x128xi32>
    %eq3A_2097 = vector.broadcast %reduce_min3A_287 : i32 to vector<256x128xi32>
    %eq3A_2098 = arith.cmpi eq, %add3A_37, %eq3A_2097 : vector<256x128xi32>
    %jit3A_2099 = arith.constant 3 : i32
    %broadcast_in_dim3A_2100 = vector.broadcast %jit3A_2099 : i32 to vector<256x128xi32>
    %select_n3A_2101 = arith.select %eq3A_2098, %broadcast_in_dim3A_2100, %select_n3A_2096 : vector<256x128xi1>, vector<256x128xi32>
    %eq3A_2102 = vector.broadcast %reduce_min3A_351 : i32 to vector<256x128xi32>
    %eq3A_2103 = arith.cmpi eq, %add3A_37, %eq3A_2102 : vector<256x128xi32>
    %jit3A_2104 = arith.constant 4 : i32
    %broadcast_in_dim3A_2105 = vector.broadcast %jit3A_2104 : i32 to vector<256x128xi32>
    %select_n3A_2106 = arith.select %eq3A_2103, %broadcast_in_dim3A_2105, %select_n3A_2101 : vector<256x128xi1>, vector<256x128xi32>
    %eq3A_2107 = vector.broadcast %reduce_min3A_415 : i32 to vector<256x128xi32>
    %eq3A_2108 = arith.cmpi eq, %add3A_37, %eq3A_2107 : vector<256x128xi32>
    %jit3A_2109 = arith.constant 5 : i32
    %broadcast_in_dim3A_2110 = vector.broadcast %jit3A_2109 : i32 to vector<256x128xi32>
    %select_n3A_2111 = arith.select %eq3A_2108, %broadcast_in_dim3A_2110, %select_n3A_2106 : vector<256x128xi1>, vector<256x128xi32>
    %eq3A_2112 = vector.broadcast %reduce_min3A_479 : i32 to vector<256x128xi32>
    %eq3A_2113 = arith.cmpi eq, %add3A_37, %eq3A_2112 : vector<256x128xi32>
    %jit3A_2114 = arith.constant 6 : i32
    %broadcast_in_dim3A_2115 = vector.broadcast %jit3A_2114 : i32 to vector<256x128xi32>
    %select_n3A_2116 = arith.select %eq3A_2113, %broadcast_in_dim3A_2115, %select_n3A_2111 : vector<256x128xi1>, vector<256x128xi32>
    %eq3A_2117 = vector.broadcast %reduce_min3A_543 : i32 to vector<256x128xi32>
    %eq3A_2118 = arith.cmpi eq, %add3A_37, %eq3A_2117 : vector<256x128xi32>
    %jit3A_2119 = arith.constant 7 : i32
    %broadcast_in_dim3A_2120 = vector.broadcast %jit3A_2119 : i32 to vector<256x128xi32>
    %select_n3A_2121 = arith.select %eq3A_2118, %broadcast_in_dim3A_2120, %select_n3A_2116 : vector<256x128xi1>, vector<256x128xi32>
    %eq3A_2122 = vector.broadcast %reduce_min3A_607 : i32 to vector<256x128xi32>
    %eq3A_2123 = arith.cmpi eq, %add3A_37, %eq3A_2122 : vector<256x128xi32>
    %jit3A_2124 = arith.constant 8 : i32
    %broadcast_in_dim3A_2125 = vector.broadcast %jit3A_2124 : i32 to vector<256x128xi32>
    %select_n3A_2126 = arith.select %eq3A_2123, %broadcast_in_dim3A_2125, %select_n3A_2121 : vector<256x128xi1>, vector<256x128xi32>
    %eq3A_2127 = vector.broadcast %reduce_min3A_671 : i32 to vector<256x128xi32>
    %eq3A_2128 = arith.cmpi eq, %add3A_37, %eq3A_2127 : vector<256x128xi32>
    %jit3A_2129 = arith.constant 9 : i32
    %broadcast_in_dim3A_2130 = vector.broadcast %jit3A_2129 : i32 to vector<256x128xi32>
    %select_n3A_2131 = arith.select %eq3A_2128, %broadcast_in_dim3A_2130, %select_n3A_2126 : vector<256x128xi1>, vector<256x128xi32>
    %eq3A_2132 = vector.broadcast %reduce_min3A_735 : i32 to vector<256x128xi32>
    %eq3A_2133 = arith.cmpi eq, %add3A_37, %eq3A_2132 : vector<256x128xi32>
    %jit3A_2134 = arith.constant 10 : i32
    %broadcast_in_dim3A_2135 = vector.broadcast %jit3A_2134 : i32 to vector<256x128xi32>
    %select_n3A_2136 = arith.select %eq3A_2133, %broadcast_in_dim3A_2135, %select_n3A_2131 : vector<256x128xi1>, vector<256x128xi32>
    %eq3A_2137 = vector.broadcast %reduce_min3A_799 : i32 to vector<256x128xi32>
    %eq3A_2138 = arith.cmpi eq, %add3A_37, %eq3A_2137 : vector<256x128xi32>
    %jit3A_2139 = arith.constant 11 : i32
    %broadcast_in_dim3A_2140 = vector.broadcast %jit3A_2139 : i32 to vector<256x128xi32>
    %select_n3A_2141 = arith.select %eq3A_2138, %broadcast_in_dim3A_2140, %select_n3A_2136 : vector<256x128xi1>, vector<256x128xi32>
    %eq3A_2142 = vector.broadcast %reduce_min3A_863 : i32 to vector<256x128xi32>
    %eq3A_2143 = arith.cmpi eq, %add3A_37, %eq3A_2142 : vector<256x128xi32>
    %jit3A_2144 = arith.constant 12 : i32
    %broadcast_in_dim3A_2145 = vector.broadcast %jit3A_2144 : i32 to vector<256x128xi32>
    %select_n3A_2146 = arith.select %eq3A_2143, %broadcast_in_dim3A_2145, %select_n3A_2141 : vector<256x128xi1>, vector<256x128xi32>
    %eq3A_2147 = vector.broadcast %reduce_min3A_927 : i32 to vector<256x128xi32>
    %eq3A_2148 = arith.cmpi eq, %add3A_37, %eq3A_2147 : vector<256x128xi32>
    %jit3A_2149 = arith.constant 13 : i32
    %broadcast_in_dim3A_2150 = vector.broadcast %jit3A_2149 : i32 to vector<256x128xi32>
    %select_n3A_2151 = arith.select %eq3A_2148, %broadcast_in_dim3A_2150, %select_n3A_2146 : vector<256x128xi1>, vector<256x128xi32>
    %eq3A_2152 = vector.broadcast %reduce_min3A_991 : i32 to vector<256x128xi32>
    %eq3A_2153 = arith.cmpi eq, %add3A_37, %eq3A_2152 : vector<256x128xi32>
    %jit3A_2154 = arith.constant 14 : i32
    %broadcast_in_dim3A_2155 = vector.broadcast %jit3A_2154 : i32 to vector<256x128xi32>
    %select_n3A_2156 = arith.select %eq3A_2153, %broadcast_in_dim3A_2155, %select_n3A_2151 : vector<256x128xi1>, vector<256x128xi32>
    %eq3A_2157 = vector.broadcast %reduce_min3A_1055 : i32 to vector<256x128xi32>
    %eq3A_2158 = arith.cmpi eq, %add3A_37, %eq3A_2157 : vector<256x128xi32>
    %jit3A_2159 = arith.constant 15 : i32
    %broadcast_in_dim3A_2160 = vector.broadcast %jit3A_2159 : i32 to vector<256x128xi32>
    %select_n3A_2161 = arith.select %eq3A_2158, %broadcast_in_dim3A_2160, %select_n3A_2156 : vector<256x128xi1>, vector<256x128xi32>
    %eq3A_2162 = vector.broadcast %reduce_min3A_1119 : i32 to vector<256x128xi32>
    %eq3A_2163 = arith.cmpi eq, %add3A_37, %eq3A_2162 : vector<256x128xi32>
    %jit3A_2164 = arith.constant 16 : i32
    %broadcast_in_dim3A_2165 = vector.broadcast %jit3A_2164 : i32 to vector<256x128xi32>
    %select_n3A_2166 = arith.select %eq3A_2163, %broadcast_in_dim3A_2165, %select_n3A_2161 : vector<256x128xi1>, vector<256x128xi32>
    %eq3A_2167 = vector.broadcast %reduce_min3A_1183 : i32 to vector<256x128xi32>
    %eq3A_2168 = arith.cmpi eq, %add3A_37, %eq3A_2167 : vector<256x128xi32>
    %jit3A_2169 = arith.constant 17 : i32
    %broadcast_in_dim3A_2170 = vector.broadcast %jit3A_2169 : i32 to vector<256x128xi32>
    %select_n3A_2171 = arith.select %eq3A_2168, %broadcast_in_dim3A_2170, %select_n3A_2166 : vector<256x128xi1>, vector<256x128xi32>
    %eq3A_2172 = vector.broadcast %reduce_min3A_1247 : i32 to vector<256x128xi32>
    %eq3A_2173 = arith.cmpi eq, %add3A_37, %eq3A_2172 : vector<256x128xi32>
    %jit3A_2174 = arith.constant 18 : i32
    %broadcast_in_dim3A_2175 = vector.broadcast %jit3A_2174 : i32 to vector<256x128xi32>
    %select_n3A_2176 = arith.select %eq3A_2173, %broadcast_in_dim3A_2175, %select_n3A_2171 : vector<256x128xi1>, vector<256x128xi32>
    %eq3A_2177 = vector.broadcast %reduce_min3A_1311 : i32 to vector<256x128xi32>
    %eq3A_2178 = arith.cmpi eq, %add3A_37, %eq3A_2177 : vector<256x128xi32>
    %jit3A_2179 = arith.constant 19 : i32
    %broadcast_in_dim3A_2180 = vector.broadcast %jit3A_2179 : i32 to vector<256x128xi32>
    %select_n3A_2181 = arith.select %eq3A_2178, %broadcast_in_dim3A_2180, %select_n3A_2176 : vector<256x128xi1>, vector<256x128xi32>
    %eq3A_2182 = vector.broadcast %reduce_min3A_1375 : i32 to vector<256x128xi32>
    %eq3A_2183 = arith.cmpi eq, %add3A_37, %eq3A_2182 : vector<256x128xi32>
    %jit3A_2184 = arith.constant 20 : i32
    %broadcast_in_dim3A_2185 = vector.broadcast %jit3A_2184 : i32 to vector<256x128xi32>
    %select_n3A_2186 = arith.select %eq3A_2183, %broadcast_in_dim3A_2185, %select_n3A_2181 : vector<256x128xi1>, vector<256x128xi32>
    %eq3A_2187 = vector.broadcast %reduce_min3A_1439 : i32 to vector<256x128xi32>
    %eq3A_2188 = arith.cmpi eq, %add3A_37, %eq3A_2187 : vector<256x128xi32>
    %jit3A_2189 = arith.constant 21 : i32
    %broadcast_in_dim3A_2190 = vector.broadcast %jit3A_2189 : i32 to vector<256x128xi32>
    %select_n3A_2191 = arith.select %eq3A_2188, %broadcast_in_dim3A_2190, %select_n3A_2186 : vector<256x128xi1>, vector<256x128xi32>
    %eq3A_2192 = vector.broadcast %reduce_min3A_1503 : i32 to vector<256x128xi32>
    %eq3A_2193 = arith.cmpi eq, %add3A_37, %eq3A_2192 : vector<256x128xi32>
    %jit3A_2194 = arith.constant 22 : i32
    %broadcast_in_dim3A_2195 = vector.broadcast %jit3A_2194 : i32 to vector<256x128xi32>
    %select_n3A_2196 = arith.select %eq3A_2193, %broadcast_in_dim3A_2195, %select_n3A_2191 : vector<256x128xi1>, vector<256x128xi32>
    %eq3A_2197 = vector.broadcast %reduce_min3A_1567 : i32 to vector<256x128xi32>
    %eq3A_2198 = arith.cmpi eq, %add3A_37, %eq3A_2197 : vector<256x128xi32>
    %jit3A_2199 = arith.constant 23 : i32
    %broadcast_in_dim3A_2200 = vector.broadcast %jit3A_2199 : i32 to vector<256x128xi32>
    %select_n3A_2201 = arith.select %eq3A_2198, %broadcast_in_dim3A_2200, %select_n3A_2196 : vector<256x128xi1>, vector<256x128xi32>
    %eq3A_2202 = vector.broadcast %reduce_min3A_1631 : i32 to vector<256x128xi32>
    %eq3A_2203 = arith.cmpi eq, %add3A_37, %eq3A_2202 : vector<256x128xi32>
    %jit3A_2204 = arith.constant 24 : i32
    %broadcast_in_dim3A_2205 = vector.broadcast %jit3A_2204 : i32 to vector<256x128xi32>
    %select_n3A_2206 = arith.select %eq3A_2203, %broadcast_in_dim3A_2205, %select_n3A_2201 : vector<256x128xi1>, vector<256x128xi32>
    %eq3A_2207 = vector.broadcast %reduce_min3A_1695 : i32 to vector<256x128xi32>
    %eq3A_2208 = arith.cmpi eq, %add3A_37, %eq3A_2207 : vector<256x128xi32>
    %jit3A_2209 = arith.constant 25 : i32
    %broadcast_in_dim3A_2210 = vector.broadcast %jit3A_2209 : i32 to vector<256x128xi32>
    %select_n3A_2211 = arith.select %eq3A_2208, %broadcast_in_dim3A_2210, %select_n3A_2206 : vector<256x128xi1>, vector<256x128xi32>
    %eq3A_2212 = vector.broadcast %reduce_min3A_1759 : i32 to vector<256x128xi32>
    %eq3A_2213 = arith.cmpi eq, %add3A_37, %eq3A_2212 : vector<256x128xi32>
    %jit3A_2214 = arith.constant 26 : i32
    %broadcast_in_dim3A_2215 = vector.broadcast %jit3A_2214 : i32 to vector<256x128xi32>
    %select_n3A_2216 = arith.select %eq3A_2213, %broadcast_in_dim3A_2215, %select_n3A_2211 : vector<256x128xi1>, vector<256x128xi32>
    %eq3A_2217 = vector.broadcast %reduce_min3A_1823 : i32 to vector<256x128xi32>
    %eq3A_2218 = arith.cmpi eq, %add3A_37, %eq3A_2217 : vector<256x128xi32>
    %jit3A_2219 = arith.constant 27 : i32
    %broadcast_in_dim3A_2220 = vector.broadcast %jit3A_2219 : i32 to vector<256x128xi32>
    %select_n3A_2221 = arith.select %eq3A_2218, %broadcast_in_dim3A_2220, %select_n3A_2216 : vector<256x128xi1>, vector<256x128xi32>
    %eq3A_2222 = vector.broadcast %reduce_min3A_1887 : i32 to vector<256x128xi32>
    %eq3A_2223 = arith.cmpi eq, %add3A_37, %eq3A_2222 : vector<256x128xi32>
    %jit3A_2224 = arith.constant 28 : i32
    %broadcast_in_dim3A_2225 = vector.broadcast %jit3A_2224 : i32 to vector<256x128xi32>
    %select_n3A_2226 = arith.select %eq3A_2223, %broadcast_in_dim3A_2225, %select_n3A_2221 : vector<256x128xi1>, vector<256x128xi32>
    %eq3A_2227 = vector.broadcast %reduce_min3A_1951 : i32 to vector<256x128xi32>
    %eq3A_2228 = arith.cmpi eq, %add3A_37, %eq3A_2227 : vector<256x128xi32>
    %jit3A_2229 = arith.constant 29 : i32
    %broadcast_in_dim3A_2230 = vector.broadcast %jit3A_2229 : i32 to vector<256x128xi32>
    %select_n3A_2231 = arith.select %eq3A_2228, %broadcast_in_dim3A_2230, %select_n3A_2226 : vector<256x128xi1>, vector<256x128xi32>
    %eq3A_2232 = vector.broadcast %reduce_min3A_2015 : i32 to vector<256x128xi32>
    %eq3A_2233 = arith.cmpi eq, %add3A_37, %eq3A_2232 : vector<256x128xi32>
    %jit3A_2234 = arith.constant 30 : i32
    %broadcast_in_dim3A_2235 = vector.broadcast %jit3A_2234 : i32 to vector<256x128xi32>
    %select_n3A_2236 = arith.select %eq3A_2233, %broadcast_in_dim3A_2235, %select_n3A_2231 : vector<256x128xi1>, vector<256x128xi32>
    %eq3A_2237 = vector.broadcast %reduce_min3A_2079 : i32 to vector<256x128xi32>
    %eq3A_2238 = arith.cmpi eq, %add3A_37, %eq3A_2237 : vector<256x128xi32>
    %jit3A_2239 = arith.constant 31 : i32
    %broadcast_in_dim3A_2240 = vector.broadcast %jit3A_2239 : i32 to vector<256x128xi32>
    %select_n3A_2241 = arith.select %eq3A_2238, %broadcast_in_dim3A_2240, %select_n3A_2236 : vector<256x128xi1>, vector<256x128xi32>
    %ge3A = arith.constant 0 : i32
    %ge3A_2242 = vector.broadcast %ge3A : i32 to vector<256x128xi32>
    %ge3A_2243 = arith.cmpi sge, %select_n3A_2241, %ge3A_2242 : vector<256x128xi32>
    %jit3A_2244 = arith.constant 2.000000e+00 : f32
    %broadcast_in_dim3A_2245 = vector.broadcast %jit3A_2244 : f32 to vector<256x128xf32>
    %select_n3A_2246 = arith.select %ge3A_2243, %broadcast_in_dim3A_2245, %select_n3A_2064 : vector<256x128xi1>, vector<256x128xf32>
    %select_n3A_2247 = arith.select %ge3A_2243, %select_n3A_2241, %select_n3A_2063 : vector<256x128xi1>, vector<256x128xi32>
    %broadcast_in_dim3A_2248 = arith.constant 0 : i32
    %broadcast_in_dim3A_2249 = vector.broadcast %broadcast_in_dim3A_2248 : i32 to vector<256x128xi32>
    %broadcast_in_dim3A_2250 = arith.constant 0.000000e+00 : f32
    %broadcast_in_dim3A_2251 = vector.broadcast %broadcast_in_dim3A_2250 : f32 to vector<256x128xf32>
    %broadcast_in_dim3A_2252 = arith.constant 0.000000e+00 : f32
    %broadcast_in_dim3A_2253 = vector.broadcast %broadcast_in_dim3A_2252 : f32 to vector<256x128xf32>
    %broadcast_in_dim3A_2254 = arith.constant 0.000000e+00 : f32
    %broadcast_in_dim3A_2255 = vector.broadcast %broadcast_in_dim3A_2254 : f32 to vector<256x128xf32>
    %broadcast_in_dim3A_2256 = arith.constant 0.000000e+00 : f32
    %broadcast_in_dim3A_2257 = vector.broadcast %broadcast_in_dim3A_2256 : f32 to vector<256x128xf32>
    %eq3A_2258 = arith.constant 0 : i32
    %eq3A_2259 = vector.broadcast %eq3A_2258 : i32 to vector<256x128xi32>
    %eq3A_2260 = arith.cmpi eq, %select_n3A_2247, %eq3A_2259 : vector<256x128xi32>
    %convert_element_type3A = arith.fptosi %get3A_60 : f32 to i32
    %add3A_2261 = arith.constant 1 : i32
    %add3A_2262 = arith.addi %convert_element_type3A, %add3A_2261 : i32
    %broadcast_in_dim3A_2263 = vector.broadcast %add3A_2262 : i32 to vector<256x128xi32>
    %select_n3A_2264 = arith.select %eq3A_2260, %broadcast_in_dim3A_2263, %broadcast_in_dim3A_2249 : vector<256x128xi1>, vector<256x128xi32>
    %broadcast_in_dim3A_2265 = vector.broadcast %get3A_44 : f32 to vector<256x128xf32>
    %select_n3A_2266 = arith.select %eq3A_2260, %broadcast_in_dim3A_2265, %broadcast_in_dim3A_2251 : vector<256x128xi1>, vector<256x128xf32>
    %broadcast_in_dim3A_2267 = vector.broadcast %get3A_48 : f32 to vector<256x128xf32>
    %select_n3A_2268 = arith.select %eq3A_2260, %broadcast_in_dim3A_2267, %broadcast_in_dim3A_2253 : vector<256x128xi1>, vector<256x128xf32>
    %broadcast_in_dim3A_2269 = vector.broadcast %get3A_52 : f32 to vector<256x128xf32>
    %select_n3A_2270 = arith.select %eq3A_2260, %broadcast_in_dim3A_2269, %broadcast_in_dim3A_2255 : vector<256x128xi1>, vector<256x128xf32>
    %broadcast_in_dim3A_2271 = vector.broadcast %get3A_56 : f32 to vector<256x128xf32>
    %select_n3A_2272 = arith.select %eq3A_2260, %broadcast_in_dim3A_2271, %broadcast_in_dim3A_2257 : vector<256x128xi1>, vector<256x128xf32>
    %eq3A_2273 = arith.constant 1 : i32
    %eq3A_2274 = vector.broadcast %eq3A_2273 : i32 to vector<256x128xi32>
    %eq3A_2275 = arith.cmpi eq, %select_n3A_2247, %eq3A_2274 : vector<256x128xi32>
    %convert_element_type3A_2276 = arith.fptosi %get3A_115 : f32 to i32
    %add3A_2277 = arith.constant 1 : i32
    %add3A_2278 = arith.addi %convert_element_type3A_2276, %add3A_2277 : i32
    %broadcast_in_dim3A_2279 = vector.broadcast %add3A_2278 : i32 to vector<256x128xi32>
    %select_n3A_2280 = arith.select %eq3A_2275, %broadcast_in_dim3A_2279, %select_n3A_2264 : vector<256x128xi1>, vector<256x128xi32>
    %broadcast_in_dim3A_2281 = vector.broadcast %get3A_99 : f32 to vector<256x128xf32>
    %select_n3A_2282 = arith.select %eq3A_2275, %broadcast_in_dim3A_2281, %select_n3A_2266 : vector<256x128xi1>, vector<256x128xf32>
    %broadcast_in_dim3A_2283 = vector.broadcast %get3A_103 : f32 to vector<256x128xf32>
    %select_n3A_2284 = arith.select %eq3A_2275, %broadcast_in_dim3A_2283, %select_n3A_2268 : vector<256x128xi1>, vector<256x128xf32>
    %broadcast_in_dim3A_2285 = vector.broadcast %get3A_107 : f32 to vector<256x128xf32>
    %select_n3A_2286 = arith.select %eq3A_2275, %broadcast_in_dim3A_2285, %select_n3A_2270 : vector<256x128xi1>, vector<256x128xf32>
    %broadcast_in_dim3A_2287 = vector.broadcast %get3A_111 : f32 to vector<256x128xf32>
    %select_n3A_2288 = arith.select %eq3A_2275, %broadcast_in_dim3A_2287, %select_n3A_2272 : vector<256x128xi1>, vector<256x128xf32>
    %eq3A_2289 = arith.constant 2 : i32
    %eq3A_2290 = vector.broadcast %eq3A_2289 : i32 to vector<256x128xi32>
    %eq3A_2291 = arith.cmpi eq, %select_n3A_2247, %eq3A_2290 : vector<256x128xi32>
    %convert_element_type3A_2292 = arith.fptosi %get3A_179 : f32 to i32
    %add3A_2293 = arith.constant 1 : i32
    %add3A_2294 = arith.addi %convert_element_type3A_2292, %add3A_2293 : i32
    %broadcast_in_dim3A_2295 = vector.broadcast %add3A_2294 : i32 to vector<256x128xi32>
    %select_n3A_2296 = arith.select %eq3A_2291, %broadcast_in_dim3A_2295, %select_n3A_2280 : vector<256x128xi1>, vector<256x128xi32>
    %broadcast_in_dim3A_2297 = vector.broadcast %get3A_163 : f32 to vector<256x128xf32>
    %select_n3A_2298 = arith.select %eq3A_2291, %broadcast_in_dim3A_2297, %select_n3A_2282 : vector<256x128xi1>, vector<256x128xf32>
    %broadcast_in_dim3A_2299 = vector.broadcast %get3A_167 : f32 to vector<256x128xf32>
    %select_n3A_2300 = arith.select %eq3A_2291, %broadcast_in_dim3A_2299, %select_n3A_2284 : vector<256x128xi1>, vector<256x128xf32>
    %broadcast_in_dim3A_2301 = vector.broadcast %get3A_171 : f32 to vector<256x128xf32>
    %select_n3A_2302 = arith.select %eq3A_2291, %broadcast_in_dim3A_2301, %select_n3A_2286 : vector<256x128xi1>, vector<256x128xf32>
    %broadcast_in_dim3A_2303 = vector.broadcast %get3A_175 : f32 to vector<256x128xf32>
    %select_n3A_2304 = arith.select %eq3A_2291, %broadcast_in_dim3A_2303, %select_n3A_2288 : vector<256x128xi1>, vector<256x128xf32>
    %eq3A_2305 = arith.constant 3 : i32
    %eq3A_2306 = vector.broadcast %eq3A_2305 : i32 to vector<256x128xi32>
    %eq3A_2307 = arith.cmpi eq, %select_n3A_2247, %eq3A_2306 : vector<256x128xi32>
    %convert_element_type3A_2308 = arith.fptosi %get3A_243 : f32 to i32
    %add3A_2309 = arith.constant 1 : i32
    %add3A_2310 = arith.addi %convert_element_type3A_2308, %add3A_2309 : i32
    %broadcast_in_dim3A_2311 = vector.broadcast %add3A_2310 : i32 to vector<256x128xi32>
    %select_n3A_2312 = arith.select %eq3A_2307, %broadcast_in_dim3A_2311, %select_n3A_2296 : vector<256x128xi1>, vector<256x128xi32>
    %broadcast_in_dim3A_2313 = vector.broadcast %get3A_227 : f32 to vector<256x128xf32>
    %select_n3A_2314 = arith.select %eq3A_2307, %broadcast_in_dim3A_2313, %select_n3A_2298 : vector<256x128xi1>, vector<256x128xf32>
    %broadcast_in_dim3A_2315 = vector.broadcast %get3A_231 : f32 to vector<256x128xf32>
    %select_n3A_2316 = arith.select %eq3A_2307, %broadcast_in_dim3A_2315, %select_n3A_2300 : vector<256x128xi1>, vector<256x128xf32>
    %broadcast_in_dim3A_2317 = vector.broadcast %get3A_235 : f32 to vector<256x128xf32>
    %select_n3A_2318 = arith.select %eq3A_2307, %broadcast_in_dim3A_2317, %select_n3A_2302 : vector<256x128xi1>, vector<256x128xf32>
    %broadcast_in_dim3A_2319 = vector.broadcast %get3A_239 : f32 to vector<256x128xf32>
    %select_n3A_2320 = arith.select %eq3A_2307, %broadcast_in_dim3A_2319, %select_n3A_2304 : vector<256x128xi1>, vector<256x128xf32>
    %eq3A_2321 = arith.constant 4 : i32
    %eq3A_2322 = vector.broadcast %eq3A_2321 : i32 to vector<256x128xi32>
    %eq3A_2323 = arith.cmpi eq, %select_n3A_2247, %eq3A_2322 : vector<256x128xi32>
    %convert_element_type3A_2324 = arith.fptosi %get3A_307 : f32 to i32
    %add3A_2325 = arith.constant 1 : i32
    %add3A_2326 = arith.addi %convert_element_type3A_2324, %add3A_2325 : i32
    %broadcast_in_dim3A_2327 = vector.broadcast %add3A_2326 : i32 to vector<256x128xi32>
    %select_n3A_2328 = arith.select %eq3A_2323, %broadcast_in_dim3A_2327, %select_n3A_2312 : vector<256x128xi1>, vector<256x128xi32>
    %broadcast_in_dim3A_2329 = vector.broadcast %get3A_291 : f32 to vector<256x128xf32>
    %select_n3A_2330 = arith.select %eq3A_2323, %broadcast_in_dim3A_2329, %select_n3A_2314 : vector<256x128xi1>, vector<256x128xf32>
    %broadcast_in_dim3A_2331 = vector.broadcast %get3A_295 : f32 to vector<256x128xf32>
    %select_n3A_2332 = arith.select %eq3A_2323, %broadcast_in_dim3A_2331, %select_n3A_2316 : vector<256x128xi1>, vector<256x128xf32>
    %broadcast_in_dim3A_2333 = vector.broadcast %get3A_299 : f32 to vector<256x128xf32>
    %select_n3A_2334 = arith.select %eq3A_2323, %broadcast_in_dim3A_2333, %select_n3A_2318 : vector<256x128xi1>, vector<256x128xf32>
    %broadcast_in_dim3A_2335 = vector.broadcast %get3A_303 : f32 to vector<256x128xf32>
    %select_n3A_2336 = arith.select %eq3A_2323, %broadcast_in_dim3A_2335, %select_n3A_2320 : vector<256x128xi1>, vector<256x128xf32>
    %eq3A_2337 = arith.constant 5 : i32
    %eq3A_2338 = vector.broadcast %eq3A_2337 : i32 to vector<256x128xi32>
    %eq3A_2339 = arith.cmpi eq, %select_n3A_2247, %eq3A_2338 : vector<256x128xi32>
    %convert_element_type3A_2340 = arith.fptosi %get3A_371 : f32 to i32
    %add3A_2341 = arith.constant 1 : i32
    %add3A_2342 = arith.addi %convert_element_type3A_2340, %add3A_2341 : i32
    %broadcast_in_dim3A_2343 = vector.broadcast %add3A_2342 : i32 to vector<256x128xi32>
    %select_n3A_2344 = arith.select %eq3A_2339, %broadcast_in_dim3A_2343, %select_n3A_2328 : vector<256x128xi1>, vector<256x128xi32>
    %broadcast_in_dim3A_2345 = vector.broadcast %get3A_355 : f32 to vector<256x128xf32>
    %select_n3A_2346 = arith.select %eq3A_2339, %broadcast_in_dim3A_2345, %select_n3A_2330 : vector<256x128xi1>, vector<256x128xf32>
    %broadcast_in_dim3A_2347 = vector.broadcast %get3A_359 : f32 to vector<256x128xf32>
    %select_n3A_2348 = arith.select %eq3A_2339, %broadcast_in_dim3A_2347, %select_n3A_2332 : vector<256x128xi1>, vector<256x128xf32>
    %broadcast_in_dim3A_2349 = vector.broadcast %get3A_363 : f32 to vector<256x128xf32>
    %select_n3A_2350 = arith.select %eq3A_2339, %broadcast_in_dim3A_2349, %select_n3A_2334 : vector<256x128xi1>, vector<256x128xf32>
    %broadcast_in_dim3A_2351 = vector.broadcast %get3A_367 : f32 to vector<256x128xf32>
    %select_n3A_2352 = arith.select %eq3A_2339, %broadcast_in_dim3A_2351, %select_n3A_2336 : vector<256x128xi1>, vector<256x128xf32>
    %eq3A_2353 = arith.constant 6 : i32
    %eq3A_2354 = vector.broadcast %eq3A_2353 : i32 to vector<256x128xi32>
    %eq3A_2355 = arith.cmpi eq, %select_n3A_2247, %eq3A_2354 : vector<256x128xi32>
    %convert_element_type3A_2356 = arith.fptosi %get3A_435 : f32 to i32
    %add3A_2357 = arith.constant 1 : i32
    %add3A_2358 = arith.addi %convert_element_type3A_2356, %add3A_2357 : i32
    %broadcast_in_dim3A_2359 = vector.broadcast %add3A_2358 : i32 to vector<256x128xi32>
    %select_n3A_2360 = arith.select %eq3A_2355, %broadcast_in_dim3A_2359, %select_n3A_2344 : vector<256x128xi1>, vector<256x128xi32>
    %broadcast_in_dim3A_2361 = vector.broadcast %get3A_419 : f32 to vector<256x128xf32>
    %select_n3A_2362 = arith.select %eq3A_2355, %broadcast_in_dim3A_2361, %select_n3A_2346 : vector<256x128xi1>, vector<256x128xf32>
    %broadcast_in_dim3A_2363 = vector.broadcast %get3A_423 : f32 to vector<256x128xf32>
    %select_n3A_2364 = arith.select %eq3A_2355, %broadcast_in_dim3A_2363, %select_n3A_2348 : vector<256x128xi1>, vector<256x128xf32>
    %broadcast_in_dim3A_2365 = vector.broadcast %get3A_427 : f32 to vector<256x128xf32>
    %select_n3A_2366 = arith.select %eq3A_2355, %broadcast_in_dim3A_2365, %select_n3A_2350 : vector<256x128xi1>, vector<256x128xf32>
    %broadcast_in_dim3A_2367 = vector.broadcast %get3A_431 : f32 to vector<256x128xf32>
    %select_n3A_2368 = arith.select %eq3A_2355, %broadcast_in_dim3A_2367, %select_n3A_2352 : vector<256x128xi1>, vector<256x128xf32>
    %eq3A_2369 = arith.constant 7 : i32
    %eq3A_2370 = vector.broadcast %eq3A_2369 : i32 to vector<256x128xi32>
    %eq3A_2371 = arith.cmpi eq, %select_n3A_2247, %eq3A_2370 : vector<256x128xi32>
    %convert_element_type3A_2372 = arith.fptosi %get3A_499 : f32 to i32
    %add3A_2373 = arith.constant 1 : i32
    %add3A_2374 = arith.addi %convert_element_type3A_2372, %add3A_2373 : i32
    %broadcast_in_dim3A_2375 = vector.broadcast %add3A_2374 : i32 to vector<256x128xi32>
    %select_n3A_2376 = arith.select %eq3A_2371, %broadcast_in_dim3A_2375, %select_n3A_2360 : vector<256x128xi1>, vector<256x128xi32>
    %broadcast_in_dim3A_2377 = vector.broadcast %get3A_483 : f32 to vector<256x128xf32>
    %select_n3A_2378 = arith.select %eq3A_2371, %broadcast_in_dim3A_2377, %select_n3A_2362 : vector<256x128xi1>, vector<256x128xf32>
    %broadcast_in_dim3A_2379 = vector.broadcast %get3A_487 : f32 to vector<256x128xf32>
    %select_n3A_2380 = arith.select %eq3A_2371, %broadcast_in_dim3A_2379, %select_n3A_2364 : vector<256x128xi1>, vector<256x128xf32>
    %broadcast_in_dim3A_2381 = vector.broadcast %get3A_491 : f32 to vector<256x128xf32>
    %select_n3A_2382 = arith.select %eq3A_2371, %broadcast_in_dim3A_2381, %select_n3A_2366 : vector<256x128xi1>, vector<256x128xf32>
    %broadcast_in_dim3A_2383 = vector.broadcast %get3A_495 : f32 to vector<256x128xf32>
    %select_n3A_2384 = arith.select %eq3A_2371, %broadcast_in_dim3A_2383, %select_n3A_2368 : vector<256x128xi1>, vector<256x128xf32>
    %eq3A_2385 = arith.constant 8 : i32
    %eq3A_2386 = vector.broadcast %eq3A_2385 : i32 to vector<256x128xi32>
    %eq3A_2387 = arith.cmpi eq, %select_n3A_2247, %eq3A_2386 : vector<256x128xi32>
    %convert_element_type3A_2388 = arith.fptosi %get3A_563 : f32 to i32
    %add3A_2389 = arith.constant 1 : i32
    %add3A_2390 = arith.addi %convert_element_type3A_2388, %add3A_2389 : i32
    %broadcast_in_dim3A_2391 = vector.broadcast %add3A_2390 : i32 to vector<256x128xi32>
    %select_n3A_2392 = arith.select %eq3A_2387, %broadcast_in_dim3A_2391, %select_n3A_2376 : vector<256x128xi1>, vector<256x128xi32>
    %broadcast_in_dim3A_2393 = vector.broadcast %get3A_547 : f32 to vector<256x128xf32>
    %select_n3A_2394 = arith.select %eq3A_2387, %broadcast_in_dim3A_2393, %select_n3A_2378 : vector<256x128xi1>, vector<256x128xf32>
    %broadcast_in_dim3A_2395 = vector.broadcast %get3A_551 : f32 to vector<256x128xf32>
    %select_n3A_2396 = arith.select %eq3A_2387, %broadcast_in_dim3A_2395, %select_n3A_2380 : vector<256x128xi1>, vector<256x128xf32>
    %broadcast_in_dim3A_2397 = vector.broadcast %get3A_555 : f32 to vector<256x128xf32>
    %select_n3A_2398 = arith.select %eq3A_2387, %broadcast_in_dim3A_2397, %select_n3A_2382 : vector<256x128xi1>, vector<256x128xf32>
    %broadcast_in_dim3A_2399 = vector.broadcast %get3A_559 : f32 to vector<256x128xf32>
    %select_n3A_2400 = arith.select %eq3A_2387, %broadcast_in_dim3A_2399, %select_n3A_2384 : vector<256x128xi1>, vector<256x128xf32>
    %eq3A_2401 = arith.constant 9 : i32
    %eq3A_2402 = vector.broadcast %eq3A_2401 : i32 to vector<256x128xi32>
    %eq3A_2403 = arith.cmpi eq, %select_n3A_2247, %eq3A_2402 : vector<256x128xi32>
    %convert_element_type3A_2404 = arith.fptosi %get3A_627 : f32 to i32
    %add3A_2405 = arith.constant 1 : i32
    %add3A_2406 = arith.addi %convert_element_type3A_2404, %add3A_2405 : i32
    %broadcast_in_dim3A_2407 = vector.broadcast %add3A_2406 : i32 to vector<256x128xi32>
    %select_n3A_2408 = arith.select %eq3A_2403, %broadcast_in_dim3A_2407, %select_n3A_2392 : vector<256x128xi1>, vector<256x128xi32>
    %broadcast_in_dim3A_2409 = vector.broadcast %get3A_611 : f32 to vector<256x128xf32>
    %select_n3A_2410 = arith.select %eq3A_2403, %broadcast_in_dim3A_2409, %select_n3A_2394 : vector<256x128xi1>, vector<256x128xf32>
    %broadcast_in_dim3A_2411 = vector.broadcast %get3A_615 : f32 to vector<256x128xf32>
    %select_n3A_2412 = arith.select %eq3A_2403, %broadcast_in_dim3A_2411, %select_n3A_2396 : vector<256x128xi1>, vector<256x128xf32>
    %broadcast_in_dim3A_2413 = vector.broadcast %get3A_619 : f32 to vector<256x128xf32>
    %select_n3A_2414 = arith.select %eq3A_2403, %broadcast_in_dim3A_2413, %select_n3A_2398 : vector<256x128xi1>, vector<256x128xf32>
    %broadcast_in_dim3A_2415 = vector.broadcast %get3A_623 : f32 to vector<256x128xf32>
    %select_n3A_2416 = arith.select %eq3A_2403, %broadcast_in_dim3A_2415, %select_n3A_2400 : vector<256x128xi1>, vector<256x128xf32>
    %eq3A_2417 = arith.constant 10 : i32
    %eq3A_2418 = vector.broadcast %eq3A_2417 : i32 to vector<256x128xi32>
    %eq3A_2419 = arith.cmpi eq, %select_n3A_2247, %eq3A_2418 : vector<256x128xi32>
    %convert_element_type3A_2420 = arith.fptosi %get3A_691 : f32 to i32
    %add3A_2421 = arith.constant 1 : i32
    %add3A_2422 = arith.addi %convert_element_type3A_2420, %add3A_2421 : i32
    %broadcast_in_dim3A_2423 = vector.broadcast %add3A_2422 : i32 to vector<256x128xi32>
    %select_n3A_2424 = arith.select %eq3A_2419, %broadcast_in_dim3A_2423, %select_n3A_2408 : vector<256x128xi1>, vector<256x128xi32>
    %broadcast_in_dim3A_2425 = vector.broadcast %get3A_675 : f32 to vector<256x128xf32>
    %select_n3A_2426 = arith.select %eq3A_2419, %broadcast_in_dim3A_2425, %select_n3A_2410 : vector<256x128xi1>, vector<256x128xf32>
    %broadcast_in_dim3A_2427 = vector.broadcast %get3A_679 : f32 to vector<256x128xf32>
    %select_n3A_2428 = arith.select %eq3A_2419, %broadcast_in_dim3A_2427, %select_n3A_2412 : vector<256x128xi1>, vector<256x128xf32>
    %broadcast_in_dim3A_2429 = vector.broadcast %get3A_683 : f32 to vector<256x128xf32>
    %select_n3A_2430 = arith.select %eq3A_2419, %broadcast_in_dim3A_2429, %select_n3A_2414 : vector<256x128xi1>, vector<256x128xf32>
    %broadcast_in_dim3A_2431 = vector.broadcast %get3A_687 : f32 to vector<256x128xf32>
    %select_n3A_2432 = arith.select %eq3A_2419, %broadcast_in_dim3A_2431, %select_n3A_2416 : vector<256x128xi1>, vector<256x128xf32>
    %eq3A_2433 = arith.constant 11 : i32
    %eq3A_2434 = vector.broadcast %eq3A_2433 : i32 to vector<256x128xi32>
    %eq3A_2435 = arith.cmpi eq, %select_n3A_2247, %eq3A_2434 : vector<256x128xi32>
    %convert_element_type3A_2436 = arith.fptosi %get3A_755 : f32 to i32
    %add3A_2437 = arith.constant 1 : i32
    %add3A_2438 = arith.addi %convert_element_type3A_2436, %add3A_2437 : i32
    %broadcast_in_dim3A_2439 = vector.broadcast %add3A_2438 : i32 to vector<256x128xi32>
    %select_n3A_2440 = arith.select %eq3A_2435, %broadcast_in_dim3A_2439, %select_n3A_2424 : vector<256x128xi1>, vector<256x128xi32>
    %broadcast_in_dim3A_2441 = vector.broadcast %get3A_739 : f32 to vector<256x128xf32>
    %select_n3A_2442 = arith.select %eq3A_2435, %broadcast_in_dim3A_2441, %select_n3A_2426 : vector<256x128xi1>, vector<256x128xf32>
    %broadcast_in_dim3A_2443 = vector.broadcast %get3A_743 : f32 to vector<256x128xf32>
    %select_n3A_2444 = arith.select %eq3A_2435, %broadcast_in_dim3A_2443, %select_n3A_2428 : vector<256x128xi1>, vector<256x128xf32>
    %broadcast_in_dim3A_2445 = vector.broadcast %get3A_747 : f32 to vector<256x128xf32>
    %select_n3A_2446 = arith.select %eq3A_2435, %broadcast_in_dim3A_2445, %select_n3A_2430 : vector<256x128xi1>, vector<256x128xf32>
    %broadcast_in_dim3A_2447 = vector.broadcast %get3A_751 : f32 to vector<256x128xf32>
    %select_n3A_2448 = arith.select %eq3A_2435, %broadcast_in_dim3A_2447, %select_n3A_2432 : vector<256x128xi1>, vector<256x128xf32>
    %eq3A_2449 = arith.constant 12 : i32
    %eq3A_2450 = vector.broadcast %eq3A_2449 : i32 to vector<256x128xi32>
    %eq3A_2451 = arith.cmpi eq, %select_n3A_2247, %eq3A_2450 : vector<256x128xi32>
    %convert_element_type3A_2452 = arith.fptosi %get3A_819 : f32 to i32
    %add3A_2453 = arith.constant 1 : i32
    %add3A_2454 = arith.addi %convert_element_type3A_2452, %add3A_2453 : i32
    %broadcast_in_dim3A_2455 = vector.broadcast %add3A_2454 : i32 to vector<256x128xi32>
    %select_n3A_2456 = arith.select %eq3A_2451, %broadcast_in_dim3A_2455, %select_n3A_2440 : vector<256x128xi1>, vector<256x128xi32>
    %broadcast_in_dim3A_2457 = vector.broadcast %get3A_803 : f32 to vector<256x128xf32>
    %select_n3A_2458 = arith.select %eq3A_2451, %broadcast_in_dim3A_2457, %select_n3A_2442 : vector<256x128xi1>, vector<256x128xf32>
    %broadcast_in_dim3A_2459 = vector.broadcast %get3A_807 : f32 to vector<256x128xf32>
    %select_n3A_2460 = arith.select %eq3A_2451, %broadcast_in_dim3A_2459, %select_n3A_2444 : vector<256x128xi1>, vector<256x128xf32>
    %broadcast_in_dim3A_2461 = vector.broadcast %get3A_811 : f32 to vector<256x128xf32>
    %select_n3A_2462 = arith.select %eq3A_2451, %broadcast_in_dim3A_2461, %select_n3A_2446 : vector<256x128xi1>, vector<256x128xf32>
    %broadcast_in_dim3A_2463 = vector.broadcast %get3A_815 : f32 to vector<256x128xf32>
    %select_n3A_2464 = arith.select %eq3A_2451, %broadcast_in_dim3A_2463, %select_n3A_2448 : vector<256x128xi1>, vector<256x128xf32>
    %eq3A_2465 = arith.constant 13 : i32
    %eq3A_2466 = vector.broadcast %eq3A_2465 : i32 to vector<256x128xi32>
    %eq3A_2467 = arith.cmpi eq, %select_n3A_2247, %eq3A_2466 : vector<256x128xi32>
    %convert_element_type3A_2468 = arith.fptosi %get3A_883 : f32 to i32
    %add3A_2469 = arith.constant 1 : i32
    %add3A_2470 = arith.addi %convert_element_type3A_2468, %add3A_2469 : i32
    %broadcast_in_dim3A_2471 = vector.broadcast %add3A_2470 : i32 to vector<256x128xi32>
    %select_n3A_2472 = arith.select %eq3A_2467, %broadcast_in_dim3A_2471, %select_n3A_2456 : vector<256x128xi1>, vector<256x128xi32>
    %broadcast_in_dim3A_2473 = vector.broadcast %get3A_867 : f32 to vector<256x128xf32>
    %select_n3A_2474 = arith.select %eq3A_2467, %broadcast_in_dim3A_2473, %select_n3A_2458 : vector<256x128xi1>, vector<256x128xf32>
    %broadcast_in_dim3A_2475 = vector.broadcast %get3A_871 : f32 to vector<256x128xf32>
    %select_n3A_2476 = arith.select %eq3A_2467, %broadcast_in_dim3A_2475, %select_n3A_2460 : vector<256x128xi1>, vector<256x128xf32>
    %broadcast_in_dim3A_2477 = vector.broadcast %get3A_875 : f32 to vector<256x128xf32>
    %select_n3A_2478 = arith.select %eq3A_2467, %broadcast_in_dim3A_2477, %select_n3A_2462 : vector<256x128xi1>, vector<256x128xf32>
    %broadcast_in_dim3A_2479 = vector.broadcast %get3A_879 : f32 to vector<256x128xf32>
    %select_n3A_2480 = arith.select %eq3A_2467, %broadcast_in_dim3A_2479, %select_n3A_2464 : vector<256x128xi1>, vector<256x128xf32>
    %eq3A_2481 = arith.constant 14 : i32
    %eq3A_2482 = vector.broadcast %eq3A_2481 : i32 to vector<256x128xi32>
    %eq3A_2483 = arith.cmpi eq, %select_n3A_2247, %eq3A_2482 : vector<256x128xi32>
    %convert_element_type3A_2484 = arith.fptosi %get3A_947 : f32 to i32
    %add3A_2485 = arith.constant 1 : i32
    %add3A_2486 = arith.addi %convert_element_type3A_2484, %add3A_2485 : i32
    %broadcast_in_dim3A_2487 = vector.broadcast %add3A_2486 : i32 to vector<256x128xi32>
    %select_n3A_2488 = arith.select %eq3A_2483, %broadcast_in_dim3A_2487, %select_n3A_2472 : vector<256x128xi1>, vector<256x128xi32>
    %broadcast_in_dim3A_2489 = vector.broadcast %get3A_931 : f32 to vector<256x128xf32>
    %select_n3A_2490 = arith.select %eq3A_2483, %broadcast_in_dim3A_2489, %select_n3A_2474 : vector<256x128xi1>, vector<256x128xf32>
    %broadcast_in_dim3A_2491 = vector.broadcast %get3A_935 : f32 to vector<256x128xf32>
    %select_n3A_2492 = arith.select %eq3A_2483, %broadcast_in_dim3A_2491, %select_n3A_2476 : vector<256x128xi1>, vector<256x128xf32>
    %broadcast_in_dim3A_2493 = vector.broadcast %get3A_939 : f32 to vector<256x128xf32>
    %select_n3A_2494 = arith.select %eq3A_2483, %broadcast_in_dim3A_2493, %select_n3A_2478 : vector<256x128xi1>, vector<256x128xf32>
    %broadcast_in_dim3A_2495 = vector.broadcast %get3A_943 : f32 to vector<256x128xf32>
    %select_n3A_2496 = arith.select %eq3A_2483, %broadcast_in_dim3A_2495, %select_n3A_2480 : vector<256x128xi1>, vector<256x128xf32>
    %eq3A_2497 = arith.constant 15 : i32
    %eq3A_2498 = vector.broadcast %eq3A_2497 : i32 to vector<256x128xi32>
    %eq3A_2499 = arith.cmpi eq, %select_n3A_2247, %eq3A_2498 : vector<256x128xi32>
    %convert_element_type3A_2500 = arith.fptosi %get3A_1011 : f32 to i32
    %add3A_2501 = arith.constant 1 : i32
    %add3A_2502 = arith.addi %convert_element_type3A_2500, %add3A_2501 : i32
    %broadcast_in_dim3A_2503 = vector.broadcast %add3A_2502 : i32 to vector<256x128xi32>
    %select_n3A_2504 = arith.select %eq3A_2499, %broadcast_in_dim3A_2503, %select_n3A_2488 : vector<256x128xi1>, vector<256x128xi32>
    %broadcast_in_dim3A_2505 = vector.broadcast %get3A_995 : f32 to vector<256x128xf32>
    %select_n3A_2506 = arith.select %eq3A_2499, %broadcast_in_dim3A_2505, %select_n3A_2490 : vector<256x128xi1>, vector<256x128xf32>
    %broadcast_in_dim3A_2507 = vector.broadcast %get3A_999 : f32 to vector<256x128xf32>
    %select_n3A_2508 = arith.select %eq3A_2499, %broadcast_in_dim3A_2507, %select_n3A_2492 : vector<256x128xi1>, vector<256x128xf32>
    %broadcast_in_dim3A_2509 = vector.broadcast %get3A_1003 : f32 to vector<256x128xf32>
    %select_n3A_2510 = arith.select %eq3A_2499, %broadcast_in_dim3A_2509, %select_n3A_2494 : vector<256x128xi1>, vector<256x128xf32>
    %broadcast_in_dim3A_2511 = vector.broadcast %get3A_1007 : f32 to vector<256x128xf32>
    %select_n3A_2512 = arith.select %eq3A_2499, %broadcast_in_dim3A_2511, %select_n3A_2496 : vector<256x128xi1>, vector<256x128xf32>
    %eq3A_2513 = arith.constant 16 : i32
    %eq3A_2514 = vector.broadcast %eq3A_2513 : i32 to vector<256x128xi32>
    %eq3A_2515 = arith.cmpi eq, %select_n3A_2247, %eq3A_2514 : vector<256x128xi32>
    %convert_element_type3A_2516 = arith.fptosi %get3A_1075 : f32 to i32
    %add3A_2517 = arith.constant 1 : i32
    %add3A_2518 = arith.addi %convert_element_type3A_2516, %add3A_2517 : i32
    %broadcast_in_dim3A_2519 = vector.broadcast %add3A_2518 : i32 to vector<256x128xi32>
    %select_n3A_2520 = arith.select %eq3A_2515, %broadcast_in_dim3A_2519, %select_n3A_2504 : vector<256x128xi1>, vector<256x128xi32>
    %broadcast_in_dim3A_2521 = vector.broadcast %get3A_1059 : f32 to vector<256x128xf32>
    %select_n3A_2522 = arith.select %eq3A_2515, %broadcast_in_dim3A_2521, %select_n3A_2506 : vector<256x128xi1>, vector<256x128xf32>
    %broadcast_in_dim3A_2523 = vector.broadcast %get3A_1063 : f32 to vector<256x128xf32>
    %select_n3A_2524 = arith.select %eq3A_2515, %broadcast_in_dim3A_2523, %select_n3A_2508 : vector<256x128xi1>, vector<256x128xf32>
    %broadcast_in_dim3A_2525 = vector.broadcast %get3A_1067 : f32 to vector<256x128xf32>
    %select_n3A_2526 = arith.select %eq3A_2515, %broadcast_in_dim3A_2525, %select_n3A_2510 : vector<256x128xi1>, vector<256x128xf32>
    %broadcast_in_dim3A_2527 = vector.broadcast %get3A_1071 : f32 to vector<256x128xf32>
    %select_n3A_2528 = arith.select %eq3A_2515, %broadcast_in_dim3A_2527, %select_n3A_2512 : vector<256x128xi1>, vector<256x128xf32>
    %eq3A_2529 = arith.constant 17 : i32
    %eq3A_2530 = vector.broadcast %eq3A_2529 : i32 to vector<256x128xi32>
    %eq3A_2531 = arith.cmpi eq, %select_n3A_2247, %eq3A_2530 : vector<256x128xi32>
    %convert_element_type3A_2532 = arith.fptosi %get3A_1139 : f32 to i32
    %add3A_2533 = arith.constant 1 : i32
    %add3A_2534 = arith.addi %convert_element_type3A_2532, %add3A_2533 : i32
    %broadcast_in_dim3A_2535 = vector.broadcast %add3A_2534 : i32 to vector<256x128xi32>
    %select_n3A_2536 = arith.select %eq3A_2531, %broadcast_in_dim3A_2535, %select_n3A_2520 : vector<256x128xi1>, vector<256x128xi32>
    %broadcast_in_dim3A_2537 = vector.broadcast %get3A_1123 : f32 to vector<256x128xf32>
    %select_n3A_2538 = arith.select %eq3A_2531, %broadcast_in_dim3A_2537, %select_n3A_2522 : vector<256x128xi1>, vector<256x128xf32>
    %broadcast_in_dim3A_2539 = vector.broadcast %get3A_1127 : f32 to vector<256x128xf32>
    %select_n3A_2540 = arith.select %eq3A_2531, %broadcast_in_dim3A_2539, %select_n3A_2524 : vector<256x128xi1>, vector<256x128xf32>
    %broadcast_in_dim3A_2541 = vector.broadcast %get3A_1131 : f32 to vector<256x128xf32>
    %select_n3A_2542 = arith.select %eq3A_2531, %broadcast_in_dim3A_2541, %select_n3A_2526 : vector<256x128xi1>, vector<256x128xf32>
    %broadcast_in_dim3A_2543 = vector.broadcast %get3A_1135 : f32 to vector<256x128xf32>
    %select_n3A_2544 = arith.select %eq3A_2531, %broadcast_in_dim3A_2543, %select_n3A_2528 : vector<256x128xi1>, vector<256x128xf32>
    %eq3A_2545 = arith.constant 18 : i32
    %eq3A_2546 = vector.broadcast %eq3A_2545 : i32 to vector<256x128xi32>
    %eq3A_2547 = arith.cmpi eq, %select_n3A_2247, %eq3A_2546 : vector<256x128xi32>
    %convert_element_type3A_2548 = arith.fptosi %get3A_1203 : f32 to i32
    %add3A_2549 = arith.constant 1 : i32
    %add3A_2550 = arith.addi %convert_element_type3A_2548, %add3A_2549 : i32
    %broadcast_in_dim3A_2551 = vector.broadcast %add3A_2550 : i32 to vector<256x128xi32>
    %select_n3A_2552 = arith.select %eq3A_2547, %broadcast_in_dim3A_2551, %select_n3A_2536 : vector<256x128xi1>, vector<256x128xi32>
    %broadcast_in_dim3A_2553 = vector.broadcast %get3A_1187 : f32 to vector<256x128xf32>
    %select_n3A_2554 = arith.select %eq3A_2547, %broadcast_in_dim3A_2553, %select_n3A_2538 : vector<256x128xi1>, vector<256x128xf32>
    %broadcast_in_dim3A_2555 = vector.broadcast %get3A_1191 : f32 to vector<256x128xf32>
    %select_n3A_2556 = arith.select %eq3A_2547, %broadcast_in_dim3A_2555, %select_n3A_2540 : vector<256x128xi1>, vector<256x128xf32>
    %broadcast_in_dim3A_2557 = vector.broadcast %get3A_1195 : f32 to vector<256x128xf32>
    %select_n3A_2558 = arith.select %eq3A_2547, %broadcast_in_dim3A_2557, %select_n3A_2542 : vector<256x128xi1>, vector<256x128xf32>
    %broadcast_in_dim3A_2559 = vector.broadcast %get3A_1199 : f32 to vector<256x128xf32>
    %select_n3A_2560 = arith.select %eq3A_2547, %broadcast_in_dim3A_2559, %select_n3A_2544 : vector<256x128xi1>, vector<256x128xf32>
    %eq3A_2561 = arith.constant 19 : i32
    %eq3A_2562 = vector.broadcast %eq3A_2561 : i32 to vector<256x128xi32>
    %eq3A_2563 = arith.cmpi eq, %select_n3A_2247, %eq3A_2562 : vector<256x128xi32>
    %convert_element_type3A_2564 = arith.fptosi %get3A_1267 : f32 to i32
    %add3A_2565 = arith.constant 1 : i32
    %add3A_2566 = arith.addi %convert_element_type3A_2564, %add3A_2565 : i32
    %broadcast_in_dim3A_2567 = vector.broadcast %add3A_2566 : i32 to vector<256x128xi32>
    %select_n3A_2568 = arith.select %eq3A_2563, %broadcast_in_dim3A_2567, %select_n3A_2552 : vector<256x128xi1>, vector<256x128xi32>
    %broadcast_in_dim3A_2569 = vector.broadcast %get3A_1251 : f32 to vector<256x128xf32>
    %select_n3A_2570 = arith.select %eq3A_2563, %broadcast_in_dim3A_2569, %select_n3A_2554 : vector<256x128xi1>, vector<256x128xf32>
    %broadcast_in_dim3A_2571 = vector.broadcast %get3A_1255 : f32 to vector<256x128xf32>
    %select_n3A_2572 = arith.select %eq3A_2563, %broadcast_in_dim3A_2571, %select_n3A_2556 : vector<256x128xi1>, vector<256x128xf32>
    %broadcast_in_dim3A_2573 = vector.broadcast %get3A_1259 : f32 to vector<256x128xf32>
    %select_n3A_2574 = arith.select %eq3A_2563, %broadcast_in_dim3A_2573, %select_n3A_2558 : vector<256x128xi1>, vector<256x128xf32>
    %broadcast_in_dim3A_2575 = vector.broadcast %get3A_1263 : f32 to vector<256x128xf32>
    %select_n3A_2576 = arith.select %eq3A_2563, %broadcast_in_dim3A_2575, %select_n3A_2560 : vector<256x128xi1>, vector<256x128xf32>
    %eq3A_2577 = arith.constant 20 : i32
    %eq3A_2578 = vector.broadcast %eq3A_2577 : i32 to vector<256x128xi32>
    %eq3A_2579 = arith.cmpi eq, %select_n3A_2247, %eq3A_2578 : vector<256x128xi32>
    %convert_element_type3A_2580 = arith.fptosi %get3A_1331 : f32 to i32
    %add3A_2581 = arith.constant 1 : i32
    %add3A_2582 = arith.addi %convert_element_type3A_2580, %add3A_2581 : i32
    %broadcast_in_dim3A_2583 = vector.broadcast %add3A_2582 : i32 to vector<256x128xi32>
    %select_n3A_2584 = arith.select %eq3A_2579, %broadcast_in_dim3A_2583, %select_n3A_2568 : vector<256x128xi1>, vector<256x128xi32>
    %broadcast_in_dim3A_2585 = vector.broadcast %get3A_1315 : f32 to vector<256x128xf32>
    %select_n3A_2586 = arith.select %eq3A_2579, %broadcast_in_dim3A_2585, %select_n3A_2570 : vector<256x128xi1>, vector<256x128xf32>
    %broadcast_in_dim3A_2587 = vector.broadcast %get3A_1319 : f32 to vector<256x128xf32>
    %select_n3A_2588 = arith.select %eq3A_2579, %broadcast_in_dim3A_2587, %select_n3A_2572 : vector<256x128xi1>, vector<256x128xf32>
    %broadcast_in_dim3A_2589 = vector.broadcast %get3A_1323 : f32 to vector<256x128xf32>
    %select_n3A_2590 = arith.select %eq3A_2579, %broadcast_in_dim3A_2589, %select_n3A_2574 : vector<256x128xi1>, vector<256x128xf32>
    %broadcast_in_dim3A_2591 = vector.broadcast %get3A_1327 : f32 to vector<256x128xf32>
    %select_n3A_2592 = arith.select %eq3A_2579, %broadcast_in_dim3A_2591, %select_n3A_2576 : vector<256x128xi1>, vector<256x128xf32>
    %eq3A_2593 = arith.constant 21 : i32
    %eq3A_2594 = vector.broadcast %eq3A_2593 : i32 to vector<256x128xi32>
    %eq3A_2595 = arith.cmpi eq, %select_n3A_2247, %eq3A_2594 : vector<256x128xi32>
    %convert_element_type3A_2596 = arith.fptosi %get3A_1395 : f32 to i32
    %add3A_2597 = arith.constant 1 : i32
    %add3A_2598 = arith.addi %convert_element_type3A_2596, %add3A_2597 : i32
    %broadcast_in_dim3A_2599 = vector.broadcast %add3A_2598 : i32 to vector<256x128xi32>
    %select_n3A_2600 = arith.select %eq3A_2595, %broadcast_in_dim3A_2599, %select_n3A_2584 : vector<256x128xi1>, vector<256x128xi32>
    %broadcast_in_dim3A_2601 = vector.broadcast %get3A_1379 : f32 to vector<256x128xf32>
    %select_n3A_2602 = arith.select %eq3A_2595, %broadcast_in_dim3A_2601, %select_n3A_2586 : vector<256x128xi1>, vector<256x128xf32>
    %broadcast_in_dim3A_2603 = vector.broadcast %get3A_1383 : f32 to vector<256x128xf32>
    %select_n3A_2604 = arith.select %eq3A_2595, %broadcast_in_dim3A_2603, %select_n3A_2588 : vector<256x128xi1>, vector<256x128xf32>
    %broadcast_in_dim3A_2605 = vector.broadcast %get3A_1387 : f32 to vector<256x128xf32>
    %select_n3A_2606 = arith.select %eq3A_2595, %broadcast_in_dim3A_2605, %select_n3A_2590 : vector<256x128xi1>, vector<256x128xf32>
    %broadcast_in_dim3A_2607 = vector.broadcast %get3A_1391 : f32 to vector<256x128xf32>
    %select_n3A_2608 = arith.select %eq3A_2595, %broadcast_in_dim3A_2607, %select_n3A_2592 : vector<256x128xi1>, vector<256x128xf32>
    %eq3A_2609 = arith.constant 22 : i32
    %eq3A_2610 = vector.broadcast %eq3A_2609 : i32 to vector<256x128xi32>
    %eq3A_2611 = arith.cmpi eq, %select_n3A_2247, %eq3A_2610 : vector<256x128xi32>
    %convert_element_type3A_2612 = arith.fptosi %get3A_1459 : f32 to i32
    %add3A_2613 = arith.constant 1 : i32
    %add3A_2614 = arith.addi %convert_element_type3A_2612, %add3A_2613 : i32
    %broadcast_in_dim3A_2615 = vector.broadcast %add3A_2614 : i32 to vector<256x128xi32>
    %select_n3A_2616 = arith.select %eq3A_2611, %broadcast_in_dim3A_2615, %select_n3A_2600 : vector<256x128xi1>, vector<256x128xi32>
    %broadcast_in_dim3A_2617 = vector.broadcast %get3A_1443 : f32 to vector<256x128xf32>
    %select_n3A_2618 = arith.select %eq3A_2611, %broadcast_in_dim3A_2617, %select_n3A_2602 : vector<256x128xi1>, vector<256x128xf32>
    %broadcast_in_dim3A_2619 = vector.broadcast %get3A_1447 : f32 to vector<256x128xf32>
    %select_n3A_2620 = arith.select %eq3A_2611, %broadcast_in_dim3A_2619, %select_n3A_2604 : vector<256x128xi1>, vector<256x128xf32>
    %broadcast_in_dim3A_2621 = vector.broadcast %get3A_1451 : f32 to vector<256x128xf32>
    %select_n3A_2622 = arith.select %eq3A_2611, %broadcast_in_dim3A_2621, %select_n3A_2606 : vector<256x128xi1>, vector<256x128xf32>
    %broadcast_in_dim3A_2623 = vector.broadcast %get3A_1455 : f32 to vector<256x128xf32>
    %select_n3A_2624 = arith.select %eq3A_2611, %broadcast_in_dim3A_2623, %select_n3A_2608 : vector<256x128xi1>, vector<256x128xf32>
    %eq3A_2625 = arith.constant 23 : i32
    %eq3A_2626 = vector.broadcast %eq3A_2625 : i32 to vector<256x128xi32>
    %eq3A_2627 = arith.cmpi eq, %select_n3A_2247, %eq3A_2626 : vector<256x128xi32>
    %convert_element_type3A_2628 = arith.fptosi %get3A_1523 : f32 to i32
    %add3A_2629 = arith.constant 1 : i32
    %add3A_2630 = arith.addi %convert_element_type3A_2628, %add3A_2629 : i32
    %broadcast_in_dim3A_2631 = vector.broadcast %add3A_2630 : i32 to vector<256x128xi32>
    %select_n3A_2632 = arith.select %eq3A_2627, %broadcast_in_dim3A_2631, %select_n3A_2616 : vector<256x128xi1>, vector<256x128xi32>
    %broadcast_in_dim3A_2633 = vector.broadcast %get3A_1507 : f32 to vector<256x128xf32>
    %select_n3A_2634 = arith.select %eq3A_2627, %broadcast_in_dim3A_2633, %select_n3A_2618 : vector<256x128xi1>, vector<256x128xf32>
    %broadcast_in_dim3A_2635 = vector.broadcast %get3A_1511 : f32 to vector<256x128xf32>
    %select_n3A_2636 = arith.select %eq3A_2627, %broadcast_in_dim3A_2635, %select_n3A_2620 : vector<256x128xi1>, vector<256x128xf32>
    %broadcast_in_dim3A_2637 = vector.broadcast %get3A_1515 : f32 to vector<256x128xf32>
    %select_n3A_2638 = arith.select %eq3A_2627, %broadcast_in_dim3A_2637, %select_n3A_2622 : vector<256x128xi1>, vector<256x128xf32>
    %broadcast_in_dim3A_2639 = vector.broadcast %get3A_1519 : f32 to vector<256x128xf32>
    %select_n3A_2640 = arith.select %eq3A_2627, %broadcast_in_dim3A_2639, %select_n3A_2624 : vector<256x128xi1>, vector<256x128xf32>
    %eq3A_2641 = arith.constant 24 : i32
    %eq3A_2642 = vector.broadcast %eq3A_2641 : i32 to vector<256x128xi32>
    %eq3A_2643 = arith.cmpi eq, %select_n3A_2247, %eq3A_2642 : vector<256x128xi32>
    %convert_element_type3A_2644 = arith.fptosi %get3A_1587 : f32 to i32
    %add3A_2645 = arith.constant 1 : i32
    %add3A_2646 = arith.addi %convert_element_type3A_2644, %add3A_2645 : i32
    %broadcast_in_dim3A_2647 = vector.broadcast %add3A_2646 : i32 to vector<256x128xi32>
    %select_n3A_2648 = arith.select %eq3A_2643, %broadcast_in_dim3A_2647, %select_n3A_2632 : vector<256x128xi1>, vector<256x128xi32>
    %broadcast_in_dim3A_2649 = vector.broadcast %get3A_1571 : f32 to vector<256x128xf32>
    %select_n3A_2650 = arith.select %eq3A_2643, %broadcast_in_dim3A_2649, %select_n3A_2634 : vector<256x128xi1>, vector<256x128xf32>
    %broadcast_in_dim3A_2651 = vector.broadcast %get3A_1575 : f32 to vector<256x128xf32>
    %select_n3A_2652 = arith.select %eq3A_2643, %broadcast_in_dim3A_2651, %select_n3A_2636 : vector<256x128xi1>, vector<256x128xf32>
    %broadcast_in_dim3A_2653 = vector.broadcast %get3A_1579 : f32 to vector<256x128xf32>
    %select_n3A_2654 = arith.select %eq3A_2643, %broadcast_in_dim3A_2653, %select_n3A_2638 : vector<256x128xi1>, vector<256x128xf32>
    %broadcast_in_dim3A_2655 = vector.broadcast %get3A_1583 : f32 to vector<256x128xf32>
    %select_n3A_2656 = arith.select %eq3A_2643, %broadcast_in_dim3A_2655, %select_n3A_2640 : vector<256x128xi1>, vector<256x128xf32>
    %eq3A_2657 = arith.constant 25 : i32
    %eq3A_2658 = vector.broadcast %eq3A_2657 : i32 to vector<256x128xi32>
    %eq3A_2659 = arith.cmpi eq, %select_n3A_2247, %eq3A_2658 : vector<256x128xi32>
    %convert_element_type3A_2660 = arith.fptosi %get3A_1651 : f32 to i32
    %add3A_2661 = arith.constant 1 : i32
    %add3A_2662 = arith.addi %convert_element_type3A_2660, %add3A_2661 : i32
    %broadcast_in_dim3A_2663 = vector.broadcast %add3A_2662 : i32 to vector<256x128xi32>
    %select_n3A_2664 = arith.select %eq3A_2659, %broadcast_in_dim3A_2663, %select_n3A_2648 : vector<256x128xi1>, vector<256x128xi32>
    %broadcast_in_dim3A_2665 = vector.broadcast %get3A_1635 : f32 to vector<256x128xf32>
    %select_n3A_2666 = arith.select %eq3A_2659, %broadcast_in_dim3A_2665, %select_n3A_2650 : vector<256x128xi1>, vector<256x128xf32>
    %broadcast_in_dim3A_2667 = vector.broadcast %get3A_1639 : f32 to vector<256x128xf32>
    %select_n3A_2668 = arith.select %eq3A_2659, %broadcast_in_dim3A_2667, %select_n3A_2652 : vector<256x128xi1>, vector<256x128xf32>
    %broadcast_in_dim3A_2669 = vector.broadcast %get3A_1643 : f32 to vector<256x128xf32>
    %select_n3A_2670 = arith.select %eq3A_2659, %broadcast_in_dim3A_2669, %select_n3A_2654 : vector<256x128xi1>, vector<256x128xf32>
    %broadcast_in_dim3A_2671 = vector.broadcast %get3A_1647 : f32 to vector<256x128xf32>
    %select_n3A_2672 = arith.select %eq3A_2659, %broadcast_in_dim3A_2671, %select_n3A_2656 : vector<256x128xi1>, vector<256x128xf32>
    %eq3A_2673 = arith.constant 26 : i32
    %eq3A_2674 = vector.broadcast %eq3A_2673 : i32 to vector<256x128xi32>
    %eq3A_2675 = arith.cmpi eq, %select_n3A_2247, %eq3A_2674 : vector<256x128xi32>
    %convert_element_type3A_2676 = arith.fptosi %get3A_1715 : f32 to i32
    %add3A_2677 = arith.constant 1 : i32
    %add3A_2678 = arith.addi %convert_element_type3A_2676, %add3A_2677 : i32
    %broadcast_in_dim3A_2679 = vector.broadcast %add3A_2678 : i32 to vector<256x128xi32>
    %select_n3A_2680 = arith.select %eq3A_2675, %broadcast_in_dim3A_2679, %select_n3A_2664 : vector<256x128xi1>, vector<256x128xi32>
    %broadcast_in_dim3A_2681 = vector.broadcast %get3A_1699 : f32 to vector<256x128xf32>
    %select_n3A_2682 = arith.select %eq3A_2675, %broadcast_in_dim3A_2681, %select_n3A_2666 : vector<256x128xi1>, vector<256x128xf32>
    %broadcast_in_dim3A_2683 = vector.broadcast %get3A_1703 : f32 to vector<256x128xf32>
    %select_n3A_2684 = arith.select %eq3A_2675, %broadcast_in_dim3A_2683, %select_n3A_2668 : vector<256x128xi1>, vector<256x128xf32>
    %broadcast_in_dim3A_2685 = vector.broadcast %get3A_1707 : f32 to vector<256x128xf32>
    %select_n3A_2686 = arith.select %eq3A_2675, %broadcast_in_dim3A_2685, %select_n3A_2670 : vector<256x128xi1>, vector<256x128xf32>
    %broadcast_in_dim3A_2687 = vector.broadcast %get3A_1711 : f32 to vector<256x128xf32>
    %select_n3A_2688 = arith.select %eq3A_2675, %broadcast_in_dim3A_2687, %select_n3A_2672 : vector<256x128xi1>, vector<256x128xf32>
    %eq3A_2689 = arith.constant 27 : i32
    %eq3A_2690 = vector.broadcast %eq3A_2689 : i32 to vector<256x128xi32>
    %eq3A_2691 = arith.cmpi eq, %select_n3A_2247, %eq3A_2690 : vector<256x128xi32>
    %convert_element_type3A_2692 = arith.fptosi %get3A_1779 : f32 to i32
    %add3A_2693 = arith.constant 1 : i32
    %add3A_2694 = arith.addi %convert_element_type3A_2692, %add3A_2693 : i32
    %broadcast_in_dim3A_2695 = vector.broadcast %add3A_2694 : i32 to vector<256x128xi32>
    %select_n3A_2696 = arith.select %eq3A_2691, %broadcast_in_dim3A_2695, %select_n3A_2680 : vector<256x128xi1>, vector<256x128xi32>
    %broadcast_in_dim3A_2697 = vector.broadcast %get3A_1763 : f32 to vector<256x128xf32>
    %select_n3A_2698 = arith.select %eq3A_2691, %broadcast_in_dim3A_2697, %select_n3A_2682 : vector<256x128xi1>, vector<256x128xf32>
    %broadcast_in_dim3A_2699 = vector.broadcast %get3A_1767 : f32 to vector<256x128xf32>
    %select_n3A_2700 = arith.select %eq3A_2691, %broadcast_in_dim3A_2699, %select_n3A_2684 : vector<256x128xi1>, vector<256x128xf32>
    %broadcast_in_dim3A_2701 = vector.broadcast %get3A_1771 : f32 to vector<256x128xf32>
    %select_n3A_2702 = arith.select %eq3A_2691, %broadcast_in_dim3A_2701, %select_n3A_2686 : vector<256x128xi1>, vector<256x128xf32>
    %broadcast_in_dim3A_2703 = vector.broadcast %get3A_1775 : f32 to vector<256x128xf32>
    %select_n3A_2704 = arith.select %eq3A_2691, %broadcast_in_dim3A_2703, %select_n3A_2688 : vector<256x128xi1>, vector<256x128xf32>
    %eq3A_2705 = arith.constant 28 : i32
    %eq3A_2706 = vector.broadcast %eq3A_2705 : i32 to vector<256x128xi32>
    %eq3A_2707 = arith.cmpi eq, %select_n3A_2247, %eq3A_2706 : vector<256x128xi32>
    %convert_element_type3A_2708 = arith.fptosi %get3A_1843 : f32 to i32
    %add3A_2709 = arith.constant 1 : i32
    %add3A_2710 = arith.addi %convert_element_type3A_2708, %add3A_2709 : i32
    %broadcast_in_dim3A_2711 = vector.broadcast %add3A_2710 : i32 to vector<256x128xi32>
    %select_n3A_2712 = arith.select %eq3A_2707, %broadcast_in_dim3A_2711, %select_n3A_2696 : vector<256x128xi1>, vector<256x128xi32>
    %broadcast_in_dim3A_2713 = vector.broadcast %get3A_1827 : f32 to vector<256x128xf32>
    %select_n3A_2714 = arith.select %eq3A_2707, %broadcast_in_dim3A_2713, %select_n3A_2698 : vector<256x128xi1>, vector<256x128xf32>
    %broadcast_in_dim3A_2715 = vector.broadcast %get3A_1831 : f32 to vector<256x128xf32>
    %select_n3A_2716 = arith.select %eq3A_2707, %broadcast_in_dim3A_2715, %select_n3A_2700 : vector<256x128xi1>, vector<256x128xf32>
    %broadcast_in_dim3A_2717 = vector.broadcast %get3A_1835 : f32 to vector<256x128xf32>
    %select_n3A_2718 = arith.select %eq3A_2707, %broadcast_in_dim3A_2717, %select_n3A_2702 : vector<256x128xi1>, vector<256x128xf32>
    %broadcast_in_dim3A_2719 = vector.broadcast %get3A_1839 : f32 to vector<256x128xf32>
    %select_n3A_2720 = arith.select %eq3A_2707, %broadcast_in_dim3A_2719, %select_n3A_2704 : vector<256x128xi1>, vector<256x128xf32>
    %eq3A_2721 = arith.constant 29 : i32
    %eq3A_2722 = vector.broadcast %eq3A_2721 : i32 to vector<256x128xi32>
    %eq3A_2723 = arith.cmpi eq, %select_n3A_2247, %eq3A_2722 : vector<256x128xi32>
    %convert_element_type3A_2724 = arith.fptosi %get3A_1907 : f32 to i32
    %add3A_2725 = arith.constant 1 : i32
    %add3A_2726 = arith.addi %convert_element_type3A_2724, %add3A_2725 : i32
    %broadcast_in_dim3A_2727 = vector.broadcast %add3A_2726 : i32 to vector<256x128xi32>
    %select_n3A_2728 = arith.select %eq3A_2723, %broadcast_in_dim3A_2727, %select_n3A_2712 : vector<256x128xi1>, vector<256x128xi32>
    %broadcast_in_dim3A_2729 = vector.broadcast %get3A_1891 : f32 to vector<256x128xf32>
    %select_n3A_2730 = arith.select %eq3A_2723, %broadcast_in_dim3A_2729, %select_n3A_2714 : vector<256x128xi1>, vector<256x128xf32>
    %broadcast_in_dim3A_2731 = vector.broadcast %get3A_1895 : f32 to vector<256x128xf32>
    %select_n3A_2732 = arith.select %eq3A_2723, %broadcast_in_dim3A_2731, %select_n3A_2716 : vector<256x128xi1>, vector<256x128xf32>
    %broadcast_in_dim3A_2733 = vector.broadcast %get3A_1899 : f32 to vector<256x128xf32>
    %select_n3A_2734 = arith.select %eq3A_2723, %broadcast_in_dim3A_2733, %select_n3A_2718 : vector<256x128xi1>, vector<256x128xf32>
    %broadcast_in_dim3A_2735 = vector.broadcast %get3A_1903 : f32 to vector<256x128xf32>
    %select_n3A_2736 = arith.select %eq3A_2723, %broadcast_in_dim3A_2735, %select_n3A_2720 : vector<256x128xi1>, vector<256x128xf32>
    %eq3A_2737 = arith.constant 30 : i32
    %eq3A_2738 = vector.broadcast %eq3A_2737 : i32 to vector<256x128xi32>
    %eq3A_2739 = arith.cmpi eq, %select_n3A_2247, %eq3A_2738 : vector<256x128xi32>
    %convert_element_type3A_2740 = arith.fptosi %get3A_1971 : f32 to i32
    %add3A_2741 = arith.constant 1 : i32
    %add3A_2742 = arith.addi %convert_element_type3A_2740, %add3A_2741 : i32
    %broadcast_in_dim3A_2743 = vector.broadcast %add3A_2742 : i32 to vector<256x128xi32>
    %select_n3A_2744 = arith.select %eq3A_2739, %broadcast_in_dim3A_2743, %select_n3A_2728 : vector<256x128xi1>, vector<256x128xi32>
    %broadcast_in_dim3A_2745 = vector.broadcast %get3A_1955 : f32 to vector<256x128xf32>
    %select_n3A_2746 = arith.select %eq3A_2739, %broadcast_in_dim3A_2745, %select_n3A_2730 : vector<256x128xi1>, vector<256x128xf32>
    %broadcast_in_dim3A_2747 = vector.broadcast %get3A_1959 : f32 to vector<256x128xf32>
    %select_n3A_2748 = arith.select %eq3A_2739, %broadcast_in_dim3A_2747, %select_n3A_2732 : vector<256x128xi1>, vector<256x128xf32>
    %broadcast_in_dim3A_2749 = vector.broadcast %get3A_1963 : f32 to vector<256x128xf32>
    %select_n3A_2750 = arith.select %eq3A_2739, %broadcast_in_dim3A_2749, %select_n3A_2734 : vector<256x128xi1>, vector<256x128xf32>
    %broadcast_in_dim3A_2751 = vector.broadcast %get3A_1967 : f32 to vector<256x128xf32>
    %select_n3A_2752 = arith.select %eq3A_2739, %broadcast_in_dim3A_2751, %select_n3A_2736 : vector<256x128xi1>, vector<256x128xf32>
    %eq3A_2753 = arith.constant 31 : i32
    %eq3A_2754 = vector.broadcast %eq3A_2753 : i32 to vector<256x128xi32>
    %eq3A_2755 = arith.cmpi eq, %select_n3A_2247, %eq3A_2754 : vector<256x128xi32>
    %convert_element_type3A_2756 = arith.fptosi %get3A_2035 : f32 to i32
    %add3A_2757 = arith.constant 1 : i32
    %add3A_2758 = arith.addi %convert_element_type3A_2756, %add3A_2757 : i32
    %broadcast_in_dim3A_2759 = vector.broadcast %add3A_2758 : i32 to vector<256x128xi32>
    %select_n3A_2760 = arith.select %eq3A_2755, %broadcast_in_dim3A_2759, %select_n3A_2744 : vector<256x128xi1>, vector<256x128xi32>
    %broadcast_in_dim3A_2761 = vector.broadcast %get3A_2019 : f32 to vector<256x128xf32>
    %select_n3A_2762 = arith.select %eq3A_2755, %broadcast_in_dim3A_2761, %select_n3A_2746 : vector<256x128xi1>, vector<256x128xf32>
    %broadcast_in_dim3A_2763 = vector.broadcast %get3A_2023 : f32 to vector<256x128xf32>
    %select_n3A_2764 = arith.select %eq3A_2755, %broadcast_in_dim3A_2763, %select_n3A_2748 : vector<256x128xi1>, vector<256x128xf32>
    %broadcast_in_dim3A_2765 = vector.broadcast %get3A_2027 : f32 to vector<256x128xf32>
    %select_n3A_2766 = arith.select %eq3A_2755, %broadcast_in_dim3A_2765, %select_n3A_2750 : vector<256x128xi1>, vector<256x128xf32>
    %broadcast_in_dim3A_2767 = vector.broadcast %get3A_2031 : f32 to vector<256x128xf32>
    %select_n3A_2768 = arith.select %eq3A_2755, %broadcast_in_dim3A_2767, %select_n3A_2752 : vector<256x128xi1>, vector<256x128xf32>
    %lt3A = arith.constant 5.000000e-01 : f32
    %lt3A_2769 = vector.broadcast %lt3A : f32 to vector<256x128xf32>
    %lt3A_2770 = arith.cmpf olt, %select_n3A_2246, %lt3A_2769 : vector<256x128xf32>
    %jit3A_2771 = arith.constant 0 : i32
    %broadcast_in_dim3A_2772 = vector.broadcast %jit3A_2771 : i32 to vector<256x128xi32>
    %select_n3A_2773 = arith.select %lt3A_2770, %broadcast_in_dim3A_2772, %select_n3A_2760 : vector<256x128xi1>, vector<256x128xi32>
    %gt3A_2774 = arith.constant 0 : i32
    %gt3A_2775 = vector.broadcast %gt3A_2774 : i32 to vector<256x128xi32>
    %gt3A_2776 = arith.cmpi sgt, %select_n3A_2773, %gt3A_2775 : vector<256x128xi32>
    %convert_element_type3A_2777 = arith.extui %gt3A_2776 : vector<256x128xi1> to vector<256x128xi32>
    %convert_element_type3A_2778 = arith.sitofp %convert_element_type3A_2777 : vector<256x128xi32> to vector<256x128xf32>
    %swap3A = arith.constant 0 : index
    %swap3A_2779 = arith.constant 0 : index
    %swap3A_2780 = arith.constant 0 : index
    %swap3A_2781 = vector.load %arg5[%swap3A, %swap3A_2779, %swap3A_2780] : memref<1x256x128xi32, #tpu.memory_space<vmem>>, vector<1x256x128xi32>
    %swap3A_2782 = vector.shape_cast %swap3A_2781 : vector<1x256x128xi32> to vector<256x128xi32>
    %swap3A_2783 = vector.shape_cast %select_n3A_2773 : vector<256x128xi32> to vector<1x256x128xi32>
    tpu.vector_store %arg5[%swap3A, %swap3A_2779, %swap3A_2780], %swap3A_2783 {strides = array<i32>} : memref<1x256x128xi32, #tpu.memory_space<vmem>>, vector<1x256x128xi32>,
    %swap3A_2784 = arith.constant 0 : index
    %swap3A_2785 = arith.constant 0 : index
    %swap3A_2786 = arith.constant 0 : index
    %swap3A_2787 = vector.load %arg6[%swap3A_2784, %swap3A_2785, %swap3A_2786] : memref<1x256x128xf32, #tpu.memory_space<vmem>>, vector<1x256x128xf32>
    %swap3A_2788 = vector.shape_cast %swap3A_2787 : vector<1x256x128xf32> to vector<256x128xf32>
    %swap3A_2789 = vector.shape_cast %convert_element_type3A_2778 : vector<256x128xf32> to vector<1x256x128xf32>
    tpu.vector_store %arg6[%swap3A_2784, %swap3A_2785, %swap3A_2786], %swap3A_2789 {strides = array<i32>} : memref<1x256x128xf32, #tpu.memory_space<vmem>>, vector<1x256x128xf32>,
    %reduce_sum3A = vector.shape_cast %convert_element_type3A_2778 : vector<256x128xf32> to vector<1x256x128xf32>
    %reduce_sum3A_2790 = arith.constant dense<0.000000e+00> : vector<1xf32>
    %reduce_sum3A_2791 = vector.multi_reduction <add>, %reduce_sum3A, %reduce_sum3A_2790 [1, 2] : vector<1x256x128xf32> to vector<1xf32>
    %reduce_sum3A_2792 = vector.shape_cast %reduce_sum3A_2791 : vector<1xf32> to vector<1x1x1xf32>
    %reduce_sum3A_2793 = vector.extract %reduce_sum3A_2792[0, 0, 0] : f32 from vector<1x1x1xf32>
    %reshape3A = vector.broadcast %reduce_sum3A_2793 : f32 to vector<1x1xf32>
    %swap3A_2794 = arith.constant 0 : index
    %swap3A_2795 = arith.constant 0 : index
    %swap3A_2796 = arith.constant 0 : index
    %swap3A_2797 = vector.load %arg9[%swap3A_2794, %swap3A_2795, %swap3A_2796] : memref<1x1x1xf32, #tpu.memory_space<vmem>>, vector<1x1x1xf32>
    %swap3A_2798 = vector.shape_cast %swap3A_2797 : vector<1x1x1xf32> to vector<1x1xf32>
    %swap3A_2799 = vector.shape_cast %reshape3A : vector<1x1xf32> to vector<1x1x1xf32>
    tpu.vector_store %arg9[%swap3A_2794, %swap3A_2795, %swap3A_2796], %swap3A_2799 {strides = array<i32>} : memref<1x1x1xf32, #tpu.memory_space<vmem>>, vector<1x1x1xf32>,
    %add3A_2800 = arith.addf %select_n3A_2762, %select_n3A_2766 : vector<256x128xf32>
    %mul3A_2801 = arith.constant 5.000000e-01 : f32
    %mul3A_2802 = vector.broadcast %mul3A_2801 : f32 to vector<256x128xf32>
    %mul3A_2803 = arith.mulf %add3A_2800, %mul3A_2802 : vector<256x128xf32>
    %sub3A_2804 = arith.subf %mul3A_2803, %get3A_3 : vector<256x128xf32>
    %mul3A_2805 = arith.constant 1.000000e-01 : f32
    %mul3A_2806 = vector.broadcast %mul3A_2805 : f32 to vector<256x128xf32>
    %mul3A_2807 = arith.mulf %mul3A_2806, %get3A_13 : vector<256x128xf32>
    %div3A_2808 = arith.divf %sub3A_2804, %mul3A_2807 : vector<256x128xf32>
    %add3A_2809 = arith.addf %select_n3A_2764, %select_n3A_2768 : vector<256x128xf32>
    %mul3A_2810 = arith.constant 5.000000e-01 : f32
    %mul3A_2811 = vector.broadcast %mul3A_2810 : f32 to vector<256x128xf32>
    %mul3A_2812 = arith.mulf %add3A_2809, %mul3A_2811 : vector<256x128xf32>
    %sub3A_2813 = arith.subf %mul3A_2812, %get3A_8 : vector<256x128xf32>
    %mul3A_2814 = arith.constant 1.000000e-01 : f32
    %mul3A_2815 = vector.broadcast %mul3A_2814 : f32 to vector<256x128xf32>
    %mul3A_2816 = arith.mulf %mul3A_2815, %get3A_18 : vector<256x128xf32>
    %div3A_2817 = arith.divf %sub3A_2813, %mul3A_2816 : vector<256x128xf32>
    %sub3A_2818 = arith.subf %select_n3A_2766, %select_n3A_2762 : vector<256x128xf32>
    %div3A_2819 = arith.divf %sub3A_2818, %get3A_13 : vector<256x128xf32>
    %log3A = math.log %div3A_2819 : vector<256x128xf32>
    %div3A_2820 = arith.constant 2.000000e-01 : f32
    %div3A_2821 = vector.broadcast %div3A_2820 : f32 to vector<256x128xf32>
    %div3A_2822 = arith.divf %log3A, %div3A_2821 : vector<256x128xf32>
    %sub3A_2823 = arith.subf %select_n3A_2768, %select_n3A_2764 : vector<256x128xf32>
    %div3A_2824 = arith.divf %sub3A_2823, %get3A_18 : vector<256x128xf32>
    %log3A_2825 = math.log %div3A_2824 : vector<256x128xf32>
    %div3A_2826 = arith.constant 2.000000e-01 : f32
    %div3A_2827 = vector.broadcast %div3A_2826 : f32 to vector<256x128xf32>
    %div3A_2828 = arith.divf %log3A_2825, %div3A_2827 : vector<256x128xf32>
    %get3A_2829 = arith.constant 0 : index
    %get3A_2830 = arith.constant 0 : index
    %get3A_2831 = arith.constant 0 : index
    %get3A_2832 = arith.constant 0 : index
    %get3A_2833 = vector.load %arg3[%get3A_2829, %get3A_2830, %get3A_2831, %get3A_2832] : memref<1x4x256x128xf32, #tpu.memory_space<vmem>>, vector<1x1x256x128xf32>
    %get3A_2834 = vector.shape_cast %get3A_2833 : vector<1x1x256x128xf32> to vector<256x128xf32>
    %sub3A_2835 = arith.subf %get3A_2834, %div3A_2808 : vector<256x128xf32>
    %abs3A = math.absf %sub3A_2835 : vector<256x128xf32>
    %lt3A_2836 = arith.constant 1.000000e+00 : f32
    %lt3A_2837 = vector.broadcast %lt3A_2836 : f32 to vector<256x128xf32>
    %lt3A_2838 = arith.cmpf olt, %abs3A, %lt3A_2837 : vector<256x128xf32>
    %mul3A_2839 = arith.constant 5.000000e-01 : f32
    %mul3A_2840 = vector.broadcast %mul3A_2839 : f32 to vector<256x128xf32>
    %mul3A_2841 = arith.mulf %mul3A_2840, %sub3A_2835 : vector<256x128xf32>
    %mul3A_2842 = arith.mulf %mul3A_2841, %sub3A_2835 : vector<256x128xf32>
    %sub3A_2843 = arith.constant 5.000000e-01 : f32
    %sub3A_2844 = vector.broadcast %sub3A_2843 : f32 to vector<256x128xf32>
    %sub3A_2845 = arith.subf %abs3A, %sub3A_2844 : vector<256x128xf32>
    %select_n3A_2846 = arith.select %lt3A_2838, %mul3A_2842, %sub3A_2845 : vector<256x128xi1>, vector<256x128xf32>
    %jit3A_2847 = arith.constant 0.000000e+00 : f32
    %broadcast_in_dim3A_2848 = vector.broadcast %jit3A_2847 : f32 to vector<256x128xf32>
    %select_n3A_2849 = arith.select %gt3A_2776, %select_n3A_2846, %broadcast_in_dim3A_2848 : vector<256x128xi1>, vector<256x128xf32>
    %reduce_sum3A_2850 = vector.shape_cast %select_n3A_2849 : vector<256x128xf32> to vector<1x256x128xf32>
    %reduce_sum3A_2851 = arith.constant dense<0.000000e+00> : vector<1xf32>
    %reduce_sum3A_2852 = vector.multi_reduction <add>, %reduce_sum3A_2850, %reduce_sum3A_2851 [1, 2] : vector<1x256x128xf32> to vector<1xf32>
    %reduce_sum3A_2853 = vector.shape_cast %reduce_sum3A_2852 : vector<1xf32> to vector<1x1x1xf32>
    %reduce_sum3A_2854 = vector.extract %reduce_sum3A_2853[0, 0, 0] : f32 from vector<1x1x1xf32>
    %add3A_2855 = arith.constant 0.000000e+00 : f32
    %add3A_2856 = arith.addf %add3A_2855, %reduce_sum3A_2854 : f32
    %get3A_2857 = arith.constant 0 : index
    %get3A_2858 = arith.constant 1 : index
    %get3A_2859 = arith.constant 0 : index
    %get3A_2860 = arith.constant 0 : index
    %get3A_2861 = vector.load %arg3[%get3A_2857, %get3A_2858, %get3A_2859, %get3A_2860] : memref<1x4x256x128xf32, #tpu.memory_space<vmem>>, vector<1x1x256x128xf32>
    %get3A_2862 = vector.shape_cast %get3A_2861 : vector<1x1x256x128xf32> to vector<256x128xf32>
    %sub3A_2863 = arith.subf %get3A_2862, %div3A_2817 : vector<256x128xf32>
    %abs3A_2864 = math.absf %sub3A_2863 : vector<256x128xf32>
    %lt3A_2865 = arith.constant 1.000000e+00 : f32
    %lt3A_2866 = vector.broadcast %lt3A_2865 : f32 to vector<256x128xf32>
    %lt3A_2867 = arith.cmpf olt, %abs3A_2864, %lt3A_2866 : vector<256x128xf32>
    %mul3A_2868 = arith.constant 5.000000e-01 : f32
    %mul3A_2869 = vector.broadcast %mul3A_2868 : f32 to vector<256x128xf32>
    %mul3A_2870 = arith.mulf %mul3A_2869, %sub3A_2863 : vector<256x128xf32>
    %mul3A_2871 = arith.mulf %mul3A_2870, %sub3A_2863 : vector<256x128xf32>
    %sub3A_2872 = arith.constant 5.000000e-01 : f32
    %sub3A_2873 = vector.broadcast %sub3A_2872 : f32 to vector<256x128xf32>
    %sub3A_2874 = arith.subf %abs3A_2864, %sub3A_2873 : vector<256x128xf32>
    %select_n3A_2875 = arith.select %lt3A_2867, %mul3A_2871, %sub3A_2874 : vector<256x128xi1>, vector<256x128xf32>
    %jit3A_2876 = arith.constant 0.000000e+00 : f32
    %broadcast_in_dim3A_2877 = vector.broadcast %jit3A_2876 : f32 to vector<256x128xf32>
    %select_n3A_2878 = arith.select %gt3A_2776, %select_n3A_2875, %broadcast_in_dim3A_2877 : vector<256x128xi1>, vector<256x128xf32>
    %reduce_sum3A_2879 = vector.shape_cast %select_n3A_2878 : vector<256x128xf32> to vector<1x256x128xf32>
    %reduce_sum3A_2880 = arith.constant dense<0.000000e+00> : vector<1xf32>
    %reduce_sum3A_2881 = vector.multi_reduction <add>, %reduce_sum3A_2879, %reduce_sum3A_2880 [1, 2] : vector<1x256x128xf32> to vector<1xf32>
    %reduce_sum3A_2882 = vector.shape_cast %reduce_sum3A_2881 : vector<1xf32> to vector<1x1x1xf32>
    %reduce_sum3A_2883 = vector.extract %reduce_sum3A_2882[0, 0, 0] : f32 from vector<1x1x1xf32>
    %add3A_2884 = arith.addf %add3A_2856, %reduce_sum3A_2883 : f32
    %get3A_2885 = arith.constant 0 : index
    %get3A_2886 = arith.constant 2 : index
    %get3A_2887 = arith.constant 0 : index
    %get3A_2888 = arith.constant 0 : index
    %get3A_2889 = vector.load %arg3[%get3A_2885, %get3A_2886, %get3A_2887, %get3A_2888] : memref<1x4x256x128xf32, #tpu.memory_space<vmem>>, vector<1x1x256x128xf32>
    %get3A_2890 = vector.shape_cast %get3A_2889 : vector<1x1x256x128xf32> to vector<256x128xf32>
    %sub3A_2891 = arith.subf %get3A_2890, %div3A_2822 : vector<256x128xf32>
    %abs3A_2892 = math.absf %sub3A_2891 : vector<256x128xf32>
    %lt3A_2893 = arith.constant 1.000000e+00 : f32
    %lt3A_2894 = vector.broadcast %lt3A_2893 : f32 to vector<256x128xf32>
    %lt3A_2895 = arith.cmpf olt, %abs3A_2892, %lt3A_2894 : vector<256x128xf32>
    %mul3A_2896 = arith.constant 5.000000e-01 : f32
    %mul3A_2897 = vector.broadcast %mul3A_2896 : f32 to vector<256x128xf32>
    %mul3A_2898 = arith.mulf %mul3A_2897, %sub3A_2891 : vector<256x128xf32>
    %mul3A_2899 = arith.mulf %mul3A_2898, %sub3A_2891 : vector<256x128xf32>
    %sub3A_2900 = arith.constant 5.000000e-01 : f32
    %sub3A_2901 = vector.broadcast %sub3A_2900 : f32 to vector<256x128xf32>
    %sub3A_2902 = arith.subf %abs3A_2892, %sub3A_2901 : vector<256x128xf32>
    %select_n3A_2903 = arith.select %lt3A_2895, %mul3A_2899, %sub3A_2902 : vector<256x128xi1>, vector<256x128xf32>
    %jit3A_2904 = arith.constant 0.000000e+00 : f32
    %broadcast_in_dim3A_2905 = vector.broadcast %jit3A_2904 : f32 to vector<256x128xf32>
    %select_n3A_2906 = arith.select %gt3A_2776, %select_n3A_2903, %broadcast_in_dim3A_2905 : vector<256x128xi1>, vector<256x128xf32>
    %reduce_sum3A_2907 = vector.shape_cast %select_n3A_2906 : vector<256x128xf32> to vector<1x256x128xf32>
    %reduce_sum3A_2908 = arith.constant dense<0.000000e+00> : vector<1xf32>
    %reduce_sum3A_2909 = vector.multi_reduction <add>, %reduce_sum3A_2907, %reduce_sum3A_2908 [1, 2] : vector<1x256x128xf32> to vector<1xf32>
    %reduce_sum3A_2910 = vector.shape_cast %reduce_sum3A_2909 : vector<1xf32> to vector<1x1x1xf32>
    %reduce_sum3A_2911 = vector.extract %reduce_sum3A_2910[0, 0, 0] : f32 from vector<1x1x1xf32>
    %add3A_2912 = arith.addf %add3A_2884, %reduce_sum3A_2911 : f32
    %get3A_2913 = arith.constant 0 : index
    %get3A_2914 = arith.constant 3 : index
    %get3A_2915 = arith.constant 0 : index
    %get3A_2916 = arith.constant 0 : index
    %get3A_2917 = vector.load %arg3[%get3A_2913, %get3A_2914, %get3A_2915, %get3A_2916] : memref<1x4x256x128xf32, #tpu.memory_space<vmem>>, vector<1x1x256x128xf32>
    %get3A_2918 = vector.shape_cast %get3A_2917 : vector<1x1x256x128xf32> to vector<256x128xf32>
    %sub3A_2919 = arith.subf %get3A_2918, %div3A_2828 : vector<256x128xf32>
    %abs3A_2920 = math.absf %sub3A_2919 : vector<256x128xf32>
    %lt3A_2921 = arith.constant 1.000000e+00 : f32
    %lt3A_2922 = vector.broadcast %lt3A_2921 : f32 to vector<256x128xf32>
    %lt3A_2923 = arith.cmpf olt, %abs3A_2920, %lt3A_2922 : vector<256x128xf32>
    %mul3A_2924 = arith.constant 5.000000e-01 : f32
    %mul3A_2925 = vector.broadcast %mul3A_2924 : f32 to vector<256x128xf32>
    %mul3A_2926 = arith.mulf %mul3A_2925, %sub3A_2919 : vector<256x128xf32>
    %mul3A_2927 = arith.mulf %mul3A_2926, %sub3A_2919 : vector<256x128xf32>
    %sub3A_2928 = arith.constant 5.000000e-01 : f32
    %sub3A_2929 = vector.broadcast %sub3A_2928 : f32 to vector<256x128xf32>
    %sub3A_2930 = arith.subf %abs3A_2920, %sub3A_2929 : vector<256x128xf32>
    %select_n3A_2931 = arith.select %lt3A_2923, %mul3A_2927, %sub3A_2930 : vector<256x128xi1>, vector<256x128xf32>
    %jit3A_2932 = arith.constant 0.000000e+00 : f32
    %broadcast_in_dim3A_2933 = vector.broadcast %jit3A_2932 : f32 to vector<256x128xf32>
    %select_n3A_2934 = arith.select %gt3A_2776, %select_n3A_2931, %broadcast_in_dim3A_2933 : vector<256x128xi1>, vector<256x128xf32>
    %reduce_sum3A_2935 = vector.shape_cast %select_n3A_2934 : vector<256x128xf32> to vector<1x256x128xf32>
    %reduce_sum3A_2936 = arith.constant dense<0.000000e+00> : vector<1xf32>
    %reduce_sum3A_2937 = vector.multi_reduction <add>, %reduce_sum3A_2935, %reduce_sum3A_2936 [1, 2] : vector<1x256x128xf32> to vector<1xf32>
    %reduce_sum3A_2938 = vector.shape_cast %reduce_sum3A_2937 : vector<1xf32> to vector<1x1x1xf32>
    %reduce_sum3A_2939 = vector.extract %reduce_sum3A_2938[0, 0, 0] : f32 from vector<1x1x1xf32>
    %add3A_2940 = arith.addf %add3A_2912, %reduce_sum3A_2939 : f32
    %reshape3A_2941 = vector.broadcast %add3A_2940 : f32 to vector<1x1xf32>
    %swap3A_2942 = arith.constant 0 : index
    %swap3A_2943 = arith.constant 0 : index
    %swap3A_2944 = arith.constant 0 : index
    %swap3A_2945 = vector.load %arg8[%swap3A_2942, %swap3A_2943, %swap3A_2944] : memref<1x1x1xf32, #tpu.memory_space<vmem>>, vector<1x1x1xf32>
    %swap3A_2946 = vector.shape_cast %swap3A_2945 : vector<1x1x1xf32> to vector<1x1xf32>
    %swap3A_2947 = vector.shape_cast %reshape3A_2941 : vector<1x1xf32> to vector<1x1x1xf32>
    tpu.vector_store %arg8[%swap3A_2942, %swap3A_2943, %swap3A_2944], %swap3A_2947 {strides = array<i32>} : memref<1x1x1xf32, #tpu.memory_space<vmem>>, vector<1x1x1xf32>,
    %get3A_2948 = arith.constant 0 : index
    %get3A_2949 = arith.constant 0 : index
    %get3A_2950 = arith.constant 0 : index
    %get3A_2951 = arith.constant 0 : index
    %get3A_2952 = vector.load %arg4[%get3A_2948, %get3A_2949, %get3A_2950, %get3A_2951] : memref<1x2x256x128xf32, #tpu.memory_space<vmem>>, vector<1x1x256x128xf32>
    %get3A_2953 = vector.shape_cast %get3A_2952 : vector<1x1x256x128xf32> to vector<256x128xf32>
    %get3A_2954 = arith.constant 0 : index
    %get3A_2955 = arith.constant 1 : index
    %get3A_2956 = arith.constant 0 : index
    %get3A_2957 = arith.constant 0 : index
    %get3A_2958 = vector.load %arg4[%get3A_2954, %get3A_2955, %get3A_2956, %get3A_2957] : memref<1x2x256x128xf32, #tpu.memory_space<vmem>>, vector<1x1x256x128xf32>
    %get3A_2959 = vector.shape_cast %get3A_2958 : vector<1x1x256x128xf32> to vector<256x128xf32>
    %max3A_2960 = arith.maximumf %get3A_2953, %get3A_2959 : vector<256x128xf32>
    %sub3A_2961 = arith.subf %get3A_2953, %max3A_2960 : vector<256x128xf32>
    %exp3A = math.exp %sub3A_2961 : vector<256x128xf32>
    %sub3A_2962 = arith.subf %get3A_2959, %max3A_2960 : vector<256x128xf32>
    %exp3A_2963 = math.exp %sub3A_2962 : vector<256x128xf32>
    %add3A_2964 = arith.addf %exp3A, %exp3A_2963 : vector<256x128xf32>
    %log3A_2965 = math.log %add3A_2964 : vector<256x128xf32>
    %add3A_2966 = arith.addf %max3A_2960, %log3A_2965 : vector<256x128xf32>
    %select_n3A_2967 = arith.select %gt3A_2776, %get3A_2959, %get3A_2953 : vector<256x128xi1>, vector<256x128xf32>
    %sub3A_2968 = arith.subf %add3A_2966, %select_n3A_2967 : vector<256x128xf32>
    %swap3A_2969 = arith.constant 0 : index
    %swap3A_2970 = arith.constant 0 : index
    %swap3A_2971 = arith.constant 0 : index
    %swap3A_2972 = vector.load %arg7[%swap3A_2969, %swap3A_2970, %swap3A_2971] : memref<1x256x128xf32, #tpu.memory_space<vmem>>, vector<1x256x128xf32>
    %swap3A_2973 = vector.shape_cast %swap3A_2972 : vector<1x256x128xf32> to vector<256x128xf32>
    %swap3A_2974 = vector.shape_cast %sub3A_2968 : vector<256x128xf32> to vector<1x256x128xf32>
    tpu.vector_store %arg7[%swap3A_2969, %swap3A_2970, %swap3A_2971], %swap3A_2974 {strides = array<i32>} : memref<1x256x128xf32, #tpu.memory_space<vmem>>, vector<1x256x128xf32>,
    return
  }
  func.func @transform_0(%arg0: i32) -> (i32, i32, i32) {
    %c0_i32 = arith.constant 0 : i32
    %c0_i32_0 = arith.constant 0 : i32
    %c0_i32_1 = arith.constant 0 : i32
    return %arg0, %c0_i32, %c0_i32_0 : i32, i32, i32
  }
  func.func @transform_1(%arg0: i32) -> (i32, i32, i32) {
    %c0_i32 = arith.constant 0 : i32
    %c0_i32_0 = arith.constant 0 : i32
    %c0_i32_1 = arith.constant 0 : i32
    %c0_i32_2 = arith.constant 0 : i32
    return %c0_i32, %c0_i32_0, %c0_i32_1 : i32, i32, i32
  }
  func.func @transform_2(%arg0: i32) -> (i32, i32, i32, i32) {
    %c0_i32 = arith.constant 0 : i32
    %c0_i32_0 = arith.constant 0 : i32
    %c0_i32_1 = arith.constant 0 : i32
    %c0_i32_2 = arith.constant 0 : i32
    return %arg0, %c0_i32, %c0_i32_0, %c0_i32_1 : i32, i32, i32, i32
  }
  func.func @transform_3(%arg0: i32) -> (i32, i32, i32, i32) {
    %c0_i32 = arith.constant 0 : i32
    %c0_i32_0 = arith.constant 0 : i32
    %c0_i32_1 = arith.constant 0 : i32
    %c0_i32_2 = arith.constant 0 : i32
    return %arg0, %c0_i32, %c0_i32_0, %c0_i32_1 : i32, i32, i32, i32
  }
  func.func @transform_4(%arg0: i32) -> (i32, i32, i32) {
    %c0_i32 = arith.constant 0 : i32
    %c0_i32_0 = arith.constant 0 : i32
    %c0_i32_1 = arith.constant 0 : i32
    return %arg0, %c0_i32, %c0_i32_0 : i32, i32, i32
  }
  func.func @transform_5(%arg0: i32) -> (i32, i32, i32) {
    %c0_i32 = arith.constant 0 : i32
    %c0_i32_0 = arith.constant 0 : i32
    %c0_i32_1 = arith.constant 0 : i32
    return %arg0, %c0_i32, %c0_i32_0 : i32, i32, i32
  }
  func.func @transform_6(%arg0: i32) -> (i32, i32, i32) {
    %c0_i32 = arith.constant 0 : i32
    %c0_i32_0 = arith.constant 0 : i32
    %c0_i32_1 = arith.constant 0 : i32
    return %arg0, %c0_i32, %c0_i32_0 : i32, i32, i32
  }
  func.func @transform_7(%arg0: i32) -> (i32, i32, i32) {
    %c0_i32 = arith.constant 0 : i32
    %c0_i32_0 = arith.constant 0 : i32
    %c0_i32_1 = arith.constant 0 : i32
    return %arg0, %c0_i32, %c0_i32_0 : i32, i32, i32
  }
  func.func @transform_8(%arg0: i32) -> (i32, i32, i32) {
    %c0_i32 = arith.constant 0 : i32
    %c0_i32_0 = arith.constant 0 : i32
    %c0_i32_1 = arith.constant 0 : i32
    return %arg0, %c0_i32, %c0_i32_0 : i32, i32, i32
  }
}

module attributes {stable_mosaic.version = 14 : i64} {
  func.func @_conf_body(%arg0: i32, %arg1: i32, %arg2: memref<1x4096x81xf32, #tpu.memory_space<vmem>>, %arg3: memref<1x1x4096x1xi32, #tpu.memory_space<vmem>>, %arg4: memref<1x1x4096x1xf32, #tpu.memory_space<vmem>>) attributes {dimension_semantics = [#tpu.dimension_semantics<arbitrary>, #tpu.dimension_semantics<arbitrary>], iteration_bounds = array<i64: 16, 8>, scalar_prefetch = 0 : i64, scratch_operands = 0 : i64, tpu.core_type = #tpu.core_type<tc>, window_params = [{transform_indices = @transform_0, window_bounds = array<i64: 1, 4096, 81>}, {transform_indices = @transform_1, window_bounds = array<i64: 1, 1, 4096, 1>}, {transform_indices = @transform_2, window_bounds = array<i64: 1, 1, 4096, 1>}]} {
    %get3A = arith.constant 0 : index
    %get3A_0 = arith.constant 0 : index
    %get3A_1 = arith.constant 0 : index
    %get3A_2 = vector.load %arg2[%get3A, %get3A_0, %get3A_1] : memref<1x4096x81xf32, #tpu.memory_space<vmem>>, vector<1x4096x81xf32>
    %get3A_3 = vector.shape_cast %get3A_2 : vector<1x4096x81xf32> to vector<4096x81xf32>
    %get3A_4 = arith.constant 0 : index
    %get3A_5 = arith.constant 0 : index
    %get3A_6 = arith.constant 0 : index
    %get3A_7 = arith.constant 0 : index
    %get3A_8 = vector.load %arg3[%get3A_4, %get3A_5, %get3A_6, %get3A_7] : memref<1x1x4096x1xi32, #tpu.memory_space<vmem>>, vector<1x1x4096x1xi32>
    %get3A_9 = vector.shape_cast %get3A_8 : vector<1x1x4096x1xi32> to vector<4096x1xi32>
    %reduce_max3A = arith.constant dense<0xFF800000> : vector<4096xf32>
    %reduce_max3A_10 = vector.multi_reduction <maximumf>, %get3A_3, %reduce_max3A [1] : vector<4096x81xf32> to vector<4096xf32>
    %broadcast_in_dim3A = vector.shape_cast %reduce_max3A_10 : vector<4096xf32> to vector<4096x1xf32>
    %sub3A = vector.broadcast %broadcast_in_dim3A : vector<4096x1xf32> to vector<4096x81xf32>
    %sub3A_11 = arith.subf %get3A_3, %sub3A : vector<4096x81xf32>
    %exp3A = math.exp %sub3A_11 : vector<4096x81xf32>
    %reduce_sum3A = arith.constant dense<0.000000e+00> : vector<4096xf32>
    %reduce_sum3A_12 = vector.multi_reduction <add>, %exp3A, %reduce_sum3A [1] : vector<4096x81xf32> to vector<4096xf32>
    %broadcast_in_dim3A_13 = vector.shape_cast %reduce_sum3A_12 : vector<4096xf32> to vector<4096x1xf32>
    %log3A = math.log %broadcast_in_dim3A_13 : vector<4096x1xf32>
    %add3A = arith.addf %broadcast_in_dim3A, %log3A : vector<4096x1xf32>
    %iota3A = tpu.iota {dimensions = array<i32: 1>} : vector<1x81xi32>
    %eq3A = vector.broadcast %iota3A : vector<1x81xi32> to vector<4096x81xi32>
    %eq3A_14 = vector.broadcast %get3A_9 : vector<4096x1xi32> to vector<4096x81xi32>
    %eq3A_15 = arith.cmpi eq, %eq3A, %eq3A_14 : vector<4096x81xi32>
    %jit3A = arith.constant 0.000000e+00 : f32
    %broadcast_in_dim3A_16 = vector.broadcast %jit3A : f32 to vector<4096x81xf32>
    %select_n3A = arith.select %eq3A_15, %get3A_3, %broadcast_in_dim3A_16 : vector<4096x81xi1>, vector<4096x81xf32>
    %reduce_sum3A_17 = arith.constant dense<0.000000e+00> : vector<4096xf32>
    %reduce_sum3A_18 = vector.multi_reduction <add>, %select_n3A, %reduce_sum3A_17 [1] : vector<4096x81xf32> to vector<4096xf32>
    %broadcast_in_dim3A_19 = vector.shape_cast %reduce_sum3A_18 : vector<4096xf32> to vector<4096x1xf32>
    %sub3A_20 = arith.subf %add3A, %broadcast_in_dim3A_19 : vector<4096x1xf32>
    %swap3A = arith.constant 0 : index
    %swap3A_21 = arith.constant 0 : index
    %swap3A_22 = arith.constant 0 : index
    %swap3A_23 = arith.constant 0 : index
    %swap3A_24 = vector.load %arg4[%swap3A, %swap3A_21, %swap3A_22, %swap3A_23] : memref<1x1x4096x1xf32, #tpu.memory_space<vmem>>, vector<1x1x4096x1xf32>
    %swap3A_25 = vector.shape_cast %swap3A_24 : vector<1x1x4096x1xf32> to vector<4096x1xf32>
    %swap3A_26 = vector.shape_cast %sub3A_20 : vector<4096x1xf32> to vector<1x1x4096x1xf32>
    tpu.vector_store %arg4[%swap3A, %swap3A_21, %swap3A_22, %swap3A_23], %swap3A_26 {strides = array<i32>} : memref<1x1x4096x1xf32, #tpu.memory_space<vmem>>, vector<1x1x4096x1xf32>,
    return
  }
  func.func @transform_0(%arg0: i32, %arg1: i32) -> (i32, i32, i32) {
    %c0_i32 = arith.constant 0 : i32
    %c0_i32_0 = arith.constant 0 : i32
    return %arg0, %arg1, %c0_i32 : i32, i32, i32
  }
  func.func @transform_1(%arg0: i32, %arg1: i32) -> (i32, i32, i32, i32) {
    %c0_i32 = arith.constant 0 : i32
    %c0_i32_0 = arith.constant 0 : i32
    %c0_i32_1 = arith.constant 0 : i32
    return %arg0, %arg1, %c0_i32, %c0_i32_0 : i32, i32, i32, i32
  }
  func.func @transform_2(%arg0: i32, %arg1: i32) -> (i32, i32, i32, i32) {
    %c0_i32 = arith.constant 0 : i32
    %c0_i32_0 = arith.constant 0 : i32
    %c0_i32_1 = arith.constant 0 : i32
    return %arg0, %arg1, %c0_i32, %c0_i32_0 : i32, i32, i32, i32
  }
}

module attributes {stable_mosaic.version = 14 : i64} {
  func.func @_mine_body(%arg0: memref<16x256x128xf32, #tpu.memory_space<vmem>>, %arg1: memref<16x256x128xf32, #tpu.memory_space<vmem>>, %arg2: memref<16x256x128xf32, #tpu.memory_space<vmem>>, %arg3: memref<16x256x128xf32, #tpu.memory_space<vmem>>, %arg4: memref<16x256x128xf32, #tpu.memory_space<vmem>>, %arg5: memref<16x1x1xf32, #tpu.memory_space<vmem>>, %arg6: memref<16x256x128xf32, #tpu.memory_space<vmem>>, %arg7: memref<16x256x128xf32, #tpu.memory_space<vmem>>, %arg8: memref<16x1x1xf32, #tpu.memory_space<vmem>>, %arg9: memref<16x1x1xf32, #tpu.memory_space<vmem>>, %arg10: memref<16x1x1xf32, #tpu.memory_space<vmem>>, %arg11: memref<16x1x1xf32, #tpu.memory_space<vmem>>) attributes {dimension_semantics = [], scalar_prefetch = 0 : i64, scratch_operands = 0 : i64, tpu.core_type = #tpu.core_type<tc>} {
    %get3A = arith.constant 0 : index
    %get3A_0 = arith.constant 0 : index
    %get3A_1 = arith.constant 0 : index
    %get3A_2 = vector.load %arg2[%get3A, %get3A_0, %get3A_1] : memref<16x256x128xf32, #tpu.memory_space<vmem>>, vector<16x256x128xf32>
    %gt3A = arith.constant 5.000000e-01 : f32
    %gt3A_3 = vector.broadcast %gt3A : f32 to vector<16x256x128xf32>
    %gt3A_4 = arith.cmpf ogt, %get3A_2, %gt3A_3 : vector<16x256x128xf32>
    %get3A_5 = arith.constant 0 : index
    %get3A_6 = arith.constant 0 : index
    %get3A_7 = arith.constant 0 : index
    %get3A_8 = vector.load %arg5[%get3A_5, %get3A_6, %get3A_7] : memref<16x1x1xf32, #tpu.memory_space<vmem>>, vector<16x1x1xf32>
    %mul3A = arith.constant 3.000000e+00 : f32
    %mul3A_9 = vector.broadcast %mul3A : f32 to vector<16x1x1xf32>
    %mul3A_10 = arith.mulf %get3A_8, %mul3A_9 : vector<16x1x1xf32>
    %min3A = arith.constant 3.276700e+04 : f32
    %min3A_11 = vector.broadcast %min3A : f32 to vector<16x1x1xf32>
    %min3A_12 = arith.minimumf %mul3A_10, %min3A_11 : vector<16x1x1xf32>
    %convert_element_type3A = arith.fptosi %min3A_12 : vector<16x1x1xf32> to vector<16x1x1xi32>
    %get3A_13 = arith.constant 0 : index
    %get3A_14 = arith.constant 0 : index
    %get3A_15 = arith.constant 0 : index
    %get3A_16 = vector.load %arg0[%get3A_13, %get3A_14, %get3A_15] : memref<16x256x128xf32, #tpu.memory_space<vmem>>, vector<16x256x128xf32>
    %get3A_17 = arith.constant 0 : index
    %get3A_18 = arith.constant 0 : index
    %get3A_19 = arith.constant 0 : index
    %get3A_20 = vector.load %arg1[%get3A_17, %get3A_18, %get3A_19] : memref<16x256x128xf32, #tpu.memory_space<vmem>>, vector<16x256x128xf32>
    %iota3A = tpu.iota {dimensions = array<i32: 0>} : vector<256x256xi32>
    %iota3A_21 = tpu.iota {dimensions = array<i32: 1>} : vector<256x256xi32>
    %lt3A = arith.cmpi slt, %iota3A, %iota3A_21 : vector<256x256xi32>
    %convert_element_type3A_22 = arith.extui %lt3A : vector<256x256xi1> to vector<256x256xi32>
    %convert_element_type3A_23 = arith.sitofp %convert_element_type3A_22 : vector<256x256xi32> to vector<256x256xf32>
    %iota3A_24 = tpu.iota {dimensions = array<i32: 0>} : vector<128x128xi32>
    %iota3A_25 = tpu.iota {dimensions = array<i32: 1>} : vector<128x128xi32>
    %lt3A_26 = arith.cmpi slt, %iota3A_24, %iota3A_25 : vector<128x128xi32>
    %convert_element_type3A_27 = arith.extui %lt3A_26 : vector<128x128xi1> to vector<128x128xi32>
    %convert_element_type3A_28 = arith.sitofp %convert_element_type3A_27 : vector<128x128xi32> to vector<128x128xf32>
    %jit3A = arith.constant 0.000000e+00 : f32
    %broadcast_in_dim3A = vector.broadcast %jit3A : f32 to vector<16x256x128xf32>
    %select_n3A = arith.select %gt3A_4, %broadcast_in_dim3A, %get3A_16 : vector<16x256x128xi1>, vector<16x256x128xf32>
    %max3A = arith.constant 0.000000e+00 : f32
    %max3A_29 = vector.broadcast %max3A : f32 to vector<16x256x128xf32>
    %max3A_30 = arith.maximumf %select_n3A, %max3A_29 : vector<16x256x128xf32>
    %bitcast_convert_type3A = tpu.bitcast %max3A_30 : vector<16x256x128xf32> -> vector<16x256x128xi32>
    %broadcast_in_dim3A_31 = arith.constant 0 : i32
    %broadcast_in_dim3A_32 = vector.broadcast %broadcast_in_dim3A_31 : i32 to vector<16x1x1xi32>
    %broadcast_in_dim3A_33 = arith.constant 2147483647 : i32
    %broadcast_in_dim3A_34 = vector.broadcast %broadcast_in_dim3A_33 : i32 to vector<16x1x1xi32>
    %scan3A = arith.constant 0 : i32
    %scan3A_35 = arith.constant 31 : i32
    %scan3A_36 = arith.addi %scan3A, %scan3A_35 : i32
    %scan3A_37 = arith.constant 1 : i32
    %scan3A_38:2 = scf.for %scan3A_177 = %scan3A to %scan3A_36 step %scan3A_37 iter_args(%scan3A_178 = %broadcast_in_dim3A_32, %scan3A_179 = %broadcast_in_dim3A_34) -> (vector<16x1x1xi32>, vector<16x1x1xi32>)  : i32 {
      %sub3A_180 = arith.subi %scan3A_179, %scan3A_178 : vector<16x1x1xi32>
      %shift_right_arithmetic3A = arith.constant 1 : i32
      %shift_right_arithmetic3A_181 = vector.broadcast %shift_right_arithmetic3A : i32 to vector<16x1x1xi32>
      %shift_right_arithmetic3A_182 = arith.shrsi %sub3A_180, %shift_right_arithmetic3A_181 : vector<16x1x1xi32>
      %add3A_183 = arith.addi %scan3A_178, %shift_right_arithmetic3A_182 : vector<16x1x1xi32>
      %and3A_184 = arith.constant 1 : i32
      %and3A_185 = vector.broadcast %and3A_184 : i32 to vector<16x1x1xi32>
      %and3A_186 = arith.andi %sub3A_180, %and3A_185 : vector<16x1x1xi32>
      %add3A_187 = arith.addi %add3A_183, %and3A_186 : vector<16x1x1xi32>
      %ge3A = vector.broadcast %add3A_187 : vector<16x1x1xi32> to vector<16x256x128xi32>
      %ge3A_188 = arith.cmpi sge, %bitcast_convert_type3A, %ge3A : vector<16x256x128xi32>
      %convert_element_type3A_189 = arith.extui %ge3A_188 : vector<16x256x128xi1> to vector<16x256x128xi32>
      %reduce_sum3A_190 = arith.constant dense<0> : vector<16x256xi32>
      %reduce_sum3A_191 = vector.multi_reduction <add>, %convert_element_type3A_189, %reduce_sum3A_190 [2] : vector<16x256x128xi32> to vector<16x256xi32>
      %reduce_sum3A_192 = arith.constant dense<0> : vector<16xi32>
      %reduce_sum3A_193 = vector.multi_reduction <add>, %reduce_sum3A_191, %reduce_sum3A_192 [1] : vector<16x256xi32> to vector<16xi32>
      %broadcast_in_dim3A_194 = vector.shape_cast %reduce_sum3A_193 : vector<16xi32> to vector<16x1xi32>
      %broadcast_in_dim3A_195 = vector.shape_cast %broadcast_in_dim3A_194 : vector<16x1xi32> to vector<16x1x1xi32>
      %ge3A_196 = arith.cmpi sge, %broadcast_in_dim3A_195, %convert_element_type3A : vector<16x1x1xi32>
      %select_n3A_197 = arith.select %ge3A_196, %add3A_187, %scan3A_178 : vector<16x1x1xi1>, vector<16x1x1xi32>
      %sub3A_198 = arith.constant 1 : i32
      %sub3A_199 = vector.broadcast %sub3A_198 : i32 to vector<16x1x1xi32>
      %sub3A_200 = arith.subi %add3A_187, %sub3A_199 : vector<16x1x1xi32>
      %select_n3A_201 = arith.select %ge3A_196, %scan3A_179, %sub3A_200 : vector<16x1x1xi1>, vector<16x1x1xi32>
      scf.yield %select_n3A_197, %select_n3A_201 : vector<16x1x1xi32>, vector<16x1x1xi32>
    }
    %gt3A_39 = vector.broadcast %scan3A_38#0 : vector<16x1x1xi32> to vector<16x256x128xi32>
    %gt3A_40 = arith.cmpi sgt, %bitcast_convert_type3A, %gt3A_39 : vector<16x256x128xi32>
    %convert_element_type3A_41 = arith.extui %gt3A_40 : vector<16x256x128xi1> to vector<16x256x128xi32>
    %reduce_sum3A = arith.constant dense<0> : vector<16x256xi32>
    %reduce_sum3A_42 = vector.multi_reduction <add>, %convert_element_type3A_41, %reduce_sum3A [2] : vector<16x256x128xi32> to vector<16x256xi32>
    %reduce_sum3A_43 = arith.constant dense<0> : vector<16xi32>
    %reduce_sum3A_44 = vector.multi_reduction <add>, %reduce_sum3A_42, %reduce_sum3A_43 [1] : vector<16x256xi32> to vector<16xi32>
    %broadcast_in_dim3A_45 = vector.shape_cast %reduce_sum3A_44 : vector<16xi32> to vector<16x1xi32>
    %broadcast_in_dim3A_46 = vector.shape_cast %broadcast_in_dim3A_45 : vector<16x1xi32> to vector<16x1x1xi32>
    %eq3A = vector.broadcast %scan3A_38#0 : vector<16x1x1xi32> to vector<16x256x128xi32>
    %eq3A_47 = arith.cmpi eq, %bitcast_convert_type3A, %eq3A : vector<16x256x128xi32>
    %convert_element_type3A_48 = arith.extui %eq3A_47 : vector<16x256x128xi1> to vector<16x256x128xi32>
    %convert_element_type3A_49 = arith.sitofp %convert_element_type3A_48 : vector<16x256x128xi32> to vector<16x256x128xf32>
    %reduce_sum3A_50 = arith.constant dense<0.000000e+00> : vector<16x256xf32>
    %reduce_sum3A_51 = vector.multi_reduction <add>, %convert_element_type3A_49, %reduce_sum3A_50 [2] : vector<16x256x128xf32> to vector<16x256xf32>
    %dot_general3A = arith.constant dense<0.000000e+00> : vector<16x256xf32>
    %dot_general3A_52 = tpu.matmul %reduce_sum3A_51, %convert_element_type3A_23, %dot_general3A {dimension_numbers = #tpu.dot_dimension_numbers<[1], [0], [0], [1], [0, 0, 1, 1], [], []>, transpose_lhs_hint = false} : vector<16x256xf32>, vector<256x256xf32>, vector<16x256xf32> -> vector<16x256xf32>
    %dot_general3A_53 = arith.constant dense<0.000000e+00> : vector<16x256x128xf32>
    %dot_general3A_54 = tpu.matmul %convert_element_type3A_49, %convert_element_type3A_28, %dot_general3A_53 {dimension_numbers = #tpu.dot_dimension_numbers<[2], [0], [0, 1], [1], [0, 0, 0, 1, 1, 1], [], []>, transpose_lhs_hint = false} : vector<16x256x128xf32>, vector<128x128xf32>, vector<16x256x128xf32> -> vector<16x256x128xf32>
    %broadcast_in_dim3A_55 = vector.shape_cast %dot_general3A_52 : vector<16x256xf32> to vector<16x256x1xf32>
    %add3A = vector.broadcast %broadcast_in_dim3A_55 : vector<16x256x1xf32> to vector<16x256x128xf32>
    %add3A_56 = arith.addf %add3A, %dot_general3A_54 : vector<16x256x128xf32>
    %sub3A = arith.subi %convert_element_type3A, %broadcast_in_dim3A_46 : vector<16x1x1xi32>
    %convert_element_type3A_57 = arith.sitofp %sub3A : vector<16x1x1xi32> to vector<16x1x1xf32>
    %lt3A_58 = vector.broadcast %convert_element_type3A_57 : vector<16x1x1xf32> to vector<16x256x128xf32>
    %lt3A_59 = arith.cmpf olt, %add3A_56, %lt3A_58 : vector<16x256x128xf32>
    %and3A = arith.andi %eq3A_47, %lt3A_59 : vector<16x256x128xi1>
    %or3A = arith.ori %gt3A_40, %and3A : vector<16x256x128xi1>
    %jit3A_60 = arith.constant 0.000000e+00 : f32
    %broadcast_in_dim3A_61 = vector.broadcast %jit3A_60 : f32 to vector<16x256x128xf32>
    %select_n3A_62 = arith.select %gt3A_4, %broadcast_in_dim3A_61, %get3A_20 : vector<16x256x128xi1>, vector<16x256x128xf32>
    %max3A_63 = arith.constant 0.000000e+00 : f32
    %max3A_64 = vector.broadcast %max3A_63 : f32 to vector<16x256x128xf32>
    %max3A_65 = arith.maximumf %select_n3A_62, %max3A_64 : vector<16x256x128xf32>
    %bitcast_convert_type3A_66 = tpu.bitcast %max3A_65 : vector<16x256x128xf32> -> vector<16x256x128xi32>
    %broadcast_in_dim3A_67 = arith.constant 0 : i32
    %broadcast_in_dim3A_68 = vector.broadcast %broadcast_in_dim3A_67 : i32 to vector<16x1x1xi32>
    %broadcast_in_dim3A_69 = arith.constant 2147483647 : i32
    %broadcast_in_dim3A_70 = vector.broadcast %broadcast_in_dim3A_69 : i32 to vector<16x1x1xi32>
    %scan3A_71 = arith.constant 0 : i32
    %scan3A_72 = arith.constant 31 : i32
    %scan3A_73 = arith.addi %scan3A_71, %scan3A_72 : i32
    %scan3A_74 = arith.constant 1 : i32
    %scan3A_75:2 = scf.for %scan3A_177 = %scan3A_71 to %scan3A_73 step %scan3A_74 iter_args(%scan3A_178 = %broadcast_in_dim3A_68, %scan3A_179 = %broadcast_in_dim3A_70) -> (vector<16x1x1xi32>, vector<16x1x1xi32>)  : i32 {
      %sub3A_180 = arith.subi %scan3A_179, %scan3A_178 : vector<16x1x1xi32>
      %shift_right_arithmetic3A = arith.constant 1 : i32
      %shift_right_arithmetic3A_181 = vector.broadcast %shift_right_arithmetic3A : i32 to vector<16x1x1xi32>
      %shift_right_arithmetic3A_182 = arith.shrsi %sub3A_180, %shift_right_arithmetic3A_181 : vector<16x1x1xi32>
      %add3A_183 = arith.addi %scan3A_178, %shift_right_arithmetic3A_182 : vector<16x1x1xi32>
      %and3A_184 = arith.constant 1 : i32
      %and3A_185 = vector.broadcast %and3A_184 : i32 to vector<16x1x1xi32>
      %and3A_186 = arith.andi %sub3A_180, %and3A_185 : vector<16x1x1xi32>
      %add3A_187 = arith.addi %add3A_183, %and3A_186 : vector<16x1x1xi32>
      %ge3A = vector.broadcast %add3A_187 : vector<16x1x1xi32> to vector<16x256x128xi32>
      %ge3A_188 = arith.cmpi sge, %bitcast_convert_type3A_66, %ge3A : vector<16x256x128xi32>
      %convert_element_type3A_189 = arith.extui %ge3A_188 : vector<16x256x128xi1> to vector<16x256x128xi32>
      %reduce_sum3A_190 = arith.constant dense<0> : vector<16x256xi32>
      %reduce_sum3A_191 = vector.multi_reduction <add>, %convert_element_type3A_189, %reduce_sum3A_190 [2] : vector<16x256x128xi32> to vector<16x256xi32>
      %reduce_sum3A_192 = arith.constant dense<0> : vector<16xi32>
      %reduce_sum3A_193 = vector.multi_reduction <add>, %reduce_sum3A_191, %reduce_sum3A_192 [1] : vector<16x256xi32> to vector<16xi32>
      %broadcast_in_dim3A_194 = vector.shape_cast %reduce_sum3A_193 : vector<16xi32> to vector<16x1xi32>
      %broadcast_in_dim3A_195 = vector.shape_cast %broadcast_in_dim3A_194 : vector<16x1xi32> to vector<16x1x1xi32>
      %ge3A_196 = arith.cmpi sge, %broadcast_in_dim3A_195, %convert_element_type3A : vector<16x1x1xi32>
      %select_n3A_197 = arith.select %ge3A_196, %add3A_187, %scan3A_178 : vector<16x1x1xi1>, vector<16x1x1xi32>
      %sub3A_198 = arith.constant 1 : i32
      %sub3A_199 = vector.broadcast %sub3A_198 : i32 to vector<16x1x1xi32>
      %sub3A_200 = arith.subi %add3A_187, %sub3A_199 : vector<16x1x1xi32>
      %select_n3A_201 = arith.select %ge3A_196, %scan3A_179, %sub3A_200 : vector<16x1x1xi1>, vector<16x1x1xi32>
      scf.yield %select_n3A_197, %select_n3A_201 : vector<16x1x1xi32>, vector<16x1x1xi32>
    }
    %gt3A_76 = vector.broadcast %scan3A_75#0 : vector<16x1x1xi32> to vector<16x256x128xi32>
    %gt3A_77 = arith.cmpi sgt, %bitcast_convert_type3A_66, %gt3A_76 : vector<16x256x128xi32>
    %convert_element_type3A_78 = arith.extui %gt3A_77 : vector<16x256x128xi1> to vector<16x256x128xi32>
    %reduce_sum3A_79 = arith.constant dense<0> : vector<16x256xi32>
    %reduce_sum3A_80 = vector.multi_reduction <add>, %convert_element_type3A_78, %reduce_sum3A_79 [2] : vector<16x256x128xi32> to vector<16x256xi32>
    %reduce_sum3A_81 = arith.constant dense<0> : vector<16xi32>
    %reduce_sum3A_82 = vector.multi_reduction <add>, %reduce_sum3A_80, %reduce_sum3A_81 [1] : vector<16x256xi32> to vector<16xi32>
    %broadcast_in_dim3A_83 = vector.shape_cast %reduce_sum3A_82 : vector<16xi32> to vector<16x1xi32>
    %broadcast_in_dim3A_84 = vector.shape_cast %broadcast_in_dim3A_83 : vector<16x1xi32> to vector<16x1x1xi32>
    %eq3A_85 = vector.broadcast %scan3A_75#0 : vector<16x1x1xi32> to vector<16x256x128xi32>
    %eq3A_86 = arith.cmpi eq, %bitcast_convert_type3A_66, %eq3A_85 : vector<16x256x128xi32>
    %convert_element_type3A_87 = arith.extui %eq3A_86 : vector<16x256x128xi1> to vector<16x256x128xi32>
    %convert_element_type3A_88 = arith.sitofp %convert_element_type3A_87 : vector<16x256x128xi32> to vector<16x256x128xf32>
    %reduce_sum3A_89 = arith.constant dense<0.000000e+00> : vector<16x256xf32>
    %reduce_sum3A_90 = vector.multi_reduction <add>, %convert_element_type3A_88, %reduce_sum3A_89 [2] : vector<16x256x128xf32> to vector<16x256xf32>
    %dot_general3A_91 = arith.constant dense<0.000000e+00> : vector<16x256xf32>
    %dot_general3A_92 = tpu.matmul %reduce_sum3A_90, %convert_element_type3A_23, %dot_general3A_91 {dimension_numbers = #tpu.dot_dimension_numbers<[1], [0], [0], [1], [0, 0, 1, 1], [], []>, transpose_lhs_hint = false} : vector<16x256xf32>, vector<256x256xf32>, vector<16x256xf32> -> vector<16x256xf32>
    %dot_general3A_93 = arith.constant dense<0.000000e+00> : vector<16x256x128xf32>
    %dot_general3A_94 = tpu.matmul %convert_element_type3A_88, %convert_element_type3A_28, %dot_general3A_93 {dimension_numbers = #tpu.dot_dimension_numbers<[2], [0], [0, 1], [1], [0, 0, 0, 1, 1, 1], [], []>, transpose_lhs_hint = false} : vector<16x256x128xf32>, vector<128x128xf32>, vector<16x256x128xf32> -> vector<16x256x128xf32>
    %broadcast_in_dim3A_95 = vector.shape_cast %dot_general3A_92 : vector<16x256xf32> to vector<16x256x1xf32>
    %add3A_96 = vector.broadcast %broadcast_in_dim3A_95 : vector<16x256x1xf32> to vector<16x256x128xf32>
    %add3A_97 = arith.addf %add3A_96, %dot_general3A_94 : vector<16x256x128xf32>
    %sub3A_98 = arith.subi %convert_element_type3A, %broadcast_in_dim3A_84 : vector<16x1x1xi32>
    %convert_element_type3A_99 = arith.sitofp %sub3A_98 : vector<16x1x1xi32> to vector<16x1x1xf32>
    %lt3A_100 = vector.broadcast %convert_element_type3A_99 : vector<16x1x1xf32> to vector<16x256x128xf32>
    %lt3A_101 = arith.cmpf olt, %add3A_97, %lt3A_100 : vector<16x256x128xf32>
    %and3A_102 = arith.andi %eq3A_86, %lt3A_101 : vector<16x256x128xi1>
    %or3A_103 = arith.ori %gt3A_77, %and3A_102 : vector<16x256x128xi1>
    %convert_element_type3A_104 = arith.extui %or3A : vector<16x256x128xi1> to vector<16x256x128xi32>
    %convert_element_type3A_105 = arith.sitofp %convert_element_type3A_104 : vector<16x256x128xi32> to vector<16x256x128xf32>
    %swap3A = arith.constant 0 : index
    %swap3A_106 = arith.constant 0 : index
    %swap3A_107 = arith.constant 0 : index
    %swap3A_108 = vector.load %arg6[%swap3A, %swap3A_106, %swap3A_107] : memref<16x256x128xf32, #tpu.memory_space<vmem>>, vector<16x256x128xf32>
    tpu.vector_store %arg6[%swap3A, %swap3A_106, %swap3A_107], %convert_element_type3A_105 {strides = array<i32>} : memref<16x256x128xf32, #tpu.memory_space<vmem>>, vector<16x256x128xf32>,
    %convert_element_type3A_109 = arith.extui %or3A_103 : vector<16x256x128xi1> to vector<16x256x128xi32>
    %convert_element_type3A_110 = arith.sitofp %convert_element_type3A_109 : vector<16x256x128xi32> to vector<16x256x128xf32>
    %swap3A_111 = arith.constant 0 : index
    %swap3A_112 = arith.constant 0 : index
    %swap3A_113 = arith.constant 0 : index
    %swap3A_114 = vector.load %arg7[%swap3A_111, %swap3A_112, %swap3A_113] : memref<16x256x128xf32, #tpu.memory_space<vmem>>, vector<16x256x128xf32>
    tpu.vector_store %arg7[%swap3A_111, %swap3A_112, %swap3A_113], %convert_element_type3A_110 {strides = array<i32>} : memref<16x256x128xf32, #tpu.memory_space<vmem>>, vector<16x256x128xf32>,
    %or3A_115 = arith.ori %gt3A_4, %or3A : vector<16x256x128xi1>
    %jit3A_116 = arith.constant 0.000000e+00 : f32
    %broadcast_in_dim3A_117 = vector.broadcast %jit3A_116 : f32 to vector<16x256x128xf32>
    %select_n3A_118 = arith.select %or3A_115, %get3A_16, %broadcast_in_dim3A_117 : vector<16x256x128xi1>, vector<16x256x128xf32>
    %reduce_sum3A_119 = arith.constant dense<0.000000e+00> : vector<16x256xf32>
    %reduce_sum3A_120 = vector.multi_reduction <add>, %select_n3A_118, %reduce_sum3A_119 [2] : vector<16x256x128xf32> to vector<16x256xf32>
    %reduce_sum3A_121 = arith.constant dense<0.000000e+00> : vector<16xf32>
    %reduce_sum3A_122 = vector.multi_reduction <add>, %reduce_sum3A_120, %reduce_sum3A_121 [1] : vector<16x256xf32> to vector<16xf32>
    %broadcast_in_dim3A_123 = vector.shape_cast %reduce_sum3A_122 : vector<16xf32> to vector<16x1xf32>
    %broadcast_in_dim3A_124 = vector.shape_cast %broadcast_in_dim3A_123 : vector<16x1xf32> to vector<16x1x1xf32>
    %swap3A_125 = arith.constant 0 : index
    %swap3A_126 = arith.constant 0 : index
    %swap3A_127 = arith.constant 0 : index
    %swap3A_128 = vector.load %arg8[%swap3A_125, %swap3A_126, %swap3A_127] : memref<16x1x1xf32, #tpu.memory_space<vmem>>, vector<16x1x1xf32>
    tpu.vector_store %arg8[%swap3A_125, %swap3A_126, %swap3A_127], %broadcast_in_dim3A_124 {strides = array<i32>} : memref<16x1x1xf32, #tpu.memory_space<vmem>>, vector<16x1x1xf32>,
    %or3A_129 = arith.ori %gt3A_4, %or3A_103 : vector<16x256x128xi1>
    %jit3A_130 = arith.constant 0.000000e+00 : f32
    %broadcast_in_dim3A_131 = vector.broadcast %jit3A_130 : f32 to vector<16x256x128xf32>
    %select_n3A_132 = arith.select %or3A_129, %get3A_20, %broadcast_in_dim3A_131 : vector<16x256x128xi1>, vector<16x256x128xf32>
    %reduce_sum3A_133 = arith.constant dense<0.000000e+00> : vector<16x256xf32>
    %reduce_sum3A_134 = vector.multi_reduction <add>, %select_n3A_132, %reduce_sum3A_133 [2] : vector<16x256x128xf32> to vector<16x256xf32>
    %reduce_sum3A_135 = arith.constant dense<0.000000e+00> : vector<16xf32>
    %reduce_sum3A_136 = vector.multi_reduction <add>, %reduce_sum3A_134, %reduce_sum3A_135 [1] : vector<16x256xf32> to vector<16xf32>
    %broadcast_in_dim3A_137 = vector.shape_cast %reduce_sum3A_136 : vector<16xf32> to vector<16x1xf32>
    %broadcast_in_dim3A_138 = vector.shape_cast %broadcast_in_dim3A_137 : vector<16x1xf32> to vector<16x1x1xf32>
    %swap3A_139 = arith.constant 0 : index
    %swap3A_140 = arith.constant 0 : index
    %swap3A_141 = arith.constant 0 : index
    %swap3A_142 = vector.load %arg9[%swap3A_139, %swap3A_140, %swap3A_141] : memref<16x1x1xf32, #tpu.memory_space<vmem>>, vector<16x1x1xf32>
    tpu.vector_store %arg9[%swap3A_139, %swap3A_140, %swap3A_141], %broadcast_in_dim3A_138 {strides = array<i32>} : memref<16x1x1xf32, #tpu.memory_space<vmem>>, vector<16x1x1xf32>,
    %get3A_143 = arith.constant 0 : index
    %get3A_144 = arith.constant 0 : index
    %get3A_145 = arith.constant 0 : index
    %get3A_146 = vector.load %arg3[%get3A_143, %get3A_144, %get3A_145] : memref<16x256x128xf32, #tpu.memory_space<vmem>>, vector<16x256x128xf32>
    %jit3A_147 = arith.constant 0.000000e+00 : f32
    %broadcast_in_dim3A_148 = vector.broadcast %jit3A_147 : f32 to vector<16x256x128xf32>
    %select_n3A_149 = arith.select %or3A_103, %get3A_146, %broadcast_in_dim3A_148 : vector<16x256x128xi1>, vector<16x256x128xf32>
    %reduce_sum3A_150 = arith.constant dense<0.000000e+00> : vector<16x256xf32>
    %reduce_sum3A_151 = vector.multi_reduction <add>, %select_n3A_149, %reduce_sum3A_150 [2] : vector<16x256x128xf32> to vector<16x256xf32>
    %reduce_sum3A_152 = arith.constant dense<0.000000e+00> : vector<16xf32>
    %reduce_sum3A_153 = vector.multi_reduction <add>, %reduce_sum3A_151, %reduce_sum3A_152 [1] : vector<16x256xf32> to vector<16xf32>
    %broadcast_in_dim3A_154 = vector.shape_cast %reduce_sum3A_153 : vector<16xf32> to vector<16x1xf32>
    %broadcast_in_dim3A_155 = vector.shape_cast %broadcast_in_dim3A_154 : vector<16x1xf32> to vector<16x1x1xf32>
    %swap3A_156 = arith.constant 0 : index
    %swap3A_157 = arith.constant 0 : index
    %swap3A_158 = arith.constant 0 : index
    %swap3A_159 = vector.load %arg10[%swap3A_156, %swap3A_157, %swap3A_158] : memref<16x1x1xf32, #tpu.memory_space<vmem>>, vector<16x1x1xf32>
    tpu.vector_store %arg10[%swap3A_156, %swap3A_157, %swap3A_158], %broadcast_in_dim3A_155 {strides = array<i32>} : memref<16x1x1xf32, #tpu.memory_space<vmem>>, vector<16x1x1xf32>,
    %get3A_160 = arith.constant 0 : index
    %get3A_161 = arith.constant 0 : index
    %get3A_162 = arith.constant 0 : index
    %get3A_163 = vector.load %arg4[%get3A_160, %get3A_161, %get3A_162] : memref<16x256x128xf32, #tpu.memory_space<vmem>>, vector<16x256x128xf32>
    %jit3A_164 = arith.constant 0.000000e+00 : f32
    %broadcast_in_dim3A_165 = vector.broadcast %jit3A_164 : f32 to vector<16x256x128xf32>
    %select_n3A_166 = arith.select %gt3A_4, %get3A_163, %broadcast_in_dim3A_165 : vector<16x256x128xi1>, vector<16x256x128xf32>
    %reduce_sum3A_167 = arith.constant dense<0.000000e+00> : vector<16x256xf32>
    %reduce_sum3A_168 = vector.multi_reduction <add>, %select_n3A_166, %reduce_sum3A_167 [2] : vector<16x256x128xf32> to vector<16x256xf32>
    %reduce_sum3A_169 = arith.constant dense<0.000000e+00> : vector<16xf32>
    %reduce_sum3A_170 = vector.multi_reduction <add>, %reduce_sum3A_168, %reduce_sum3A_169 [1] : vector<16x256xf32> to vector<16xf32>
    %broadcast_in_dim3A_171 = vector.shape_cast %reduce_sum3A_170 : vector<16xf32> to vector<16x1xf32>
    %broadcast_in_dim3A_172 = vector.shape_cast %broadcast_in_dim3A_171 : vector<16x1xf32> to vector<16x1x1xf32>
    %swap3A_173 = arith.constant 0 : index
    %swap3A_174 = arith.constant 0 : index
    %swap3A_175 = arith.constant 0 : index
    %swap3A_176 = vector.load %arg11[%swap3A_173, %swap3A_174, %swap3A_175] : memref<16x1x1xf32, #tpu.memory_space<vmem>>, vector<16x1x1xf32>
    tpu.vector_store %arg11[%swap3A_173, %swap3A_174, %swap3A_175], %broadcast_in_dim3A_172 {strides = array<i32>} : memref<16x1x1xf32, #tpu.memory_space<vmem>>, vector<16x1x1xf32>,
    return
  }
}

</mosaic_0001>

<sc_bundles>
// kernel: kernel.6.cloned.1.call-start
scs
__scs_entry_jumppad:
0x0: {  	(pc) =	sbr.rel $0x88, $3  }
0x1: {  	(tag) =	ssettag $0x0;
	lr =	simm.s32 $0x1  }
0x2: {  	[smem:$0x3F9B] =	sst lr;
	_ =	strace $0xD0000000  }
0x3: {  	_ = 	snop  }
0x4: {  	_ = 	snop  }
0x5: {  	_ = 	snop  }
0x6: {  	_ = 	snop  }
0x7: {  	_ = 	snop  }
__scs_overlays_trampoline_lowered:
0x8: {  	[smem:$0x3FAA] =	sst s0  }
0x9: {  	[smem:$0x3FAB] =	sst s1  }
0xa: {  	[smem:$0x3FAC] =	sst s2  }
0xb: {  	[smem:$0x3FAD] =	sst s3  }
0xc: {  	[smem:$0x3FAE] =	sst s4  }
0xd: {  	[smem:$0x3FAF] =	sst s5  }
0xe: {  	[smem:$0x3FB0] =	sst s6  }
0xf: {  	[smem:$0x3FB1] =	sst s7  }
0x10: {  	[smem:$0x3FB2] =	sst s8  }
0x11: {  	[smem:$0x3FB3] =	sst s9;
	s0 =	simm.s32 @!p0 $0x0  }
0x12: {  	s1 =	sld [smem:$0x3F99];
	s0 =	simm.s32 @p0 $0x1  }
0x13: {  	[smem:$0x3FB4] =	sst s0;
	s0 =	simm.s32 @!p1 $0x0  }
0x14: {  	s2 =	sld [smem:$0x3F98];
	s0 =	simm.s32 @p1 $0x1  }
0x15: {  	[smem:$0x3FB5] =	sst s0;
	s0 =	simm.s32 @!p2 $0x0  }
0x16: {  	s3 =	sld [smem:$0x3FDB];
	s0 =	simm.s32 @p2 $0x1  }
0x17: {  	s4 =	simm.s32 $0x1BF5;
	[smem:$0x3FB7] =	sst s0  }
0x18: {  	s0 =	sld [smem:$0x3F9A];
	_ =	swait.ge [sflag:s4], $0x0  }
0x19: {  	s7 =	sld [smem:$0x3F9B]  }
0x1a: {  	s8 =	sadd.s32 $0xFFFFE003, lr  }
0x1b: {  	s9 =	sadd.s32 $0xFFFFFEF7, lr;
	s5 =	simm.s32 $0xFFFFFFFF;
	p2 =	slt.u32 s8, $0xFFFFF086  }
0x1c: {  	p1 =	slt.u32 s9, $0xF7A;
	s5 =	simm.s32 @!p2 $0x0  }
0x1d: {  	s5 =	simm.s32 @p1 $0x1;
	p0 =	seq.s32 s7, s2  }
0x1e: {  	s7 =	smul.u32 @!p0 $0xF7A, s2;
	p2 =	seq.s32 @!p0 s5, $0x0  }
0x1f: {  	s9 =	smul.u32 $0xF7A, s1;
	s8 =	simm.s32 @!p0 $0x1BF5;
	p2 =	por !p2, p0  }
0x20: {  	[sflag:s8] =	ssyncset.s32 @!p0 $0xFFFFF086;
	s6 =	sadd.s32 @!p0 s3, s7;
	s7 =	simm.s32 @!p0 $0x108  }
0x21: {  	s3 =	sadd.s32 s3, s9;
	s6 =	sadd.s32 @!p0 $0x88, s6;
	s7 =	simm.s32 @p2 $0x1082  }
0x22: {  	[simem:s7], [sflag:s8] =	dma.local @!p0 [hbm:s6], $0xF7A  }
0x23: {  	s9 =	sor.u32 $0xD0000000, s2;
	s6 =	simm.s32 $0x108;
	_ =	swait.ge @!p0 [sflag:s8], $0x0  }
0x24: {  	s3 =	sadd.s32 $0x88, s3;
	s6 =	simm.s32 @!p1 $0x1082;
	[sflag:s4] =	ssyncset.s32 $0xFFFFF086  }
0x25: {  	[simem:s6], [sflag:s4] =	dma.local [hbm:s3], $0xF7A  }
0x26: {  	[smem:$0x3F9B] =	sst s1;
	(tag) =	ssettag s2;
	_ =	strace s9  }
0x27: {  	s1 =	sld [smem:$0x3FAB]  }
0x28: {  	s2 =	sld [smem:$0x3FAC]  }
0x29: {  	s4 =	sld [smem:$0x3FAE]  }
0x2a: {  	p0 =	seq.s32 s5, $0x0;
	s5 =	sld [smem:$0x3FAF]  }
0x2b: {  	s6 =	sld [smem:$0x3FB0]  }
0x2c: {  	s7 =	sld [smem:$0x3FB1]  }
0x2d: {  	s3 =	simm.s32 $0x108;
	s8 =	sld [smem:$0x3FB2]  }
0x2e: {  	s3 =	simm.s32 @!p0 $0x1082;
	s9 =	sld [smem:$0x3FB3]  }
0x2f: {  	lr =	sadd.s32 s0, s3;
	s0 =	sld [smem:$0x3FAA]  }
0x30: {  	s3 =	sld [smem:$0x3FAD]  }
0x31: {  	[smem:$0x3FB6] =	sst s10  }
0x32: {  	s10 =	sld [smem:$0x3FB4];
	_ =	sdelay $0x3  }
0x33: {  	p0 =	seq.s32 s10, $0x1;
	s10 =	sld [smem:$0x3FB6];
	_ =	sdelay $0x3  }
0x34: {  	[smem:$0x3FB6] =	sst s10  }
0x35: {  	s10 =	sld [smem:$0x3FB5];
	_ =	sdelay $0x3  }
0x36: {  	p1 =	seq.s32 s10, $0x1;
	s10 =	sld [smem:$0x3FB6];
	_ =	sdelay $0x3  }
0x37: {  	[smem:$0x3FB6] =	sst s10  }
0x38: {  	s10 =	sld [smem:$0x3FB7]  }
0x39: {  	_ = 	snop;
	(pc) =	sbr.ind lr, $3  }
0x3a: {  	_ = 	snop  }
0x3b: {  	_ = 	snop  }
0x3c: {  	p2 =	seq.s32 s10, $0x1;
	s10 =	sld [smem:$0x3FB6]  }
0x3d: {  	_ =	shalt  }
0x3e: {  	_ =	shalt  }
0x3f: {  	_ =	shalt  }
0x40: {  	_ =	shalt  }
0x41: {  	_ =	shalt  }
0x42: {  	_ =	shalt  }
0x43: {  	_ =	shalt  }
0x44: {  	_ =	shalt  }
0x45: {  	_ =	shalt  }
0x46: {  	_ =	shalt  }
0x47: {  	_ =	shalt  }
0x48: {  	_ =	shalt  }
0x49: {  	_ =	shalt  }
0x4a: {  	_ =	shalt  }
0x4b: {  	_ =	shalt  }
0x4c: {  	_ =	shalt  }
0x4d: {  	_ =	shalt  }
0x4e: {  	_ =	shalt  }
0x4f: {  	_ =	shalt  }
0x50: {  	_ =	shalt  }
0x51: {  	_ =	shalt  }
0x52: {  	_ =	shalt  }
0x53: {  	_ =	shalt  }
0x54: {  	_ =	shalt  }
0x55: {  	_ =	shalt  }
0x56: {  	_ =	shalt  }
0x57: {  	_ =	shalt  }
0x58: {  	_ =	shalt  }
0x59: {  	_ =	shalt  }
0x5a: {  	_ =	shalt  }
0x5b: {  	_ =	shalt  }
0x5c: {  	_ =	shalt  }
0x5d: {  	_ =	shalt  }
0x5e: {  	_ =	shalt  }
0x5f: {  	_ =	shalt  }
0x60: {  	_ =	shalt  }
0x61: {  	_ =	shalt  }
0x62: {  	_ =	shalt  }
0x63: {  	_ =	shalt  }
0x64: {  	_ =	shalt  }
0x65: {  	_ =	shalt  }
0x66: {  	_ =	shalt  }
0x67: {  	_ =	shalt  }
0x68: {  	_ =	shalt  }
0x69: {  	_ =	shalt  }
0x6a: {  	_ =	shalt  }
0x6b: {  	_ =	shalt  }
0x6c: {  	_ =	shalt  }
0x6d: {  	_ =	shalt  }
0x6e: {  	_ =	shalt  }
0x6f: {  	_ =	shalt  }
0x70: {  	_ =	shalt  }
0x71: {  	_ =	shalt  }
0x72: {  	_ =	shalt  }
0x73: {  	_ =	shalt  }
0x74: {  	_ =	shalt  }
0x75: {  	_ =	shalt  }
0x76: {  	_ =	shalt  }
0x77: {  	_ =	shalt  }
0x78: {  	_ =	shalt  }
0x79: {  	_ =	shalt  }
0x7a: {  	_ =	shalt  }
0x7b: {  	_ =	shalt  }
0x7c: {  	_ =	shalt  }
0x7d: {  	_ =	shalt  }
0x7e: {  	_ =	shalt  }
0x7f: {  	_ =	shalt  }
0x80: {  	_ =	shalt  }
0x81: {  	_ =	shalt  }
0x82: {  	_ =	shalt  }
0x83: {  	_ =	shalt  }
0x84: {  	_ =	shalt  }
0x85: {  	_ =	shalt  }
0x86: {  	_ =	shalt  }
0x87: {  	_ =	shalt  }
.Lfunc_end0:
.L_simem_size_0:
called_computation_lowered:
.L_overlay_start_0:
0x88: {  	s2 =	sld [smem:$0x3FD9]  }
0x89: {  	s3 =	sld [smem:$0x3FFE];
	_ =	sdelay $0x1  }
0x8a: {  	s1 =	srdreg.scid  }
0x8b: {  	s0 =	sand.u32 $0x1, s1  }
0x8c: {  	s16 =	sshll.u32 s0, $0xA;
	s2 =	sadd.s32 s3, s2  }
0x8d: {  	s2 =	sadd.s32 s2, s16  }
0x8e: {  	[smem:$0x3FC2] =	sst s2  }
0x8f: {  	_ = 	snop  }
0x90: {  	(tm) =	ssettm $0x1  }
0x91: {  	s17 =	sld [smem:$0x3FFB];
	_ =	sdelay $0x3  }
0x92: {  	_ =	strace s17  }
0x93: {  	s2 =	sld [smem:$0x3FFC];
	_ =	sdelay $0x3  }
0x94: {  	_ =	strace s2  }
0x95: {  	s2 =	sld [smem:$0x3FFD];
	_ =	sdelay $0x3  }
0x96: {  	_ =	strace s2  }
0x97: {  	_ =	strace $0x8FFFFFFF  }
0x98: {  	s18 =	sld [smem:$0x3FDB];
	_ =	sdelay $0x1  }
0x99: {  	s19 =	simm.s32 $_scs_section_size  }
0x9a: {  	s4 =	simm.s32 $_size__tile_overlayer_lowered;
	s5 =	simm.s32 $_tile_overlayer_lowered  }
0x9b: {  	s22 =	simm.s32 $0x1BFF;
	s21 =	sshll.u32 s5, $0x1;
	s2 =	sadd.s32 s19, s18  }
0x9c: {  	s6 =	simm.s32 $0x0;
	s20 =	sshll.u32 s4, $0x1;
	s4 =	sadd.s32 s21, s2  }
0x9d: {  	[timem:s6], [sflag:s22] =	dma.local [hbm:s4], s20  }
0x9e: {  	_ =	swait.ge [sflag:s22], s20  }
0x9f: {  	s3 =	ssub.s32 $0x0, s20;
	[sflag:s22] =	ssyncset.done $0x0  }
0xa0: {  	[sflag:s22] =	ssyncadd.s32 s3;
	_ =	sdelay $0x1  }
0xa1: {  	s23 =	simm.s32 $0x1B8B  }
0xa2: {  	_ =	swait.ge [sflag:s23], $0x1  }
0xa3: {  	[sflag:s23] =	ssyncset.done $0x0  }
0xa4: {  	s25 =	simm.s32 $0x1B8E;
	s24 =	sld [smem:$0x3FFE];
	[sflag:s23] =	ssyncadd.s32 $0xFFFFFFFF  }
0xa5: {  	s26 =	simm.s32 $execute0_lowered;
	[smem:$0x3FD2] =	sst s25  }
0xa6: {  	s4 =	sshll.u32 s26, $0x1;
	_ =	strace $0x80000046;
	[dreg:$0x1] =	wrdreg $0xFFFFFFFF  }
0xa7: {  	s28 =	simm.s32 $_size_execute0_lowered;
	s2 =	sadd.s32 s2, s4;
	[dreg:$0x0] =	wrdreg $0x0  }
0xa8: {  	s4 =	sshll.u32 s28, $0x1;
	[dreg:$0x2] =	wrdreg s2  }
0xa9: {  	[dreg:$0x3] =	wrdreg s4  }
0xaa: {  	[dreg:$0x4] =	wrdreg $0xC0  }
0xab: {  	_ =	task [dreg:s6], $0x5FFFF  }
0xac: {  	[dreg:$0x1] =	wrdreg $0xFFFFFFFF  }
0xad: {  	[dreg:$0x0] =	wrdreg $0x60  }
0xae: {  	[dreg:$0x2] =	wrdreg s24  }
0xaf: {  	[dreg:$0x3] =	wrdreg $0x9  }
0xb0: {  	_ =	task.clear_ibuf [dreg:s6], $0x4FFFF;
	_ =	strace $0x90000046  }
0xb1: {  	s29 =	simm.s32 $0x9;
	_ =	strace $0x80000048  }
0xb2: {  	_ =	swait.ge [sflag:s29], $0x1  }
0xb3: {  	[sflag:s29] =	ssyncadd.s32 $0xFFFFFFFF  }
0xb4: {  	_ =	strace $0x90000048  }
0xb5: {  	_ =	sfence  }
0xb6: {  	s30 =	sld [smem:$0x0];
	_ =	sdelay $0x2  }
0xb7: {  	s31 =	sshll.u32 s1, $0xD;
	s1 =	sshrl.u32 s1, $0x2  }
0xb8: {  	s3 =	sand.u32 $0x4000, s31;
	s1 =	sadd.s32 s1, s30  }
0xb9: {  	s0 =	sor.u32 s3, s0;
	s1 =	sshll.u32 s1, $0x11  }
0xba: {  	s0 =	sor.u32 s1, s0  }
0xbb: {  	s0 =	sadd.s32 $0x8F2B, s0  }
0xbc: {  	[sflag:s0] =	ssyncadd.remote.s32 $0x1  }
0xbd: {  	_ =	sfence.sel $0xFFFF  }
0xbe: {  	[dreg:$0x0] =	wrdreg $0xFFFFFFFF;
	(pc) =	sbr.abs _section_cstart, $3  }
0xbf: {  	[dreg:$0x1] =	wrdreg $0xFFFFFFFF  }
0xc0: {  	_ =	task.clear_ibuf [dreg:s6], $0x2FFFF;
	_ =	strace $0x9FFFFFFF  }
0xc1: {  	(tm) =	ssettm $0x7FFFFFFF  }
tec
execute0_lowered:
.L_overlay_start_1:
0x0: {  	(tag) =	ssettag $0x1  }
0x1: {  	s5 =	rddreg [dreg:$0x0];
	s2 =	srdreg.scid  }
0x2: {  	s0 =	rddreg [dreg:$0x1];
	s1 =	stileid.u32;
	s9 =	simm.s32 $0x3  }
0x3: {  	s10 =	simm.s32 $0x4000;
	s11 =	simm.s32 $0x8000;
	s12 =	simm.s32 $0xC000  }
0x4: {  	s13 =	simm.s32 $0x1;
	s14 =	simm.s32 $0x10000;
	s15 =	simm.s32 $0x2  }
0x5: {  	s16 =	simm.s32 $0x0;
	s4 =	sand.u32 $0x1, s2;
	s2 =	simm.s32 $0x0  }
0x6: {  	s3 =	sshll.u32 s1, $0xF;
	s6 =	sshll.u32 s4, $0xE;
	s31 =	ssub.s32 $0x2, s4  }
0x7: {  	[smem:$0x7FF] =	sst s2;
	s3 =	sor.u32 s6, s3;
	s8 =	sshrl.u32 s31, $0x1  }
0x8: {  	s4 =	sadd.s32 $0x860A00, s5;
	s7 =	sshrl.u32 s3, $0x3;
	s8 =	ssub.s32 s31, s8  }
0x9: {  	v0 =	vlaneseq.u32;
	_ =	strace $0x80000047;
	s7 =	sadd.s32 s7, s5;
	s8 =	smax.u32 s8, $0x1  }
0xa: {  	v0 =	vmul.u32 $0x51, v0;
	s5 =	sadd.s32 $0xA00, s7;
	s6 =	sadd.s32 $0x30A00, s7;
	s7 =	sadd.s32 $0x40A00, s7  }
.LBB2_1:
0xb: {  	[tilespmem:s2], [sflag:$0x3] =	stream.linear.gather [hbm4b:s5+s2], $0x4000, $0x38;
	[tilespmem:$0x14000] =	vst v63  }
0xc: {  	v1 =	vmov s3;
	_ =	swait.ge [sflag:s9], $0x4000  }
0xd: {  	v1 =	vmul.u32 $0x51, v1;
	[sflag:s9] =	ssyncset.done $0x0  }
0xe: {  	s17 =	simm.s32 $0x0;
	[sflag:s9] =	ssyncadd.s32 $0xFFFFC000  }
0xf: {  	v2 =	vbroadcast v1, $0x0;
	v1 =	vld [tilespmem:s17+$0x0];
	_ =	sdelay $0x3  }
0x10: {  	s18 =	simm.s32 $0x40;
	s19 =	sadd.s32 $0x10, s3;
	v2 =	vadd.s32 v0, v2  }
.LBB2_2:
0x11: {  	v3 =	vmov s19;
	s20 =	sshra.s32 s18, $0x2;
	p0 =	sne.s32 s18, $0xFFC0;
	s18 =	sadd.s32 $0x40, s18;
	[tilespmem:s17+$0x4000] =	vst v2;
	v2 =	vadd.s32 v2, v1  }
.Ltmp0:
0x12: {  	v3 =	vmul.u32 $0x51, v3;
	v1 =	vld [tilespmem:s20+$0x0];
	[tilespmem:s17+$0x8000] =	vst v2;
	s17 =	smov.u32 s20;
	(pc) =	sbr.rel @p0 .LBB2_2-.Ltmp0, $3  }
0x13: {  	_ = 	snop  }
0x14: {  	v2 =	vbroadcast v3, $0x0;
	_ =	sdelay $0x1  }
0x15: {  	s19 =	sadd.s32 $0x10, s19;
	v2 =	vadd.s32 v0, v2  }
0x16: {  	[tilespmem:s17+$0x4000] =	vst v2;
	v1 =	vadd.s32 v2, v1  }
0x17: {  	[tilespmem:s17+$0x8000] =	vst v1  }
0x18: {  	[tilespmem:s12], [sflag:$0x1] =	stream.indirect.gather [hbm4b:s4+s10], $0x1, s11, s10, $0xb8;
	[tilespmem:$0x14000] =	vst v63  }
0x19: {  	_ =	swait.ge [sflag:s13], $0x4000  }
0x1a: {  	[sflag:s13] =	ssyncset.done $0x0  }
0x1b: {  	[sflag:s13] =	ssyncadd.s32 $0xFFFFC000  }
0x1c: {  	[tilespmem:s14], [sflag:$0x2] =	stream.indirect.gather [hbm4b:s4+s10], $0x1, s10, s10, $0xb8;
	[tilespmem:$0x14000] =	vst v63  }
0x1d: {  	_ =	swait.ge [sflag:s15], $0x4000  }
0x1e: {  	[sflag:s15] =	ssyncset.done $0x0  }
0x1f: {  	[sflag:s15] =	ssyncadd.s32 $0xFFFFC000  }
0x20: {  	[hbm4b:s6+s2] =	stream.linear.scatter [tilespmem:s12], [sflag:$0x3], $0x4000, $0x38;
	[tilespmem:$0x14000] =	vst v63  }
0x21: {  	s16 =	sadd.s32 $0x1, s16;
	_ =	swait.ge [sflag:s9], $0x4000  }
0x22: {  	p0 =	sne.s32 s16, s8;
	[sflag:s9] =	ssyncset.done $0x0  }
.Ltmp1:
0x23: {  	[sflag:s9] =	ssyncadd.s32 $0xFFFFC000;
	(pc) =	sbr.rel @p0 .LBB2_1-.Ltmp1, $4  }
0x24: {  	[hbm4b:s7+s2] =	stream.linear.scatter [tilespmem:s14], [sflag:$0x3], $0x4000, $0x38;
	[tilespmem:$0x14000] =	vst v63  }
0x25: {  	_ =	swait.ge [sflag:s9], $0x4000  }
0x26: {  	[sflag:s9] =	ssyncset.done $0x0  }
0x27: {  	[sflag:s9] =	ssyncadd.s32 $0xFFFFC000  }
0x28: {  	_ =	sfence.sel $0x180000  }
0x29: {  	[bflag:$0x0] =	sbarrier.arrive $0xFFFF  }
0x2a: {  	p0 =	sne.s32 s1, $0x0;
	_ =	strace $0x90000047  }
0x2b: {  	s0 =	sadd.s32 @!p0 $0x100000, s0;
	[bflag:$0x2] =	sbarrier.arrive $0xFFFF  }
0x2c: {  	[sflag:s0] =	ssyncadd.tile.s32 @!p0 $0x1;
	_ =	shalt  }
.Lfunc_end2:
_tile_overlayer_lowered:
.L_overlay_start_2:
0x2d: {  	(tag) =	ssettag $0x2  }
0x2e: {  	s0 =	rddreg [dreg:$0x0];
	s2 =	stileid.u32  }
0x2f: {  	s1 =	rddreg [dreg:$0x1];
	p0 =	sne.s32 s2, $0x0  }
0x30: {  	s3 =	rddreg [dreg:$0x2];
	[bflag:$0x3] =	sbarrier.arrive $0xFFFF;
	s2 =	simm.s32 @!p0 $0x1C03  }
0x31: {  	[timem:s3], [sflag:s2] =	dma.local @!p0 [hbm:s0], s1  }
0x32: {  	s0 =	simm.s32 @!p0 $0x3  }
0x33: {  	_ =	swait.ge @!p0 [sflag:s0], s1  }
0x34: {  	s1 =	ssub.s32 @!p0 $0x0, s1;
	[sflag:s0] =	ssyncset.done @!p0 $0x0  }
0x35: {  	[sflag:s0] =	ssyncadd.s32 @!p0 s1  }
0x36: {  	[bflag:$0x3] =	sbarrier.arrive $0xFFFF  }
0x37: {  	_ =	shalt  }

</sc_bundles>
